<compile_context>
chip_gen: v7x
topology: tpu7x:2x2x1
jax: 0.10.2.dev20260603
libtpu: 0.0.44.dev20260713+nightly
codegen_flags: <defaults>
</compile_context>

<pallas_src>
import functools

import jax
import jax.numpy as jnp
from jax import lax
from jax.experimental import pallas as pl
from jax.experimental.pallas import tpu as pltpu
from jax.experimental.pallas import tpu_sc as plsc

N = 10000
E = 320000
F_IN = 128
HID = 64
N_CLS = 2
NG = 64

NW = 32
EPT = E // NW
CH = 80
NCH = EPT // CH
NBUF = 5

_MESH = plsc.VectorSubcoreMesh(core_axis_name="c", subcore_axis_name="s")


@functools.partial(
    pl.kernel,
    mesh=_MESH,
    compiler_params=pltpu.CompilerParams(use_tc_tiling_on_sc=False),
    out_type=jax.ShapeDtypeStruct((2, N, HID), jnp.float32),
    scratch_types=[
        pltpu.VMEM((NCH, CH), jnp.int32),
        pltpu.VMEM((NCH, CH), jnp.int32),
        pltpu.VMEM((NBUF, CH, HID), jnp.float32),
        pltpu.VMEM_SHARED((N, HID), jnp.float32),
        [pltpu.SemaphoreType.DMA] * NBUF,
    ],
)
def _segsum_sc(table_hbm, src_hbm, dst_hbm, zeros_hbm, out_hbm,
               src_v, dst_v, rows_v, acc, sems):
    c = lax.axis_index("c")
    s = lax.axis_index("s")
    w = s * 2 + c

    def fire(k, b):
        pltpu.async_copy(table_hbm.at[src_v.at[k]], rows_v.at[b], sems[b])

    pltpu.sync_copy(src_hbm.at[w], src_v)
    for b in range(NBUF):
        fire(b, b)
    pltpu.sync_copy(dst_hbm.at[w], dst_v)

    @pl.when(s == 0)
    def _zero():
        pltpu.sync_copy(zeros_hbm, acc)

    plsc.subcore_barrier()

    def group(g, _):
        for b in range(NBUF):
            k = g * NBUF + b
            pltpu.make_async_copy(table_hbm.at[src_v.at[k]], rows_v.at[b],
                                  sems[b]).wait()
            pltpu.sync_copy(rows_v.at[b], acc.at[dst_v.at[k]], add=True)

            @pl.when(k + NBUF < NCH)
            def _refire():
                fire(k + NBUF, b)
        return 0

    lax.fori_loop(0, NCH // NBUF, group, 0)
    plsc.subcore_barrier()

    @pl.when(s == 0)
    def _flush():
        pltpu.sync_copy(acc, out_hbm.at[c])


def _matmul_tc(x, w):
    def body(x_ref, w_ref, o_ref):
        o_ref[...] = jnp.dot(x_ref[...], w_ref[...],
                             preferred_element_type=jnp.float32)
    return pl.pallas_call(
        body,
        out_shape=jax.ShapeDtypeStruct((N, HID), jnp.float32),
    )(x, w)


def _layer_tc(base, p, W1, b1, W2, b2, gamma, beta, first):
    def body(base_ref, p_ref, W1_ref, b1_ref, W2_ref, b2_ref, g_ref, be_ref,
             o_ref):
        agg = p_ref[0] + p_ref[1]
        if first:
            z = base_ref[...] + agg + b1_ref[...]
        else:
            z = jnp.dot(base_ref[...] + agg, W1_ref[...],
                        preferred_element_type=jnp.float32) + b1_ref[...]
        z = jnp.maximum(z, 0.0)
        z = jnp.dot(z, W2_ref[...], preferred_element_type=jnp.float32)
        z = z + b2_ref[...]
        mean = jnp.mean(z, axis=0, keepdims=True)
        zc = z - mean
        var = jnp.mean(zc * zc, axis=0, keepdims=True)
        z = zc * lax.rsqrt(var + 1e-5) * g_ref[...] + be_ref[...]
        o_ref[...] = jnp.maximum(z, 0.0)

    return pl.pallas_call(
        body,
        out_shape=jax.ShapeDtypeStruct((N, HID), jnp.float32),
    )(base, p, W1, b1, W2, b2, gamma, beta)


def _final_tc(r1, r2, p, batch2d, W1, b1, W2, b2, gamma, beta,
              Wj, bj, Wc1, bc1, Wc2, bc2):
    def body(r1_ref, r2_ref, p_ref, batch_ref, W1_ref, b1_ref, W2_ref,
             b2_ref, g_ref, be_ref, Wj_ref, bj_ref, Wc1_ref, bc1_ref,
             Wc2_ref, bc2_ref, o_ref):
        agg = p_ref[0] + p_ref[1]
        z = jnp.dot(r2_ref[...] + agg, W1_ref[...],
                    preferred_element_type=jnp.float32) + b1_ref[...]
        z = jnp.maximum(z, 0.0)
        z = jnp.dot(z, W2_ref[...], preferred_element_type=jnp.float32)
        z = z + b2_ref[...]
        mean = jnp.mean(z, axis=0, keepdims=True)
        zc = z - mean
        var = jnp.mean(zc * zc, axis=0, keepdims=True)
        z = zc * lax.rsqrt(var + 1e-5) * g_ref[...] + be_ref[...]
        r3 = jnp.maximum(z, 0.0)
        hj = (jnp.dot(r1_ref[...], Wj_ref[0:HID],
                      preferred_element_type=jnp.float32)
              + jnp.dot(r2_ref[...], Wj_ref[HID:2 * HID],
                        preferred_element_type=jnp.float32)
              + jnp.dot(r3, Wj_ref[2 * HID:3 * HID],
                        preferred_element_type=jnp.float32)
              + bj_ref[...])
        gid = lax.broadcasted_iota(jnp.int32, (NG, N), 0)
        onehot = (gid == batch_ref[...]).astype(jnp.float32)
        pooled = jnp.dot(onehot, hj, preferred_element_type=jnp.float32)
        cm = jnp.maximum(jnp.dot(pooled, Wc1_ref[...],
                                 preferred_element_type=jnp.float32)
                         + bc1_ref[...], 0.0)
        o_ref[...] = jnp.dot(cm, Wc2_ref[...],
                             preferred_element_type=jnp.float32) + bc2_ref[...]

    return pl.pallas_call(
        body,
        out_shape=jax.ShapeDtypeStruct((NG, N_CLS), jnp.float32),
    )(r1, r2, p, batch2d, W1, b1, W2, b2, gamma, beta,
      Wj, bj, Wc1, bc1, Wc2, bc2)


def kernel(x, edge_index, batch, params):
    src3 = edge_index[0].reshape(NW, NCH, CH)
    dst3 = edge_index[1].reshape(NW, NCH, CH)
    zeros = jnp.zeros((N, HID), jnp.float32)
    v = lambda name: params[name].reshape(1, -1)

    y = _matmul_tc(x, params['W1_0'])
    p = _segsum_sc(y, src3, dst3, zeros)
    r1 = _layer_tc(y, p, params['W2_0'], v('b1_0'), params['W2_0'],
                   v('b2_0'), v('gamma_0'), v('beta_0'), first=True)
    p = _segsum_sc(r1, src3, dst3, zeros)
    r2 = _layer_tc(r1, p, params['W1_1'], v('b1_1'), params['W2_1'],
                   v('b2_1'), v('gamma_1'), v('beta_1'), first=False)
    p = _segsum_sc(r2, src3, dst3, zeros)
    return _final_tc(r1, r2, p, batch.reshape(1, N), params['W1_2'],
                     v('b1_2'), params['W2_2'], v('b2_2'), v('gamma_2'),
                     v('beta_2'), params['Wj'], v('bj'), params['Wc1'],
                     v('bc1'), params['Wc2'], v('bc2'))

# --- scband reference (transcript-rebuilt; emitter-appended) ---
"""Pipeline reference for scband-ginnet-738734375044 (READ-ONLY COPY).

The authoritative reference and input builder live on the scoring server;
editing this copy changes nothing except your own understanding.
"""

import jax, jax.numpy as jnp
import numpy as np

N = 10000
E = 320000
F_IN = 128
HID = 64
NC = 2
L = 3
NG = 64

def _init_params(key):
    params = {}
    k = key
    dims = [(F_IN, HID)] + [(HID, HID)] * (L - 1)
    for i, (din, dout) in enumerate(dims):
        k, k1, k2 = jax.random.split(k, 3)
        params['W1_%d' % i] = jax.random.normal(k1, (din, HID), dtype=jnp.float32) * (1.0 / np.sqrt(din))
        params['b1_%d' % i] = jnp.zeros((HID,), dtype=jnp.float32)
        params['W2_%d' % i] = jax.random.normal(k2, (HID, HID), dtype=jnp.float32) * (1.0 / np.sqrt(HID))
        params['b2_%d' % i] = jnp.zeros((HID,), dtype=jnp.float32)
        params['gamma_%d' % i] = jnp.ones((HID,), dtype=jnp.float32)
        params['beta_%d' % i] = jnp.zeros((HID,), dtype=jnp.float32)
    k, kj, kc1, kc2 = jax.random.split(k, 4)
    params['Wj'] = jax.random.normal(kj, (L * HID, HID), dtype=jnp.float32) * (1.0 / np.sqrt(L * HID))
    params['bj'] = jnp.zeros((HID,), dtype=jnp.float32)
    params['Wc1'] = jax.random.normal(kc1, (HID, HID // 2), dtype=jnp.float32) * (1.0 / np.sqrt(HID))
    params['bc1'] = jnp.zeros((HID // 2,), dtype=jnp.float32)
    params['Wc2'] = jax.random.normal(kc2, (HID // 2, NC), dtype=jnp.float32) * (1.0 / np.sqrt(HID // 2))
    params['bc2'] = jnp.zeros((NC,), dtype=jnp.float32)
    return params

def setup_inputs(seed: int = 0):
    key = jax.random.key(seed)
    kx, ke, kb, kp = jax.random.split(key, 4)
    x = jax.random.normal(kx, (N, F_IN), dtype=jnp.float32)
    edge_index = jax.random.randint(ke, (2, E), 0, N, dtype=jnp.int32)
    batch = jnp.sort(jax.random.randint(kb, (N,), 0, NG, dtype=jnp.int32))
    params = _init_params(kp)
    return {'x': x, 'edge_index': edge_index, 'batch': batch, 'params': params}

def _forward(x, params, edge_index, batch):
    src = edge_index[0]
    dst = edge_index[1]
    h = x
    reps = []
    for i in range(L):
        # GINConv with eps=0: h' = MLP((1+eps)*h + sum_{j->i} h_j)
        agg = jax.ops.segment_sum(h[src], dst, num_segments=N)
        z = h + agg
        z = jnp.maximum(jnp.dot(z, params['W1_%d' % i]) + params['b1_%d' % i], 0.0)
        z = jnp.dot(z, params['W2_%d' % i]) + params['b2_%d' % i]
        # BatchNorm1d (batch statistics)
        mean = jnp.mean(z, axis=0)
        var = jnp.var(z, axis=0)
        z = (z - mean) / jnp.sqrt(var + 1e-5)
        z = z * params['gamma_%d' % i] + params['beta_%d' % i]
        h = jnp.maximum(z, 0.0)
        reps.append(h)
    hc = jnp.concatenate(reps, axis=-1)
    hj = jnp.dot(hc, params['Wj']) + params['bj']
    pooled = jax.ops.segment_sum(hj, batch, num_segments=NG)
    c = jnp.maximum(jnp.dot(pooled, params['Wc1']) + params['bc1'], 0.0)
    out = jnp.dot(c, params['Wc2']) + params['bc2']
    return out

def reference(x, edge_index, batch, params):
    return _forward(x, params, edge_index, batch)

if __name__ == "__main__":
    import jax
    _d = setup_inputs()
    print(jax.jit(kernel)(*tuple(_d.values())))

</pallas_src>

<mosaic_0001>
#map = affine_map<(d0, d1) -> (0, 0)>
#map1 = affine_map<(d0, d1) -> (0, 0, 0)>
module attributes {stable_mosaic.version = 14 : i64} {
  func.func @_segsum_sc(%arg0: i32, %arg1: i32, %arg2: memref<10000x64xf32, #tpu.memory_space<hbm>>, %arg3: memref<32x125x80xi32, #tpu.memory_space<hbm>>, %arg4: memref<32x125x80xi32, #tpu.memory_space<hbm>>, %arg5: memref<10000x64xf32, #tpu.memory_space<hbm>>, %arg6: memref<2x10000x64xf32, #tpu.memory_space<hbm>>, %arg7: memref<125x80xi32, #tpu.memory_space<vmem>>, %arg8: memref<125x80xi32, #tpu.memory_space<vmem>>, %arg9: memref<5x80x64xf32, #tpu.memory_space<vmem>>, %arg10: memref<10000x64xf32, #tpu.memory_space<vmem_shared>>, %arg11: memref<!tpu.dma_semaphore, #tpu.memory_space<semaphore_mem>>, %arg12: memref<!tpu.dma_semaphore, #tpu.memory_space<semaphore_mem>>, %arg13: memref<!tpu.dma_semaphore, #tpu.memory_space<semaphore_mem>>, %arg14: memref<!tpu.dma_semaphore, #tpu.memory_space<semaphore_mem>>, %arg15: memref<!tpu.dma_semaphore, #tpu.memory_space<semaphore_mem>>) attributes {dimension_semantics = [#tpu.dimension_semantics<core_parallel>, #tpu.dimension_semantics<subcore_parallel>], iteration_bounds = array<i64: 2, 16>, scalar_prefetch = 0 : i64, scratch_operands = 9 : i64, tpu.core_type = #tpu.core_type<sc_vector_subcore>, window_params = [{transform_indices = #map}, {transform_indices = #map1}, {transform_indices = #map1}, {transform_indices = #map}, {transform_indices = #map1}]} {
    %mul3A = arith.constant 2 : i32
    %mul3A_0 = arith.muli %arg1, %mul3A : i32
    %add3A = arith.addi %mul3A_0, %arg0 : i32
    "tpu.region"() ({
      %run_scoped3A = tpu.sem_alloc : memref<!tpu.dma_semaphore, #tpu.memory_space<semaphore_mem>>
      %dma_start3A_74 = arith.constant 0 : i32
      %dma_start3A_75 = arith.constant 0 : i32
      %dma_start3A_76 = tpu.memref_slice %arg3[%add3A, %dma_start3A_74, %dma_start3A_75] : memref<32x125x80xi32, #tpu.memory_space<hbm>> -> memref<1x125x80xi32, #tpu.memory_space<hbm>>
      %dma_start3A_77 = tpu.memref_squeeze %dma_start3A_76 : memref<1x125x80xi32, #tpu.memory_space<hbm>> -> memref<125x80xi32, #tpu.memory_space<hbm>>
      %dma_start3A_78 = arith.constant 0 : i32
      %dma_start3A_79 = arith.constant 0 : i32
      %dma_start3A_80 = tpu.memref_slice %arg3[%add3A, %dma_start3A_78, %dma_start3A_79] : memref<32x125x80xi32, #tpu.memory_space<hbm>> -> memref<1x125x80xi32, #tpu.memory_space<hbm>>
      %dma_start3A_81 = tpu.memref_squeeze %dma_start3A_80 : memref<1x125x80xi32, #tpu.memory_space<hbm>> -> memref<125x80xi32, #tpu.memory_space<hbm>>
      tpu.enqueue_dma source(%dma_start3A_81 : memref<125x80xi32, #tpu.memory_space<hbm>>) target(%arg7 : memref<125x80xi32, #tpu.memory_space<vmem>>) target_semaphore(%run_scoped3A : memref<!tpu.dma_semaphore, #tpu.memory_space<semaphore_mem>>)
      %dma_wait3A = arith.constant 0 : i32
      %dma_wait3A_82 = arith.constant 0 : i32
      %dma_wait3A_83 = tpu.memref_slice %arg3[%add3A, %dma_wait3A, %dma_wait3A_82] : memref<32x125x80xi32, #tpu.memory_space<hbm>> -> memref<1x125x80xi32, #tpu.memory_space<hbm>>
      %dma_wait3A_84 = tpu.memref_squeeze %dma_wait3A_83 : memref<1x125x80xi32, #tpu.memory_space<hbm>> -> memref<125x80xi32, #tpu.memory_space<hbm>>
      %dma_wait3A_85 = arith.constant 0 : i32
      %dma_wait3A_86 = arith.constant 0 : i32
      %dma_wait3A_87 = tpu.memref_slice %arg3[%add3A, %dma_wait3A_85, %dma_wait3A_86] : memref<32x125x80xi32, #tpu.memory_space<hbm>> -> memref<1x125x80xi32, #tpu.memory_space<hbm>>
      %dma_wait3A_88 = tpu.memref_squeeze %dma_wait3A_87 : memref<1x125x80xi32, #tpu.memory_space<hbm>> -> memref<125x80xi32, #tpu.memory_space<hbm>>
      tpu.wait_dma2 semaphore(%run_scoped3A : memref<!tpu.dma_semaphore, #tpu.memory_space<semaphore_mem>>) src(%dma_wait3A_88 : memref<125x80xi32, #tpu.memory_space<hbm>>) dst(%arg7 : memref<125x80xi32, #tpu.memory_space<vmem>>)
      tpu.yield
    }) : () -> ()
    %dma_start3A = arith.constant 0 : i32
    %dma_start3A_1 = arith.constant 0 : i32
    %dma_start3A_2 = arith.constant 0 : i32
    %dma_start3A_3 = arith.constant 0 : i32
    %dma_start3A_4 = tpu.memref_slice %arg9[%dma_start3A_1, %dma_start3A_2, %dma_start3A_3] : memref<5x80x64xf32, #tpu.memory_space<vmem>> -> memref<1x80x64xf32, #tpu.memory_space<vmem>>
    %dma_start3A_5 = tpu.memref_squeeze %dma_start3A_4 : memref<1x80x64xf32, #tpu.memory_space<vmem>> -> memref<80x64xf32, #tpu.memory_space<vmem>>
    %dma_start3A_6 = arith.constant 0 : i32
    %dma_start3A_7 = tpu.memref_slice %arg7[%dma_start3A, %dma_start3A_6] : memref<125x80xi32, #tpu.memory_space<vmem>> -> memref<1x80xi32, #tpu.memory_space<vmem>>
    %dma_start3A_8 = tpu.memref_squeeze %dma_start3A_7 : memref<1x80xi32, #tpu.memory_space<vmem>> -> memref<80xi32, #tpu.memory_space<vmem>>
    %dma_start3A_9 = arith.constant 0 : i32
    %dma_start3A_10 = arith.constant 0 : i32
    %dma_start3A_11 = tpu.memref_slice %arg2[%dma_start3A_9, %dma_start3A_10] : memref<10000x64xf32, #tpu.memory_space<hbm>> -> memref<10000x64xf32, #tpu.memory_space<hbm>>
    tpu.enqueue_indirect_dma source(%dma_start3A_11 : memref<10000x64xf32, #tpu.memory_space<hbm>>) target(%dma_start3A_5 : memref<80x64xf32, #tpu.memory_space<vmem>>) offsets(%dma_start3A_8 : memref<80xi32, #tpu.memory_space<vmem>>) semaphore(%arg11 : memref<!tpu.dma_semaphore, #tpu.memory_space<semaphore_mem>>)
    %dma_start3A_12 = arith.constant 1 : i32
    %dma_start3A_13 = arith.constant 1 : i32
    %dma_start3A_14 = arith.constant 0 : i32
    %dma_start3A_15 = arith.constant 0 : i32
    %dma_start3A_16 = tpu.memref_slice %arg9[%dma_start3A_13, %dma_start3A_14, %dma_start3A_15] : memref<5x80x64xf32, #tpu.memory_space<vmem>> -> memref<1x80x64xf32, #tpu.memory_space<vmem>>
    %dma_start3A_17 = tpu.memref_squeeze %dma_start3A_16 : memref<1x80x64xf32, #tpu.memory_space<vmem>> -> memref<80x64xf32, #tpu.memory_space<vmem>>
    %dma_start3A_18 = arith.constant 0 : i32
    %dma_start3A_19 = tpu.memref_slice %arg7[%dma_start3A_12, %dma_start3A_18] : memref<125x80xi32, #tpu.memory_space<vmem>> -> memref<1x80xi32, #tpu.memory_space<vmem>>
    %dma_start3A_20 = tpu.memref_squeeze %dma_start3A_19 : memref<1x80xi32, #tpu.memory_space<vmem>> -> memref<80xi32, #tpu.memory_space<vmem>>
    %dma_start3A_21 = arith.constant 0 : i32
    %dma_start3A_22 = arith.constant 0 : i32
    %dma_start3A_23 = tpu.memref_slice %arg2[%dma_start3A_21, %dma_start3A_22] : memref<10000x64xf32, #tpu.memory_space<hbm>> -> memref<10000x64xf32, #tpu.memory_space<hbm>>
    tpu.enqueue_indirect_dma source(%dma_start3A_23 : memref<10000x64xf32, #tpu.memory_space<hbm>>) target(%dma_start3A_17 : memref<80x64xf32, #tpu.memory_space<vmem>>) offsets(%dma_start3A_20 : memref<80xi32, #tpu.memory_space<vmem>>) semaphore(%arg12 : memref<!tpu.dma_semaphore, #tpu.memory_space<semaphore_mem>>)
    %dma_start3A_24 = arith.constant 2 : i32
    %dma_start3A_25 = arith.constant 2 : i32
    %dma_start3A_26 = arith.constant 0 : i32
    %dma_start3A_27 = arith.constant 0 : i32
    %dma_start3A_28 = tpu.memref_slice %arg9[%dma_start3A_25, %dma_start3A_26, %dma_start3A_27] : memref<5x80x64xf32, #tpu.memory_space<vmem>> -> memref<1x80x64xf32, #tpu.memory_space<vmem>>
    %dma_start3A_29 = tpu.memref_squeeze %dma_start3A_28 : memref<1x80x64xf32, #tpu.memory_space<vmem>> -> memref<80x64xf32, #tpu.memory_space<vmem>>
    %dma_start3A_30 = arith.constant 0 : i32
    %dma_start3A_31 = tpu.memref_slice %arg7[%dma_start3A_24, %dma_start3A_30] : memref<125x80xi32, #tpu.memory_space<vmem>> -> memref<1x80xi32, #tpu.memory_space<vmem>>
    %dma_start3A_32 = tpu.memref_squeeze %dma_start3A_31 : memref<1x80xi32, #tpu.memory_space<vmem>> -> memref<80xi32, #tpu.memory_space<vmem>>
    %dma_start3A_33 = arith.constant 0 : i32
    %dma_start3A_34 = arith.constant 0 : i32
    %dma_start3A_35 = tpu.memref_slice %arg2[%dma_start3A_33, %dma_start3A_34] : memref<10000x64xf32, #tpu.memory_space<hbm>> -> memref<10000x64xf32, #tpu.memory_space<hbm>>
    tpu.enqueue_indirect_dma source(%dma_start3A_35 : memref<10000x64xf32, #tpu.memory_space<hbm>>) target(%dma_start3A_29 : memref<80x64xf32, #tpu.memory_space<vmem>>) offsets(%dma_start3A_32 : memref<80xi32, #tpu.memory_space<vmem>>) semaphore(%arg13 : memref<!tpu.dma_semaphore, #tpu.memory_space<semaphore_mem>>)
    %dma_start3A_36 = arith.constant 3 : i32
    %dma_start3A_37 = arith.constant 3 : i32
    %dma_start3A_38 = arith.constant 0 : i32
    %dma_start3A_39 = arith.constant 0 : i32
    %dma_start3A_40 = tpu.memref_slice %arg9[%dma_start3A_37, %dma_start3A_38, %dma_start3A_39] : memref<5x80x64xf32, #tpu.memory_space<vmem>> -> memref<1x80x64xf32, #tpu.memory_space<vmem>>
    %dma_start3A_41 = tpu.memref_squeeze %dma_start3A_40 : memref<1x80x64xf32, #tpu.memory_space<vmem>> -> memref<80x64xf32, #tpu.memory_space<vmem>>
    %dma_start3A_42 = arith.constant 0 : i32
    %dma_start3A_43 = tpu.memref_slice %arg7[%dma_start3A_36, %dma_start3A_42] : memref<125x80xi32, #tpu.memory_space<vmem>> -> memref<1x80xi32, #tpu.memory_space<vmem>>
    %dma_start3A_44 = tpu.memref_squeeze %dma_start3A_43 : memref<1x80xi32, #tpu.memory_space<vmem>> -> memref<80xi32, #tpu.memory_space<vmem>>
    %dma_start3A_45 = arith.constant 0 : i32
    %dma_start3A_46 = arith.constant 0 : i32
    %dma_start3A_47 = tpu.memref_slice %arg2[%dma_start3A_45, %dma_start3A_46] : memref<10000x64xf32, #tpu.memory_space<hbm>> -> memref<10000x64xf32, #tpu.memory_space<hbm>>
    tpu.enqueue_indirect_dma source(%dma_start3A_47 : memref<10000x64xf32, #tpu.memory_space<hbm>>) target(%dma_start3A_41 : memref<80x64xf32, #tpu.memory_space<vmem>>) offsets(%dma_start3A_44 : memref<80xi32, #tpu.memory_space<vmem>>) semaphore(%arg14 : memref<!tpu.dma_semaphore, #tpu.memory_space<semaphore_mem>>)
    %dma_start3A_48 = arith.constant 4 : i32
    %dma_start3A_49 = arith.constant 4 : i32
    %dma_start3A_50 = arith.constant 0 : i32
    %dma_start3A_51 = arith.constant 0 : i32
    %dma_start3A_52 = tpu.memref_slice %arg9[%dma_start3A_49, %dma_start3A_50, %dma_start3A_51] : memref<5x80x64xf32, #tpu.memory_space<vmem>> -> memref<1x80x64xf32, #tpu.memory_space<vmem>>
    %dma_start3A_53 = tpu.memref_squeeze %dma_start3A_52 : memref<1x80x64xf32, #tpu.memory_space<vmem>> -> memref<80x64xf32, #tpu.memory_space<vmem>>
    %dma_start3A_54 = arith.constant 0 : i32
    %dma_start3A_55 = tpu.memref_slice %arg7[%dma_start3A_48, %dma_start3A_54] : memref<125x80xi32, #tpu.memory_space<vmem>> -> memref<1x80xi32, #tpu.memory_space<vmem>>
    %dma_start3A_56 = tpu.memref_squeeze %dma_start3A_55 : memref<1x80xi32, #tpu.memory_space<vmem>> -> memref<80xi32, #tpu.memory_space<vmem>>
    %dma_start3A_57 = arith.constant 0 : i32
    %dma_start3A_58 = arith.constant 0 : i32
    %dma_start3A_59 = tpu.memref_slice %arg2[%dma_start3A_57, %dma_start3A_58] : memref<10000x64xf32, #tpu.memory_space<hbm>> -> memref<10000x64xf32, #tpu.memory_space<hbm>>
    tpu.enqueue_indirect_dma source(%dma_start3A_59 : memref<10000x64xf32, #tpu.memory_space<hbm>>) target(%dma_start3A_53 : memref<80x64xf32, #tpu.memory_space<vmem>>) offsets(%dma_start3A_56 : memref<80xi32, #tpu.memory_space<vmem>>) semaphore(%arg15 : memref<!tpu.dma_semaphore, #tpu.memory_space<semaphore_mem>>)
    "tpu.region"() ({
      %run_scoped3A = tpu.sem_alloc : memref<!tpu.dma_semaphore, #tpu.memory_space<semaphore_mem>>
      %dma_start3A_74 = arith.constant 0 : i32
      %dma_start3A_75 = arith.constant 0 : i32
      %dma_start3A_76 = tpu.memref_slice %arg4[%add3A, %dma_start3A_74, %dma_start3A_75] : memref<32x125x80xi32, #tpu.memory_space<hbm>> -> memref<1x125x80xi32, #tpu.memory_space<hbm>>
      %dma_start3A_77 = tpu.memref_squeeze %dma_start3A_76 : memref<1x125x80xi32, #tpu.memory_space<hbm>> -> memref<125x80xi32, #tpu.memory_space<hbm>>
      %dma_start3A_78 = arith.constant 0 : i32
      %dma_start3A_79 = arith.constant 0 : i32
      %dma_start3A_80 = tpu.memref_slice %arg4[%add3A, %dma_start3A_78, %dma_start3A_79] : memref<32x125x80xi32, #tpu.memory_space<hbm>> -> memref<1x125x80xi32, #tpu.memory_space<hbm>>
      %dma_start3A_81 = tpu.memref_squeeze %dma_start3A_80 : memref<1x125x80xi32, #tpu.memory_space<hbm>> -> memref<125x80xi32, #tpu.memory_space<hbm>>
      tpu.enqueue_dma source(%dma_start3A_81 : memref<125x80xi32, #tpu.memory_space<hbm>>) target(%arg8 : memref<125x80xi32, #tpu.memory_space<vmem>>) target_semaphore(%run_scoped3A : memref<!tpu.dma_semaphore, #tpu.memory_space<semaphore_mem>>)
      %dma_wait3A = arith.constant 0 : i32
      %dma_wait3A_82 = arith.constant 0 : i32
      %dma_wait3A_83 = tpu.memref_slice %arg4[%add3A, %dma_wait3A, %dma_wait3A_82] : memref<32x125x80xi32, #tpu.memory_space<hbm>> -> memref<1x125x80xi32, #tpu.memory_space<hbm>>
      %dma_wait3A_84 = tpu.memref_squeeze %dma_wait3A_83 : memref<1x125x80xi32, #tpu.memory_space<hbm>> -> memref<125x80xi32, #tpu.memory_space<hbm>>
      %dma_wait3A_85 = arith.constant 0 : i32
      %dma_wait3A_86 = arith.constant 0 : i32
      %dma_wait3A_87 = tpu.memref_slice %arg4[%add3A, %dma_wait3A_85, %dma_wait3A_86] : memref<32x125x80xi32, #tpu.memory_space<hbm>> -> memref<1x125x80xi32, #tpu.memory_space<hbm>>
      %dma_wait3A_88 = tpu.memref_squeeze %dma_wait3A_87 : memref<1x125x80xi32, #tpu.memory_space<hbm>> -> memref<125x80xi32, #tpu.memory_space<hbm>>
      tpu.wait_dma2 semaphore(%run_scoped3A : memref<!tpu.dma_semaphore, #tpu.memory_space<semaphore_mem>>) src(%dma_wait3A_88 : memref<125x80xi32, #tpu.memory_space<hbm>>) dst(%arg8 : memref<125x80xi32, #tpu.memory_space<vmem>>)
      tpu.yield
    }) : () -> ()
    %eq3A = arith.constant 0 : i32
    %eq3A_60 = arith.cmpi eq, %arg1, %eq3A : i32
    %convert_element_type3A = arith.extui %eq3A_60 : i1 to i32
    %cond3A = arith.constant 0 : i32
    %cond3A_61 = arith.cmpi ne, %convert_element_type3A, %cond3A : i32
    scf.if %cond3A_61 {
      "tpu.region"() ({
        %run_scoped3A = tpu.sem_alloc : memref<!tpu.dma_semaphore, #tpu.memory_space<semaphore_mem>>
        tpu.enqueue_dma source(%arg5 : memref<10000x64xf32, #tpu.memory_space<hbm>>) target(%arg10 : memref<10000x64xf32, #tpu.memory_space<vmem_shared>>) target_semaphore(%run_scoped3A : memref<!tpu.dma_semaphore, #tpu.memory_space<semaphore_mem>>)
        tpu.wait_dma2 semaphore(%run_scoped3A : memref<!tpu.dma_semaphore, #tpu.memory_space<semaphore_mem>>) src(%arg5 : memref<10000x64xf32, #tpu.memory_space<hbm>>) dst(%arg10 : memref<10000x64xf32, #tpu.memory_space<vmem_shared>>)
        tpu.yield
      }) : () -> ()
    } else {
    }
    %barrier3A = arith.constant 0 : index
    tpu.barrier barrier_id(%barrier3A)
    %scan3A = arith.constant 0 : i32
    %scan3A_62 = arith.constant 0 : i32
    %scan3A_63 = arith.constant 25 : i32
    %scan3A_64 = arith.addi %scan3A_62, %scan3A_63 : i32
    %scan3A_65 = arith.constant 1 : i32
    %scan3A_66 = scf.for %scan3A_74 = %scan3A_62 to %scan3A_64 step %scan3A_65 iter_args(%scan3A_75 = %scan3A) -> (i32)  : i32 {
      %mul3A_76 = arith.constant 5 : i32
      %mul3A_77 = arith.muli %scan3A_74, %mul3A_76 : i32
      %add3A_78 = arith.constant 0 : i32
      %add3A_79 = arith.addi %mul3A_77, %add3A_78 : i32
      %dma_wait3A = arith.constant 0 : i32
      %dma_wait3A_80 = arith.constant 0 : i32
      %dma_wait3A_81 = arith.constant 0 : i32
      %dma_wait3A_82 = tpu.memref_slice %arg9[%dma_wait3A, %dma_wait3A_80, %dma_wait3A_81] : memref<5x80x64xf32, #tpu.memory_space<vmem>> -> memref<1x80x64xf32, #tpu.memory_space<vmem>>
      %dma_wait3A_83 = tpu.memref_squeeze %dma_wait3A_82 : memref<1x80x64xf32, #tpu.memory_space<vmem>> -> memref<80x64xf32, #tpu.memory_space<vmem>>
      %dma_wait3A_84 = arith.constant 0 : i32
      %dma_wait3A_85 = tpu.memref_slice %arg7[%add3A_79, %dma_wait3A_84] : memref<125x80xi32, #tpu.memory_space<vmem>> -> memref<1x80xi32, #tpu.memory_space<vmem>>
      %dma_wait3A_86 = tpu.memref_squeeze %dma_wait3A_85 : memref<1x80xi32, #tpu.memory_space<vmem>> -> memref<80xi32, #tpu.memory_space<vmem>>
      %dma_wait3A_87 = arith.constant 0 : i32
      %dma_wait3A_88 = arith.constant 0 : i32
      %dma_wait3A_89 = tpu.memref_slice %arg2[%dma_wait3A_87, %dma_wait3A_88] : memref<10000x64xf32, #tpu.memory_space<hbm>> -> memref<10000x64xf32, #tpu.memory_space<hbm>>
      tpu.wait_indirect_dma semaphore(%arg11 : memref<!tpu.dma_semaphore, #tpu.memory_space<semaphore_mem>>) src(%dma_wait3A_89 : memref<10000x64xf32, #tpu.memory_space<hbm>>) dst(%dma_wait3A_83 : memref<80x64xf32, #tpu.memory_space<vmem>>)
      %run_scoped3A = arith.constant 0 : i32
      "tpu.region"() ({
        %run_scoped3A_189 = tpu.sem_alloc : memref<!tpu.dma_semaphore, #tpu.memory_space<semaphore_mem>>
        %dma_start3A_190 = arith.constant 0 : i32
        %dma_start3A_191 = arith.constant 0 : i32
        %dma_start3A_192 = tpu.memref_slice %arg9[%run_scoped3A, %dma_start3A_190, %dma_start3A_191] : memref<5x80x64xf32, #tpu.memory_space<vmem>> -> memref<1x80x64xf32, #tpu.memory_space<vmem>>
        %dma_start3A_193 = tpu.memref_squeeze %dma_start3A_192 : memref<1x80x64xf32, #tpu.memory_space<vmem>> -> memref<80x64xf32, #tpu.memory_space<vmem>>
        %dma_start3A_194 = arith.constant 0 : i32
        %dma_start3A_195 = tpu.memref_slice %arg8[%add3A_79, %dma_start3A_194] : memref<125x80xi32, #tpu.memory_space<vmem>> -> memref<1x80xi32, #tpu.memory_space<vmem>>
        %dma_start3A_196 = tpu.memref_squeeze %dma_start3A_195 : memref<1x80xi32, #tpu.memory_space<vmem>> -> memref<80xi32, #tpu.memory_space<vmem>>
        %dma_start3A_197 = arith.constant 0 : i32
        %dma_start3A_198 = arith.constant 0 : i32
        %dma_start3A_199 = tpu.memref_slice %arg10[%dma_start3A_197, %dma_start3A_198] : memref<10000x64xf32, #tpu.memory_space<vmem_shared>> -> memref<10000x64xf32, #tpu.memory_space<vmem_shared>>
        tpu.enqueue_indirect_dma source(%dma_start3A_193 : memref<80x64xf32, #tpu.memory_space<vmem>>) target(%dma_start3A_199 : memref<10000x64xf32, #tpu.memory_space<vmem_shared>>) offsets(%dma_start3A_196 : memref<80xi32, #tpu.memory_space<vmem>>) semaphore(%run_scoped3A_189 : memref<!tpu.dma_semaphore, #tpu.memory_space<semaphore_mem>>) {add = true}
        %dma_wait3A_200 = arith.constant 0 : i32
        %dma_wait3A_201 = arith.constant 0 : i32
        %dma_wait3A_202 = tpu.memref_slice %arg9[%run_scoped3A, %dma_wait3A_200, %dma_wait3A_201] : memref<5x80x64xf32, #tpu.memory_space<vmem>> -> memref<1x80x64xf32, #tpu.memory_space<vmem>>
        %dma_wait3A_203 = tpu.memref_squeeze %dma_wait3A_202 : memref<1x80x64xf32, #tpu.memory_space<vmem>> -> memref<80x64xf32, #tpu.memory_space<vmem>>
        %dma_wait3A_204 = arith.constant 0 : i32
        %dma_wait3A_205 = tpu.memref_slice %arg8[%add3A_79, %dma_wait3A_204] : memref<125x80xi32, #tpu.memory_space<vmem>> -> memref<1x80xi32, #tpu.memory_space<vmem>>
        %dma_wait3A_206 = tpu.memref_squeeze %dma_wait3A_205 : memref<1x80xi32, #tpu.memory_space<vmem>> -> memref<80xi32, #tpu.memory_space<vmem>>
        %dma_wait3A_207 = arith.constant 0 : i32
        %dma_wait3A_208 = arith.constant 0 : i32
        %dma_wait3A_209 = tpu.memref_slice %arg10[%dma_wait3A_207, %dma_wait3A_208] : memref<10000x64xf32, #tpu.memory_space<vmem_shared>> -> memref<10000x64xf32, #tpu.memory_space<vmem_shared>>
        tpu.wait_indirect_dma semaphore(%run_scoped3A_189 : memref<!tpu.dma_semaphore, #tpu.memory_space<semaphore_mem>>) src(%dma_wait3A_203 : memref<80x64xf32, #tpu.memory_space<vmem>>) dst(%dma_wait3A_209 : memref<10000x64xf32, #tpu.memory_space<vmem_shared>>)
        tpu.yield
      }) : () -> ()
      %add3A_90 = arith.constant 5 : i32
      %add3A_91 = arith.addi %add3A_79, %add3A_90 : i32
      %lt3A = arith.constant 125 : i32
      %lt3A_92 = arith.cmpi slt, %add3A_91, %lt3A : i32
      %convert_element_type3A_93 = arith.extui %lt3A_92 : i1 to i32
      %cond3A_94 = arith.constant 0 : i32
      %cond3A_95 = arith.cmpi ne, %convert_element_type3A_93, %cond3A_94 : i32
      scf.if %cond3A_95 {
        %add3A_189 = arith.constant 5 : i32
        %add3A_190 = arith.addi %add3A_79, %add3A_189 : i32
        %dma_start3A_191 = arith.constant 0 : i32
        %dma_start3A_192 = arith.constant 0 : i32
        %dma_start3A_193 = arith.constant 0 : i32
        %dma_start3A_194 = tpu.memref_slice %arg9[%dma_start3A_191, %dma_start3A_192, %dma_start3A_193] : memref<5x80x64xf32, #tpu.memory_space<vmem>> -> memref<1x80x64xf32, #tpu.memory_space<vmem>>
        %dma_start3A_195 = tpu.memref_squeeze %dma_start3A_194 : memref<1x80x64xf32, #tpu.memory_space<vmem>> -> memref<80x64xf32, #tpu.memory_space<vmem>>
        %dma_start3A_196 = arith.constant 0 : i32
        %dma_start3A_197 = tpu.memref_slice %arg7[%add3A_190, %dma_start3A_196] : memref<125x80xi32, #tpu.memory_space<vmem>> -> memref<1x80xi32, #tpu.memory_space<vmem>>
        %dma_start3A_198 = tpu.memref_squeeze %dma_start3A_197 : memref<1x80xi32, #tpu.memory_space<vmem>> -> memref<80xi32, #tpu.memory_space<vmem>>
        %dma_start3A_199 = arith.constant 0 : i32
        %dma_start3A_200 = arith.constant 0 : i32
        %dma_start3A_201 = tpu.memref_slice %arg2[%dma_start3A_199, %dma_start3A_200] : memref<10000x64xf32, #tpu.memory_space<hbm>> -> memref<10000x64xf32, #tpu.memory_space<hbm>>
        tpu.enqueue_indirect_dma source(%dma_start3A_201 : memref<10000x64xf32, #tpu.memory_space<hbm>>) target(%dma_start3A_195 : memref<80x64xf32, #tpu.memory_space<vmem>>) offsets(%dma_start3A_198 : memref<80xi32, #tpu.memory_space<vmem>>) semaphore(%arg11 : memref<!tpu.dma_semaphore, #tpu.memory_space<semaphore_mem>>)
      } else {
      }
      %mul3A_96 = arith.constant 5 : i32
      %mul3A_97 = arith.muli %scan3A_74, %mul3A_96 : i32
      %add3A_98 = arith.constant 1 : i32
      %add3A_99 = arith.addi %mul3A_97, %add3A_98 : i32
      %dma_wait3A_100 = arith.constant 1 : i32
      %dma_wait3A_101 = arith.constant 0 : i32
      %dma_wait3A_102 = arith.constant 0 : i32
      %dma_wait3A_103 = tpu.memref_slice %arg9[%dma_wait3A_100, %dma_wait3A_101, %dma_wait3A_102] : memref<5x80x64xf32, #tpu.memory_space<vmem>> -> memref<1x80x64xf32, #tpu.memory_space<vmem>>
      %dma_wait3A_104 = tpu.memref_squeeze %dma_wait3A_103 : memref<1x80x64xf32, #tpu.memory_space<vmem>> -> memref<80x64xf32, #tpu.memory_space<vmem>>
      %dma_wait3A_105 = arith.constant 0 : i32
      %dma_wait3A_106 = tpu.memref_slice %arg7[%add3A_99, %dma_wait3A_105] : memref<125x80xi32, #tpu.memory_space<vmem>> -> memref<1x80xi32, #tpu.memory_space<vmem>>
      %dma_wait3A_107 = tpu.memref_squeeze %dma_wait3A_106 : memref<1x80xi32, #tpu.memory_space<vmem>> -> memref<80xi32, #tpu.memory_space<vmem>>
      %dma_wait3A_108 = arith.constant 0 : i32
      %dma_wait3A_109 = arith.constant 0 : i32
      %dma_wait3A_110 = tpu.memref_slice %arg2[%dma_wait3A_108, %dma_wait3A_109] : memref<10000x64xf32, #tpu.memory_space<hbm>> -> memref<10000x64xf32, #tpu.memory_space<hbm>>
      tpu.wait_indirect_dma semaphore(%arg12 : memref<!tpu.dma_semaphore, #tpu.memory_space<semaphore_mem>>) src(%dma_wait3A_110 : memref<10000x64xf32, #tpu.memory_space<hbm>>) dst(%dma_wait3A_104 : memref<80x64xf32, #tpu.memory_space<vmem>>)
      %run_scoped3A_111 = arith.constant 1 : i32
      "tpu.region"() ({
        %run_scoped3A_189 = tpu.sem_alloc : memref<!tpu.dma_semaphore, #tpu.memory_space<semaphore_mem>>
        %dma_start3A_190 = arith.constant 0 : i32
        %dma_start3A_191 = arith.constant 0 : i32
        %dma_start3A_192 = tpu.memref_slice %arg9[%run_scoped3A_111, %dma_start3A_190, %dma_start3A_191] : memref<5x80x64xf32, #tpu.memory_space<vmem>> -> memref<1x80x64xf32, #tpu.memory_space<vmem>>
        %dma_start3A_193 = tpu.memref_squeeze %dma_start3A_192 : memref<1x80x64xf32, #tpu.memory_space<vmem>> -> memref<80x64xf32, #tpu.memory_space<vmem>>
        %dma_start3A_194 = arith.constant 0 : i32
        %dma_start3A_195 = tpu.memref_slice %arg8[%add3A_99, %dma_start3A_194] : memref<125x80xi32, #tpu.memory_space<vmem>> -> memref<1x80xi32, #tpu.memory_space<vmem>>
        %dma_start3A_196 = tpu.memref_squeeze %dma_start3A_195 : memref<1x80xi32, #tpu.memory_space<vmem>> -> memref<80xi32, #tpu.memory_space<vmem>>
        %dma_start3A_197 = arith.constant 0 : i32
        %dma_start3A_198 = arith.constant 0 : i32
        %dma_start3A_199 = tpu.memref_slice %arg10[%dma_start3A_197, %dma_start3A_198] : memref<10000x64xf32, #tpu.memory_space<vmem_shared>> -> memref<10000x64xf32, #tpu.memory_space<vmem_shared>>
        tpu.enqueue_indirect_dma source(%dma_start3A_193 : memref<80x64xf32, #tpu.memory_space<vmem>>) target(%dma_start3A_199 : memref<10000x64xf32, #tpu.memory_space<vmem_shared>>) offsets(%dma_start3A_196 : memref<80xi32, #tpu.memory_space<vmem>>) semaphore(%run_scoped3A_189 : memref<!tpu.dma_semaphore, #tpu.memory_space<semaphore_mem>>) {add = true}
        %dma_wait3A_200 = arith.constant 0 : i32
        %dma_wait3A_201 = arith.constant 0 : i32
        %dma_wait3A_202 = tpu.memref_slice %arg9[%run_scoped3A_111, %dma_wait3A_200, %dma_wait3A_201] : memref<5x80x64xf32, #tpu.memory_space<vmem>> -> memref<1x80x64xf32, #tpu.memory_space<vmem>>
        %dma_wait3A_203 = tpu.memref_squeeze %dma_wait3A_202 : memref<1x80x64xf32, #tpu.memory_space<vmem>> -> memref<80x64xf32, #tpu.memory_space<vmem>>
        %dma_wait3A_204 = arith.constant 0 : i32
        %dma_wait3A_205 = tpu.memref_slice %arg8[%add3A_99, %dma_wait3A_204] : memref<125x80xi32, #tpu.memory_space<vmem>> -> memref<1x80xi32, #tpu.memory_space<vmem>>
        %dma_wait3A_206 = tpu.memref_squeeze %dma_wait3A_205 : memref<1x80xi32, #tpu.memory_space<vmem>> -> memref<80xi32, #tpu.memory_space<vmem>>
        %dma_wait3A_207 = arith.constant 0 : i32
        %dma_wait3A_208 = arith.constant 0 : i32
        %dma_wait3A_209 = tpu.memref_slice %arg10[%dma_wait3A_207, %dma_wait3A_208] : memref<10000x64xf32, #tpu.memory_space<vmem_shared>> -> memref<10000x64xf32, #tpu.memory_space<vmem_shared>>
        tpu.wait_indirect_dma semaphore(%run_scoped3A_189 : memref<!tpu.dma_semaphore, #tpu.memory_space<semaphore_mem>>) src(%dma_wait3A_203 : memref<80x64xf32, #tpu.memory_space<vmem>>) dst(%dma_wait3A_209 : memref<10000x64xf32, #tpu.memory_space<vmem_shared>>)
        tpu.yield
      }) : () -> ()
      %add3A_112 = arith.constant 5 : i32
      %add3A_113 = arith.addi %add3A_99, %add3A_112 : i32
      %lt3A_114 = arith.constant 125 : i32
      %lt3A_115 = arith.cmpi slt, %add3A_113, %lt3A_114 : i32
      %convert_element_type3A_116 = arith.extui %lt3A_115 : i1 to i32
      %cond3A_117 = arith.constant 0 : i32
      %cond3A_118 = arith.cmpi ne, %convert_element_type3A_116, %cond3A_117 : i32
      scf.if %cond3A_118 {
        %add3A_189 = arith.constant 5 : i32
        %add3A_190 = arith.addi %add3A_99, %add3A_189 : i32
        %dma_start3A_191 = arith.constant 1 : i32
        %dma_start3A_192 = arith.constant 0 : i32
        %dma_start3A_193 = arith.constant 0 : i32
        %dma_start3A_194 = tpu.memref_slice %arg9[%dma_start3A_191, %dma_start3A_192, %dma_start3A_193] : memref<5x80x64xf32, #tpu.memory_space<vmem>> -> memref<1x80x64xf32, #tpu.memory_space<vmem>>
        %dma_start3A_195 = tpu.memref_squeeze %dma_start3A_194 : memref<1x80x64xf32, #tpu.memory_space<vmem>> -> memref<80x64xf32, #tpu.memory_space<vmem>>
        %dma_start3A_196 = arith.constant 0 : i32
        %dma_start3A_197 = tpu.memref_slice %arg7[%add3A_190, %dma_start3A_196] : memref<125x80xi32, #tpu.memory_space<vmem>> -> memref<1x80xi32, #tpu.memory_space<vmem>>
        %dma_start3A_198 = tpu.memref_squeeze %dma_start3A_197 : memref<1x80xi32, #tpu.memory_space<vmem>> -> memref<80xi32, #tpu.memory_space<vmem>>
        %dma_start3A_199 = arith.constant 0 : i32
        %dma_start3A_200 = arith.constant 0 : i32
        %dma_start3A_201 = tpu.memref_slice %arg2[%dma_start3A_199, %dma_start3A_200] : memref<10000x64xf32, #tpu.memory_space<hbm>> -> memref<10000x64xf32, #tpu.memory_space<hbm>>
        tpu.enqueue_indirect_dma source(%dma_start3A_201 : memref<10000x64xf32, #tpu.memory_space<hbm>>) target(%dma_start3A_195 : memref<80x64xf32, #tpu.memory_space<vmem>>) offsets(%dma_start3A_198 : memref<80xi32, #tpu.memory_space<vmem>>) semaphore(%arg12 : memref<!tpu.dma_semaphore, #tpu.memory_space<semaphore_mem>>)
      } else {
      }
      %mul3A_119 = arith.constant 5 : i32
      %mul3A_120 = arith.muli %scan3A_74, %mul3A_119 : i32
      %add3A_121 = arith.constant 2 : i32
      %add3A_122 = arith.addi %mul3A_120, %add3A_121 : i32
      %dma_wait3A_123 = arith.constant 2 : i32
      %dma_wait3A_124 = arith.constant 0 : i32
      %dma_wait3A_125 = arith.constant 0 : i32
      %dma_wait3A_126 = tpu.memref_slice %arg9[%dma_wait3A_123, %dma_wait3A_124, %dma_wait3A_125] : memref<5x80x64xf32, #tpu.memory_space<vmem>> -> memref<1x80x64xf32, #tpu.memory_space<vmem>>
      %dma_wait3A_127 = tpu.memref_squeeze %dma_wait3A_126 : memref<1x80x64xf32, #tpu.memory_space<vmem>> -> memref<80x64xf32, #tpu.memory_space<vmem>>
      %dma_wait3A_128 = arith.constant 0 : i32
      %dma_wait3A_129 = tpu.memref_slice %arg7[%add3A_122, %dma_wait3A_128] : memref<125x80xi32, #tpu.memory_space<vmem>> -> memref<1x80xi32, #tpu.memory_space<vmem>>
      %dma_wait3A_130 = tpu.memref_squeeze %dma_wait3A_129 : memref<1x80xi32, #tpu.memory_space<vmem>> -> memref<80xi32, #tpu.memory_space<vmem>>
      %dma_wait3A_131 = arith.constant 0 : i32
      %dma_wait3A_132 = arith.constant 0 : i32
      %dma_wait3A_133 = tpu.memref_slice %arg2[%dma_wait3A_131, %dma_wait3A_132] : memref<10000x64xf32, #tpu.memory_space<hbm>> -> memref<10000x64xf32, #tpu.memory_space<hbm>>
      tpu.wait_indirect_dma semaphore(%arg13 : memref<!tpu.dma_semaphore, #tpu.memory_space<semaphore_mem>>) src(%dma_wait3A_133 : memref<10000x64xf32, #tpu.memory_space<hbm>>) dst(%dma_wait3A_127 : memref<80x64xf32, #tpu.memory_space<vmem>>)
      %run_scoped3A_134 = arith.constant 2 : i32
      "tpu.region"() ({
        %run_scoped3A_189 = tpu.sem_alloc : memref<!tpu.dma_semaphore, #tpu.memory_space<semaphore_mem>>
        %dma_start3A_190 = arith.constant 0 : i32
        %dma_start3A_191 = arith.constant 0 : i32
        %dma_start3A_192 = tpu.memref_slice %arg9[%run_scoped3A_134, %dma_start3A_190, %dma_start3A_191] : memref<5x80x64xf32, #tpu.memory_space<vmem>> -> memref<1x80x64xf32, #tpu.memory_space<vmem>>
        %dma_start3A_193 = tpu.memref_squeeze %dma_start3A_192 : memref<1x80x64xf32, #tpu.memory_space<vmem>> -> memref<80x64xf32, #tpu.memory_space<vmem>>
        %dma_start3A_194 = arith.constant 0 : i32
        %dma_start3A_195 = tpu.memref_slice %arg8[%add3A_122, %dma_start3A_194] : memref<125x80xi32, #tpu.memory_space<vmem>> -> memref<1x80xi32, #tpu.memory_space<vmem>>
        %dma_start3A_196 = tpu.memref_squeeze %dma_start3A_195 : memref<1x80xi32, #tpu.memory_space<vmem>> -> memref<80xi32, #tpu.memory_space<vmem>>
        %dma_start3A_197 = arith.constant 0 : i32
        %dma_start3A_198 = arith.constant 0 : i32
        %dma_start3A_199 = tpu.memref_slice %arg10[%dma_start3A_197, %dma_start3A_198] : memref<10000x64xf32, #tpu.memory_space<vmem_shared>> -> memref<10000x64xf32, #tpu.memory_space<vmem_shared>>
        tpu.enqueue_indirect_dma source(%dma_start3A_193 : memref<80x64xf32, #tpu.memory_space<vmem>>) target(%dma_start3A_199 : memref<10000x64xf32, #tpu.memory_space<vmem_shared>>) offsets(%dma_start3A_196 : memref<80xi32, #tpu.memory_space<vmem>>) semaphore(%run_scoped3A_189 : memref<!tpu.dma_semaphore, #tpu.memory_space<semaphore_mem>>) {add = true}
        %dma_wait3A_200 = arith.constant 0 : i32
        %dma_wait3A_201 = arith.constant 0 : i32
        %dma_wait3A_202 = tpu.memref_slice %arg9[%run_scoped3A_134, %dma_wait3A_200, %dma_wait3A_201] : memref<5x80x64xf32, #tpu.memory_space<vmem>> -> memref<1x80x64xf32, #tpu.memory_space<vmem>>
        %dma_wait3A_203 = tpu.memref_squeeze %dma_wait3A_202 : memref<1x80x64xf32, #tpu.memory_space<vmem>> -> memref<80x64xf32, #tpu.memory_space<vmem>>
        %dma_wait3A_204 = arith.constant 0 : i32
        %dma_wait3A_205 = tpu.memref_slice %arg8[%add3A_122, %dma_wait3A_204] : memref<125x80xi32, #tpu.memory_space<vmem>> -> memref<1x80xi32, #tpu.memory_space<vmem>>
        %dma_wait3A_206 = tpu.memref_squeeze %dma_wait3A_205 : memref<1x80xi32, #tpu.memory_space<vmem>> -> memref<80xi32, #tpu.memory_space<vmem>>
        %dma_wait3A_207 = arith.constant 0 : i32
        %dma_wait3A_208 = arith.constant 0 : i32
        %dma_wait3A_209 = tpu.memref_slice %arg10[%dma_wait3A_207, %dma_wait3A_208] : memref<10000x64xf32, #tpu.memory_space<vmem_shared>> -> memref<10000x64xf32, #tpu.memory_space<vmem_shared>>
        tpu.wait_indirect_dma semaphore(%run_scoped3A_189 : memref<!tpu.dma_semaphore, #tpu.memory_space<semaphore_mem>>) src(%dma_wait3A_203 : memref<80x64xf32, #tpu.memory_space<vmem>>) dst(%dma_wait3A_209 : memref<10000x64xf32, #tpu.memory_space<vmem_shared>>)
        tpu.yield
      }) : () -> ()
      %add3A_135 = arith.constant 5 : i32
      %add3A_136 = arith.addi %add3A_122, %add3A_135 : i32
      %lt3A_137 = arith.constant 125 : i32
      %lt3A_138 = arith.cmpi slt, %add3A_136, %lt3A_137 : i32
      %convert_element_type3A_139 = arith.extui %lt3A_138 : i1 to i32
      %cond3A_140 = arith.constant 0 : i32
      %cond3A_141 = arith.cmpi ne, %convert_element_type3A_139, %cond3A_140 : i32
      scf.if %cond3A_141 {
        %add3A_189 = arith.constant 5 : i32
        %add3A_190 = arith.addi %add3A_122, %add3A_189 : i32
        %dma_start3A_191 = arith.constant 2 : i32
        %dma_start3A_192 = arith.constant 0 : i32
        %dma_start3A_193 = arith.constant 0 : i32
        %dma_start3A_194 = tpu.memref_slice %arg9[%dma_start3A_191, %dma_start3A_192, %dma_start3A_193] : memref<5x80x64xf32, #tpu.memory_space<vmem>> -> memref<1x80x64xf32, #tpu.memory_space<vmem>>
        %dma_start3A_195 = tpu.memref_squeeze %dma_start3A_194 : memref<1x80x64xf32, #tpu.memory_space<vmem>> -> memref<80x64xf32, #tpu.memory_space<vmem>>
        %dma_start3A_196 = arith.constant 0 : i32
        %dma_start3A_197 = tpu.memref_slice %arg7[%add3A_190, %dma_start3A_196] : memref<125x80xi32, #tpu.memory_space<vmem>> -> memref<1x80xi32, #tpu.memory_space<vmem>>
        %dma_start3A_198 = tpu.memref_squeeze %dma_start3A_197 : memref<1x80xi32, #tpu.memory_space<vmem>> -> memref<80xi32, #tpu.memory_space<vmem>>
        %dma_start3A_199 = arith.constant 0 : i32
        %dma_start3A_200 = arith.constant 0 : i32
        %dma_start3A_201 = tpu.memref_slice %arg2[%dma_start3A_199, %dma_start3A_200] : memref<10000x64xf32, #tpu.memory_space<hbm>> -> memref<10000x64xf32, #tpu.memory_space<hbm>>
        tpu.enqueue_indirect_dma source(%dma_start3A_201 : memref<10000x64xf32, #tpu.memory_space<hbm>>) target(%dma_start3A_195 : memref<80x64xf32, #tpu.memory_space<vmem>>) offsets(%dma_start3A_198 : memref<80xi32, #tpu.memory_space<vmem>>) semaphore(%arg13 : memref<!tpu.dma_semaphore, #tpu.memory_space<semaphore_mem>>)
      } else {
      }
      %mul3A_142 = arith.constant 5 : i32
      %mul3A_143 = arith.muli %scan3A_74, %mul3A_142 : i32
      %add3A_144 = arith.constant 3 : i32
      %add3A_145 = arith.addi %mul3A_143, %add3A_144 : i32
      %dma_wait3A_146 = arith.constant 3 : i32
      %dma_wait3A_147 = arith.constant 0 : i32
      %dma_wait3A_148 = arith.constant 0 : i32
      %dma_wait3A_149 = tpu.memref_slice %arg9[%dma_wait3A_146, %dma_wait3A_147, %dma_wait3A_148] : memref<5x80x64xf32, #tpu.memory_space<vmem>> -> memref<1x80x64xf32, #tpu.memory_space<vmem>>
      %dma_wait3A_150 = tpu.memref_squeeze %dma_wait3A_149 : memref<1x80x64xf32, #tpu.memory_space<vmem>> -> memref<80x64xf32, #tpu.memory_space<vmem>>
      %dma_wait3A_151 = arith.constant 0 : i32
      %dma_wait3A_152 = tpu.memref_slice %arg7[%add3A_145, %dma_wait3A_151] : memref<125x80xi32, #tpu.memory_space<vmem>> -> memref<1x80xi32, #tpu.memory_space<vmem>>
      %dma_wait3A_153 = tpu.memref_squeeze %dma_wait3A_152 : memref<1x80xi32, #tpu.memory_space<vmem>> -> memref<80xi32, #tpu.memory_space<vmem>>
      %dma_wait3A_154 = arith.constant 0 : i32
      %dma_wait3A_155 = arith.constant 0 : i32
      %dma_wait3A_156 = tpu.memref_slice %arg2[%dma_wait3A_154, %dma_wait3A_155] : memref<10000x64xf32, #tpu.memory_space<hbm>> -> memref<10000x64xf32, #tpu.memory_space<hbm>>
      tpu.wait_indirect_dma semaphore(%arg14 : memref<!tpu.dma_semaphore, #tpu.memory_space<semaphore_mem>>) src(%dma_wait3A_156 : memref<10000x64xf32, #tpu.memory_space<hbm>>) dst(%dma_wait3A_150 : memref<80x64xf32, #tpu.memory_space<vmem>>)
      %run_scoped3A_157 = arith.constant 3 : i32
      "tpu.region"() ({
        %run_scoped3A_189 = tpu.sem_alloc : memref<!tpu.dma_semaphore, #tpu.memory_space<semaphore_mem>>
        %dma_start3A_190 = arith.constant 0 : i32
        %dma_start3A_191 = arith.constant 0 : i32
        %dma_start3A_192 = tpu.memref_slice %arg9[%run_scoped3A_157, %dma_start3A_190, %dma_start3A_191] : memref<5x80x64xf32, #tpu.memory_space<vmem>> -> memref<1x80x64xf32, #tpu.memory_space<vmem>>
        %dma_start3A_193 = tpu.memref_squeeze %dma_start3A_192 : memref<1x80x64xf32, #tpu.memory_space<vmem>> -> memref<80x64xf32, #tpu.memory_space<vmem>>
        %dma_start3A_194 = arith.constant 0 : i32
        %dma_start3A_195 = tpu.memref_slice %arg8[%add3A_145, %dma_start3A_194] : memref<125x80xi32, #tpu.memory_space<vmem>> -> memref<1x80xi32, #tpu.memory_space<vmem>>
        %dma_start3A_196 = tpu.memref_squeeze %dma_start3A_195 : memref<1x80xi32, #tpu.memory_space<vmem>> -> memref<80xi32, #tpu.memory_space<vmem>>
        %dma_start3A_197 = arith.constant 0 : i32
        %dma_start3A_198 = arith.constant 0 : i32
        %dma_start3A_199 = tpu.memref_slice %arg10[%dma_start3A_197, %dma_start3A_198] : memref<10000x64xf32, #tpu.memory_space<vmem_shared>> -> memref<10000x64xf32, #tpu.memory_space<vmem_shared>>
        tpu.enqueue_indirect_dma source(%dma_start3A_193 : memref<80x64xf32, #tpu.memory_space<vmem>>) target(%dma_start3A_199 : memref<10000x64xf32, #tpu.memory_space<vmem_shared>>) offsets(%dma_start3A_196 : memref<80xi32, #tpu.memory_space<vmem>>) semaphore(%run_scoped3A_189 : memref<!tpu.dma_semaphore, #tpu.memory_space<semaphore_mem>>) {add = true}
        %dma_wait3A_200 = arith.constant 0 : i32
        %dma_wait3A_201 = arith.constant 0 : i32
        %dma_wait3A_202 = tpu.memref_slice %arg9[%run_scoped3A_157, %dma_wait3A_200, %dma_wait3A_201] : memref<5x80x64xf32, #tpu.memory_space<vmem>> -> memref<1x80x64xf32, #tpu.memory_space<vmem>>
        %dma_wait3A_203 = tpu.memref_squeeze %dma_wait3A_202 : memref<1x80x64xf32, #tpu.memory_space<vmem>> -> memref<80x64xf32, #tpu.memory_space<vmem>>
        %dma_wait3A_204 = arith.constant 0 : i32
        %dma_wait3A_205 = tpu.memref_slice %arg8[%add3A_145, %dma_wait3A_204] : memref<125x80xi32, #tpu.memory_space<vmem>> -> memref<1x80xi32, #tpu.memory_space<vmem>>
        %dma_wait3A_206 = tpu.memref_squeeze %dma_wait3A_205 : memref<1x80xi32, #tpu.memory_space<vmem>> -> memref<80xi32, #tpu.memory_space<vmem>>
        %dma_wait3A_207 = arith.constant 0 : i32
        %dma_wait3A_208 = arith.constant 0 : i32
        %dma_wait3A_209 = tpu.memref_slice %arg10[%dma_wait3A_207, %dma_wait3A_208] : memref<10000x64xf32, #tpu.memory_space<vmem_shared>> -> memref<10000x64xf32, #tpu.memory_space<vmem_shared>>
        tpu.wait_indirect_dma semaphore(%run_scoped3A_189 : memref<!tpu.dma_semaphore, #tpu.memory_space<semaphore_mem>>) src(%dma_wait3A_203 : memref<80x64xf32, #tpu.memory_space<vmem>>) dst(%dma_wait3A_209 : memref<10000x64xf32, #tpu.memory_space<vmem_shared>>)
        tpu.yield
      }) : () -> ()
      %add3A_158 = arith.constant 5 : i32
      %add3A_159 = arith.addi %add3A_145, %add3A_158 : i32
      %lt3A_160 = arith.constant 125 : i32
      %lt3A_161 = arith.cmpi slt, %add3A_159, %lt3A_160 : i32
      %convert_element_type3A_162 = arith.extui %lt3A_161 : i1 to i32
      %cond3A_163 = arith.constant 0 : i32
      %cond3A_164 = arith.cmpi ne, %convert_element_type3A_162, %cond3A_163 : i32
      scf.if %cond3A_164 {
        %add3A_189 = arith.constant 5 : i32
        %add3A_190 = arith.addi %add3A_145, %add3A_189 : i32
        %dma_start3A_191 = arith.constant 3 : i32
        %dma_start3A_192 = arith.constant 0 : i32
        %dma_start3A_193 = arith.constant 0 : i32
        %dma_start3A_194 = tpu.memref_slice %arg9[%dma_start3A_191, %dma_start3A_192, %dma_start3A_193] : memref<5x80x64xf32, #tpu.memory_space<vmem>> -> memref<1x80x64xf32, #tpu.memory_space<vmem>>
        %dma_start3A_195 = tpu.memref_squeeze %dma_start3A_194 : memref<1x80x64xf32, #tpu.memory_space<vmem>> -> memref<80x64xf32, #tpu.memory_space<vmem>>
        %dma_start3A_196 = arith.constant 0 : i32
        %dma_start3A_197 = tpu.memref_slice %arg7[%add3A_190, %dma_start3A_196] : memref<125x80xi32, #tpu.memory_space<vmem>> -> memref<1x80xi32, #tpu.memory_space<vmem>>
        %dma_start3A_198 = tpu.memref_squeeze %dma_start3A_197 : memref<1x80xi32, #tpu.memory_space<vmem>> -> memref<80xi32, #tpu.memory_space<vmem>>
        %dma_start3A_199 = arith.constant 0 : i32
        %dma_start3A_200 = arith.constant 0 : i32
        %dma_start3A_201 = tpu.memref_slice %arg2[%dma_start3A_199, %dma_start3A_200] : memref<10000x64xf32, #tpu.memory_space<hbm>> -> memref<10000x64xf32, #tpu.memory_space<hbm>>
        tpu.enqueue_indirect_dma source(%dma_start3A_201 : memref<10000x64xf32, #tpu.memory_space<hbm>>) target(%dma_start3A_195 : memref<80x64xf32, #tpu.memory_space<vmem>>) offsets(%dma_start3A_198 : memref<80xi32, #tpu.memory_space<vmem>>) semaphore(%arg14 : memref<!tpu.dma_semaphore, #tpu.memory_space<semaphore_mem>>)
      } else {
      }
      %mul3A_165 = arith.constant 5 : i32
      %mul3A_166 = arith.muli %scan3A_74, %mul3A_165 : i32
      %add3A_167 = arith.constant 4 : i32
      %add3A_168 = arith.addi %mul3A_166, %add3A_167 : i32
      %dma_wait3A_169 = arith.constant 4 : i32
      %dma_wait3A_170 = arith.constant 0 : i32
      %dma_wait3A_171 = arith.constant 0 : i32
      %dma_wait3A_172 = tpu.memref_slice %arg9[%dma_wait3A_169, %dma_wait3A_170, %dma_wait3A_171] : memref<5x80x64xf32, #tpu.memory_space<vmem>> -> memref<1x80x64xf32, #tpu.memory_space<vmem>>
      %dma_wait3A_173 = tpu.memref_squeeze %dma_wait3A_172 : memref<1x80x64xf32, #tpu.memory_space<vmem>> -> memref<80x64xf32, #tpu.memory_space<vmem>>
      %dma_wait3A_174 = arith.constant 0 : i32
      %dma_wait3A_175 = tpu.memref_slice %arg7[%add3A_168, %dma_wait3A_174] : memref<125x80xi32, #tpu.memory_space<vmem>> -> memref<1x80xi32, #tpu.memory_space<vmem>>
      %dma_wait3A_176 = tpu.memref_squeeze %dma_wait3A_175 : memref<1x80xi32, #tpu.memory_space<vmem>> -> memref<80xi32, #tpu.memory_space<vmem>>
      %dma_wait3A_177 = arith.constant 0 : i32
      %dma_wait3A_178 = arith.constant 0 : i32
      %dma_wait3A_179 = tpu.memref_slice %arg2[%dma_wait3A_177, %dma_wait3A_178] : memref<10000x64xf32, #tpu.memory_space<hbm>> -> memref<10000x64xf32, #tpu.memory_space<hbm>>
      tpu.wait_indirect_dma semaphore(%arg15 : memref<!tpu.dma_semaphore, #tpu.memory_space<semaphore_mem>>) src(%dma_wait3A_179 : memref<10000x64xf32, #tpu.memory_space<hbm>>) dst(%dma_wait3A_173 : memref<80x64xf32, #tpu.memory_space<vmem>>)
      %run_scoped3A_180 = arith.constant 4 : i32
      "tpu.region"() ({
        %run_scoped3A_189 = tpu.sem_alloc : memref<!tpu.dma_semaphore, #tpu.memory_space<semaphore_mem>>
        %dma_start3A_190 = arith.constant 0 : i32
        %dma_start3A_191 = arith.constant 0 : i32
        %dma_start3A_192 = tpu.memref_slice %arg9[%run_scoped3A_180, %dma_start3A_190, %dma_start3A_191] : memref<5x80x64xf32, #tpu.memory_space<vmem>> -> memref<1x80x64xf32, #tpu.memory_space<vmem>>
        %dma_start3A_193 = tpu.memref_squeeze %dma_start3A_192 : memref<1x80x64xf32, #tpu.memory_space<vmem>> -> memref<80x64xf32, #tpu.memory_space<vmem>>
        %dma_start3A_194 = arith.constant 0 : i32
        %dma_start3A_195 = tpu.memref_slice %arg8[%add3A_168, %dma_start3A_194] : memref<125x80xi32, #tpu.memory_space<vmem>> -> memref<1x80xi32, #tpu.memory_space<vmem>>
        %dma_start3A_196 = tpu.memref_squeeze %dma_start3A_195 : memref<1x80xi32, #tpu.memory_space<vmem>> -> memref<80xi32, #tpu.memory_space<vmem>>
        %dma_start3A_197 = arith.constant 0 : i32
        %dma_start3A_198 = arith.constant 0 : i32
        %dma_start3A_199 = tpu.memref_slice %arg10[%dma_start3A_197, %dma_start3A_198] : memref<10000x64xf32, #tpu.memory_space<vmem_shared>> -> memref<10000x64xf32, #tpu.memory_space<vmem_shared>>
        tpu.enqueue_indirect_dma source(%dma_start3A_193 : memref<80x64xf32, #tpu.memory_space<vmem>>) target(%dma_start3A_199 : memref<10000x64xf32, #tpu.memory_space<vmem_shared>>) offsets(%dma_start3A_196 : memref<80xi32, #tpu.memory_space<vmem>>) semaphore(%run_scoped3A_189 : memref<!tpu.dma_semaphore, #tpu.memory_space<semaphore_mem>>) {add = true}
        %dma_wait3A_200 = arith.constant 0 : i32
        %dma_wait3A_201 = arith.constant 0 : i32
        %dma_wait3A_202 = tpu.memref_slice %arg9[%run_scoped3A_180, %dma_wait3A_200, %dma_wait3A_201] : memref<5x80x64xf32, #tpu.memory_space<vmem>> -> memref<1x80x64xf32, #tpu.memory_space<vmem>>
        %dma_wait3A_203 = tpu.memref_squeeze %dma_wait3A_202 : memref<1x80x64xf32, #tpu.memory_space<vmem>> -> memref<80x64xf32, #tpu.memory_space<vmem>>
        %dma_wait3A_204 = arith.constant 0 : i32
        %dma_wait3A_205 = tpu.memref_slice %arg8[%add3A_168, %dma_wait3A_204] : memref<125x80xi32, #tpu.memory_space<vmem>> -> memref<1x80xi32, #tpu.memory_space<vmem>>
        %dma_wait3A_206 = tpu.memref_squeeze %dma_wait3A_205 : memref<1x80xi32, #tpu.memory_space<vmem>> -> memref<80xi32, #tpu.memory_space<vmem>>
        %dma_wait3A_207 = arith.constant 0 : i32
        %dma_wait3A_208 = arith.constant 0 : i32
        %dma_wait3A_209 = tpu.memref_slice %arg10[%dma_wait3A_207, %dma_wait3A_208] : memref<10000x64xf32, #tpu.memory_space<vmem_shared>> -> memref<10000x64xf32, #tpu.memory_space<vmem_shared>>
        tpu.wait_indirect_dma semaphore(%run_scoped3A_189 : memref<!tpu.dma_semaphore, #tpu.memory_space<semaphore_mem>>) src(%dma_wait3A_203 : memref<80x64xf32, #tpu.memory_space<vmem>>) dst(%dma_wait3A_209 : memref<10000x64xf32, #tpu.memory_space<vmem_shared>>)
        tpu.yield
      }) : () -> ()
      %add3A_181 = arith.constant 5 : i32
      %add3A_182 = arith.addi %add3A_168, %add3A_181 : i32
      %lt3A_183 = arith.constant 125 : i32
      %lt3A_184 = arith.cmpi slt, %add3A_182, %lt3A_183 : i32
      %convert_element_type3A_185 = arith.extui %lt3A_184 : i1 to i32
      %cond3A_186 = arith.constant 0 : i32
      %cond3A_187 = arith.cmpi ne, %convert_element_type3A_185, %cond3A_186 : i32
      scf.if %cond3A_187 {
        %add3A_189 = arith.constant 5 : i32
        %add3A_190 = arith.addi %add3A_168, %add3A_189 : i32
        %dma_start3A_191 = arith.constant 4 : i32
        %dma_start3A_192 = arith.constant 0 : i32
        %dma_start3A_193 = arith.constant 0 : i32
        %dma_start3A_194 = tpu.memref_slice %arg9[%dma_start3A_191, %dma_start3A_192, %dma_start3A_193] : memref<5x80x64xf32, #tpu.memory_space<vmem>> -> memref<1x80x64xf32, #tpu.memory_space<vmem>>
        %dma_start3A_195 = tpu.memref_squeeze %dma_start3A_194 : memref<1x80x64xf32, #tpu.memory_space<vmem>> -> memref<80x64xf32, #tpu.memory_space<vmem>>
        %dma_start3A_196 = arith.constant 0 : i32
        %dma_start3A_197 = tpu.memref_slice %arg7[%add3A_190, %dma_start3A_196] : memref<125x80xi32, #tpu.memory_space<vmem>> -> memref<1x80xi32, #tpu.memory_space<vmem>>
        %dma_start3A_198 = tpu.memref_squeeze %dma_start3A_197 : memref<1x80xi32, #tpu.memory_space<vmem>> -> memref<80xi32, #tpu.memory_space<vmem>>
        %dma_start3A_199 = arith.constant 0 : i32
        %dma_start3A_200 = arith.constant 0 : i32
        %dma_start3A_201 = tpu.memref_slice %arg2[%dma_start3A_199, %dma_start3A_200] : memref<10000x64xf32, #tpu.memory_space<hbm>> -> memref<10000x64xf32, #tpu.memory_space<hbm>>
        tpu.enqueue_indirect_dma source(%dma_start3A_201 : memref<10000x64xf32, #tpu.memory_space<hbm>>) target(%dma_start3A_195 : memref<80x64xf32, #tpu.memory_space<vmem>>) offsets(%dma_start3A_198 : memref<80xi32, #tpu.memory_space<vmem>>) semaphore(%arg15 : memref<!tpu.dma_semaphore, #tpu.memory_space<semaphore_mem>>)
      } else {
      }
      %scan3A_188 = arith.constant 0 : i32
      scf.yield %scan3A_188 : i32
    }
    %scan3A_67 = arith.constant 25 : i32
    %barrier3A_68 = arith.constant 0 : index
    tpu.barrier barrier_id(%barrier3A_68)
    %eq3A_69 = arith.constant 0 : i32
    %eq3A_70 = arith.cmpi eq, %arg1, %eq3A_69 : i32
    %convert_element_type3A_71 = arith.extui %eq3A_70 : i1 to i32
    %cond3A_72 = arith.constant 0 : i32
    %cond3A_73 = arith.cmpi ne, %convert_element_type3A_71, %cond3A_72 : i32
    scf.if %cond3A_73 {
      "tpu.region"() ({
        %run_scoped3A = tpu.sem_alloc : memref<!tpu.dma_semaphore, #tpu.memory_space<semaphore_mem>>
        %dma_start3A_74 = arith.constant 0 : i32
        %dma_start3A_75 = arith.constant 0 : i32
        %dma_start3A_76 = tpu.memref_slice %arg6[%arg0, %dma_start3A_74, %dma_start3A_75] : memref<2x10000x64xf32, #tpu.memory_space<hbm>> -> memref<1x10000x64xf32, #tpu.memory_space<hbm>>
        %dma_start3A_77 = tpu.memref_squeeze %dma_start3A_76 : memref<1x10000x64xf32, #tpu.memory_space<hbm>> -> memref<10000x64xf32, #tpu.memory_space<hbm>>
        tpu.enqueue_dma source(%arg10 : memref<10000x64xf32, #tpu.memory_space<vmem_shared>>) target(%dma_start3A_77 : memref<10000x64xf32, #tpu.memory_space<hbm>>) target_semaphore(%run_scoped3A : memref<!tpu.dma_semaphore, #tpu.memory_space<semaphore_mem>>)
        %dma_wait3A = arith.constant 0 : i32
        %dma_wait3A_78 = arith.constant 0 : i32
        %dma_wait3A_79 = tpu.memref_slice %arg6[%arg0, %dma_wait3A, %dma_wait3A_78] : memref<2x10000x64xf32, #tpu.memory_space<hbm>> -> memref<1x10000x64xf32, #tpu.memory_space<hbm>>
        %dma_wait3A_80 = tpu.memref_squeeze %dma_wait3A_79 : memref<1x10000x64xf32, #tpu.memory_space<hbm>> -> memref<10000x64xf32, #tpu.memory_space<hbm>>
        tpu.wait_dma2 semaphore(%run_scoped3A : memref<!tpu.dma_semaphore, #tpu.memory_space<semaphore_mem>>) src(%arg10 : memref<10000x64xf32, #tpu.memory_space<vmem_shared>>) dst(%dma_wait3A_80 : memref<10000x64xf32, #tpu.memory_space<hbm>>)
        tpu.yield
      }) : () -> ()
    } else {
    }
    return
  }
}

#map = affine_map<(d0, d1) -> (0, 0)>
#map1 = affine_map<(d0, d1) -> (0, 0, 0)>
module attributes {stable_mosaic.version = 14 : i64} {
  func.func @_segsum_sc(%arg0: i32, %arg1: i32, %arg2: memref<10000x64xf32, #tpu.memory_space<hbm>>, %arg3: memref<32x125x80xi32, #tpu.memory_space<hbm>>, %arg4: memref<32x125x80xi32, #tpu.memory_space<hbm>>, %arg5: memref<10000x64xf32, #tpu.memory_space<hbm>>, %arg6: memref<2x10000x64xf32, #tpu.memory_space<hbm>>, %arg7: memref<125x80xi32, #tpu.memory_space<vmem>>, %arg8: memref<125x80xi32, #tpu.memory_space<vmem>>, %arg9: memref<5x80x64xf32, #tpu.memory_space<vmem>>, %arg10: memref<10000x64xf32, #tpu.memory_space<vmem_shared>>, %arg11: memref<!tpu.dma_semaphore, #tpu.memory_space<semaphore_mem>>, %arg12: memref<!tpu.dma_semaphore, #tpu.memory_space<semaphore_mem>>, %arg13: memref<!tpu.dma_semaphore, #tpu.memory_space<semaphore_mem>>, %arg14: memref<!tpu.dma_semaphore, #tpu.memory_space<semaphore_mem>>, %arg15: memref<!tpu.dma_semaphore, #tpu.memory_space<semaphore_mem>>) attributes {dimension_semantics = [#tpu.dimension_semantics<core_parallel>, #tpu.dimension_semantics<subcore_parallel>], iteration_bounds = array<i64: 2, 16>, scalar_prefetch = 0 : i64, scratch_operands = 9 : i64, tpu.core_type = #tpu.core_type<sc_vector_subcore>, window_params = [{transform_indices = #map}, {transform_indices = #map1}, {transform_indices = #map1}, {transform_indices = #map}, {transform_indices = #map1}]} {
    %mul3A = arith.constant 2 : i32
    %mul3A_0 = arith.muli %arg1, %mul3A : i32
    %add3A = arith.addi %mul3A_0, %arg0 : i32
    "tpu.region"() ({
      %run_scoped3A = tpu.sem_alloc : memref<!tpu.dma_semaphore, #tpu.memory_space<semaphore_mem>>
      %dma_start3A_74 = arith.constant 0 : i32
      %dma_start3A_75 = arith.constant 0 : i32
      %dma_start3A_76 = tpu.memref_slice %arg3[%add3A, %dma_start3A_74, %dma_start3A_75] : memref<32x125x80xi32, #tpu.memory_space<hbm>> -> memref<1x125x80xi32, #tpu.memory_space<hbm>>
      %dma_start3A_77 = tpu.memref_squeeze %dma_start3A_76 : memref<1x125x80xi32, #tpu.memory_space<hbm>> -> memref<125x80xi32, #tpu.memory_space<hbm>>
      %dma_start3A_78 = arith.constant 0 : i32
      %dma_start3A_79 = arith.constant 0 : i32
      %dma_start3A_80 = tpu.memref_slice %arg3[%add3A, %dma_start3A_78, %dma_start3A_79] : memref<32x125x80xi32, #tpu.memory_space<hbm>> -> memref<1x125x80xi32, #tpu.memory_space<hbm>>
      %dma_start3A_81 = tpu.memref_squeeze %dma_start3A_80 : memref<1x125x80xi32, #tpu.memory_space<hbm>> -> memref<125x80xi32, #tpu.memory_space<hbm>>
      tpu.enqueue_dma source(%dma_start3A_81 : memref<125x80xi32, #tpu.memory_space<hbm>>) target(%arg7 : memref<125x80xi32, #tpu.memory_space<vmem>>) target_semaphore(%run_scoped3A : memref<!tpu.dma_semaphore, #tpu.memory_space<semaphore_mem>>)
      %dma_wait3A = arith.constant 0 : i32
      %dma_wait3A_82 = arith.constant 0 : i32
      %dma_wait3A_83 = tpu.memref_slice %arg3[%add3A, %dma_wait3A, %dma_wait3A_82] : memref<32x125x80xi32, #tpu.memory_space<hbm>> -> memref<1x125x80xi32, #tpu.memory_space<hbm>>
      %dma_wait3A_84 = tpu.memref_squeeze %dma_wait3A_83 : memref<1x125x80xi32, #tpu.memory_space<hbm>> -> memref<125x80xi32, #tpu.memory_space<hbm>>
      %dma_wait3A_85 = arith.constant 0 : i32
      %dma_wait3A_86 = arith.constant 0 : i32
      %dma_wait3A_87 = tpu.memref_slice %arg3[%add3A, %dma_wait3A_85, %dma_wait3A_86] : memref<32x125x80xi32, #tpu.memory_space<hbm>> -> memref<1x125x80xi32, #tpu.memory_space<hbm>>
      %dma_wait3A_88 = tpu.memref_squeeze %dma_wait3A_87 : memref<1x125x80xi32, #tpu.memory_space<hbm>> -> memref<125x80xi32, #tpu.memory_space<hbm>>
      tpu.wait_dma2 semaphore(%run_scoped3A : memref<!tpu.dma_semaphore, #tpu.memory_space<semaphore_mem>>) src(%dma_wait3A_88 : memref<125x80xi32, #tpu.memory_space<hbm>>) dst(%arg7 : memref<125x80xi32, #tpu.memory_space<vmem>>)
      tpu.yield
    }) : () -> ()
    %dma_start3A = arith.constant 0 : i32
    %dma_start3A_1 = arith.constant 0 : i32
    %dma_start3A_2 = arith.constant 0 : i32
    %dma_start3A_3 = arith.constant 0 : i32
    %dma_start3A_4 = tpu.memref_slice %arg9[%dma_start3A_1, %dma_start3A_2, %dma_start3A_3] : memref<5x80x64xf32, #tpu.memory_space<vmem>> -> memref<1x80x64xf32, #tpu.memory_space<vmem>>
    %dma_start3A_5 = tpu.memref_squeeze %dma_start3A_4 : memref<1x80x64xf32, #tpu.memory_space<vmem>> -> memref<80x64xf32, #tpu.memory_space<vmem>>
    %dma_start3A_6 = arith.constant 0 : i32
    %dma_start3A_7 = tpu.memref_slice %arg7[%dma_start3A, %dma_start3A_6] : memref<125x80xi32, #tpu.memory_space<vmem>> -> memref<1x80xi32, #tpu.memory_space<vmem>>
    %dma_start3A_8 = tpu.memref_squeeze %dma_start3A_7 : memref<1x80xi32, #tpu.memory_space<vmem>> -> memref<80xi32, #tpu.memory_space<vmem>>
    %dma_start3A_9 = arith.constant 0 : i32
    %dma_start3A_10 = arith.constant 0 : i32
    %dma_start3A_11 = tpu.memref_slice %arg2[%dma_start3A_9, %dma_start3A_10] : memref<10000x64xf32, #tpu.memory_space<hbm>> -> memref<10000x64xf32, #tpu.memory_space<hbm>>
    tpu.enqueue_indirect_dma source(%dma_start3A_11 : memref<10000x64xf32, #tpu.memory_space<hbm>>) target(%dma_start3A_5 : memref<80x64xf32, #tpu.memory_space<vmem>>) offsets(%dma_start3A_8 : memref<80xi32, #tpu.memory_space<vmem>>) semaphore(%arg11 : memref<!tpu.dma_semaphore, #tpu.memory_space<semaphore_mem>>)
    %dma_start3A_12 = arith.constant 1 : i32
    %dma_start3A_13 = arith.constant 1 : i32
    %dma_start3A_14 = arith.constant 0 : i32
    %dma_start3A_15 = arith.constant 0 : i32
    %dma_start3A_16 = tpu.memref_slice %arg9[%dma_start3A_13, %dma_start3A_14, %dma_start3A_15] : memref<5x80x64xf32, #tpu.memory_space<vmem>> -> memref<1x80x64xf32, #tpu.memory_space<vmem>>
    %dma_start3A_17 = tpu.memref_squeeze %dma_start3A_16 : memref<1x80x64xf32, #tpu.memory_space<vmem>> -> memref<80x64xf32, #tpu.memory_space<vmem>>
    %dma_start3A_18 = arith.constant 0 : i32
    %dma_start3A_19 = tpu.memref_slice %arg7[%dma_start3A_12, %dma_start3A_18] : memref<125x80xi32, #tpu.memory_space<vmem>> -> memref<1x80xi32, #tpu.memory_space<vmem>>
    %dma_start3A_20 = tpu.memref_squeeze %dma_start3A_19 : memref<1x80xi32, #tpu.memory_space<vmem>> -> memref<80xi32, #tpu.memory_space<vmem>>
    %dma_start3A_21 = arith.constant 0 : i32
    %dma_start3A_22 = arith.constant 0 : i32
    %dma_start3A_23 = tpu.memref_slice %arg2[%dma_start3A_21, %dma_start3A_22] : memref<10000x64xf32, #tpu.memory_space<hbm>> -> memref<10000x64xf32, #tpu.memory_space<hbm>>
    tpu.enqueue_indirect_dma source(%dma_start3A_23 : memref<10000x64xf32, #tpu.memory_space<hbm>>) target(%dma_start3A_17 : memref<80x64xf32, #tpu.memory_space<vmem>>) offsets(%dma_start3A_20 : memref<80xi32, #tpu.memory_space<vmem>>) semaphore(%arg12 : memref<!tpu.dma_semaphore, #tpu.memory_space<semaphore_mem>>)
    %dma_start3A_24 = arith.constant 2 : i32
    %dma_start3A_25 = arith.constant 2 : i32
    %dma_start3A_26 = arith.constant 0 : i32
    %dma_start3A_27 = arith.constant 0 : i32
    %dma_start3A_28 = tpu.memref_slice %arg9[%dma_start3A_25, %dma_start3A_26, %dma_start3A_27] : memref<5x80x64xf32, #tpu.memory_space<vmem>> -> memref<1x80x64xf32, #tpu.memory_space<vmem>>
    %dma_start3A_29 = tpu.memref_squeeze %dma_start3A_28 : memref<1x80x64xf32, #tpu.memory_space<vmem>> -> memref<80x64xf32, #tpu.memory_space<vmem>>
    %dma_start3A_30 = arith.constant 0 : i32
    %dma_start3A_31 = tpu.memref_slice %arg7[%dma_start3A_24, %dma_start3A_30] : memref<125x80xi32, #tpu.memory_space<vmem>> -> memref<1x80xi32, #tpu.memory_space<vmem>>
    %dma_start3A_32 = tpu.memref_squeeze %dma_start3A_31 : memref<1x80xi32, #tpu.memory_space<vmem>> -> memref<80xi32, #tpu.memory_space<vmem>>
    %dma_start3A_33 = arith.constant 0 : i32
    %dma_start3A_34 = arith.constant 0 : i32
    %dma_start3A_35 = tpu.memref_slice %arg2[%dma_start3A_33, %dma_start3A_34] : memref<10000x64xf32, #tpu.memory_space<hbm>> -> memref<10000x64xf32, #tpu.memory_space<hbm>>
    tpu.enqueue_indirect_dma source(%dma_start3A_35 : memref<10000x64xf32, #tpu.memory_space<hbm>>) target(%dma_start3A_29 : memref<80x64xf32, #tpu.memory_space<vmem>>) offsets(%dma_start3A_32 : memref<80xi32, #tpu.memory_space<vmem>>) semaphore(%arg13 : memref<!tpu.dma_semaphore, #tpu.memory_space<semaphore_mem>>)
    %dma_start3A_36 = arith.constant 3 : i32
    %dma_start3A_37 = arith.constant 3 : i32
    %dma_start3A_38 = arith.constant 0 : i32
    %dma_start3A_39 = arith.constant 0 : i32
    %dma_start3A_40 = tpu.memref_slice %arg9[%dma_start3A_37, %dma_start3A_38, %dma_start3A_39] : memref<5x80x64xf32, #tpu.memory_space<vmem>> -> memref<1x80x64xf32, #tpu.memory_space<vmem>>
    %dma_start3A_41 = tpu.memref_squeeze %dma_start3A_40 : memref<1x80x64xf32, #tpu.memory_space<vmem>> -> memref<80x64xf32, #tpu.memory_space<vmem>>
    %dma_start3A_42 = arith.constant 0 : i32
    %dma_start3A_43 = tpu.memref_slice %arg7[%dma_start3A_36, %dma_start3A_42] : memref<125x80xi32, #tpu.memory_space<vmem>> -> memref<1x80xi32, #tpu.memory_space<vmem>>
    %dma_start3A_44 = tpu.memref_squeeze %dma_start3A_43 : memref<1x80xi32, #tpu.memory_space<vmem>> -> memref<80xi32, #tpu.memory_space<vmem>>
    %dma_start3A_45 = arith.constant 0 : i32
    %dma_start3A_46 = arith.constant 0 : i32
    %dma_start3A_47 = tpu.memref_slice %arg2[%dma_start3A_45, %dma_start3A_46] : memref<10000x64xf32, #tpu.memory_space<hbm>> -> memref<10000x64xf32, #tpu.memory_space<hbm>>
    tpu.enqueue_indirect_dma source(%dma_start3A_47 : memref<10000x64xf32, #tpu.memory_space<hbm>>) target(%dma_start3A_41 : memref<80x64xf32, #tpu.memory_space<vmem>>) offsets(%dma_start3A_44 : memref<80xi32, #tpu.memory_space<vmem>>) semaphore(%arg14 : memref<!tpu.dma_semaphore, #tpu.memory_space<semaphore_mem>>)
    %dma_start3A_48 = arith.constant 4 : i32
    %dma_start3A_49 = arith.constant 4 : i32
    %dma_start3A_50 = arith.constant 0 : i32
    %dma_start3A_51 = arith.constant 0 : i32
    %dma_start3A_52 = tpu.memref_slice %arg9[%dma_start3A_49, %dma_start3A_50, %dma_start3A_51] : memref<5x80x64xf32, #tpu.memory_space<vmem>> -> memref<1x80x64xf32, #tpu.memory_space<vmem>>
    %dma_start3A_53 = tpu.memref_squeeze %dma_start3A_52 : memref<1x80x64xf32, #tpu.memory_space<vmem>> -> memref<80x64xf32, #tpu.memory_space<vmem>>
    %dma_start3A_54 = arith.constant 0 : i32
    %dma_start3A_55 = tpu.memref_slice %arg7[%dma_start3A_48, %dma_start3A_54] : memref<125x80xi32, #tpu.memory_space<vmem>> -> memref<1x80xi32, #tpu.memory_space<vmem>>
    %dma_start3A_56 = tpu.memref_squeeze %dma_start3A_55 : memref<1x80xi32, #tpu.memory_space<vmem>> -> memref<80xi32, #tpu.memory_space<vmem>>
    %dma_start3A_57 = arith.constant 0 : i32
    %dma_start3A_58 = arith.constant 0 : i32
    %dma_start3A_59 = tpu.memref_slice %arg2[%dma_start3A_57, %dma_start3A_58] : memref<10000x64xf32, #tpu.memory_space<hbm>> -> memref<10000x64xf32, #tpu.memory_space<hbm>>
    tpu.enqueue_indirect_dma source(%dma_start3A_59 : memref<10000x64xf32, #tpu.memory_space<hbm>>) target(%dma_start3A_53 : memref<80x64xf32, #tpu.memory_space<vmem>>) offsets(%dma_start3A_56 : memref<80xi32, #tpu.memory_space<vmem>>) semaphore(%arg15 : memref<!tpu.dma_semaphore, #tpu.memory_space<semaphore_mem>>)
    "tpu.region"() ({
      %run_scoped3A = tpu.sem_alloc : memref<!tpu.dma_semaphore, #tpu.memory_space<semaphore_mem>>
      %dma_start3A_74 = arith.constant 0 : i32
      %dma_start3A_75 = arith.constant 0 : i32
      %dma_start3A_76 = tpu.memref_slice %arg4[%add3A, %dma_start3A_74, %dma_start3A_75] : memref<32x125x80xi32, #tpu.memory_space<hbm>> -> memref<1x125x80xi32, #tpu.memory_space<hbm>>
      %dma_start3A_77 = tpu.memref_squeeze %dma_start3A_76 : memref<1x125x80xi32, #tpu.memory_space<hbm>> -> memref<125x80xi32, #tpu.memory_space<hbm>>
      %dma_start3A_78 = arith.constant 0 : i32
      %dma_start3A_79 = arith.constant 0 : i32
      %dma_start3A_80 = tpu.memref_slice %arg4[%add3A, %dma_start3A_78, %dma_start3A_79] : memref<32x125x80xi32, #tpu.memory_space<hbm>> -> memref<1x125x80xi32, #tpu.memory_space<hbm>>
      %dma_start3A_81 = tpu.memref_squeeze %dma_start3A_80 : memref<1x125x80xi32, #tpu.memory_space<hbm>> -> memref<125x80xi32, #tpu.memory_space<hbm>>
      tpu.enqueue_dma source(%dma_start3A_81 : memref<125x80xi32, #tpu.memory_space<hbm>>) target(%arg8 : memref<125x80xi32, #tpu.memory_space<vmem>>) target_semaphore(%run_scoped3A : memref<!tpu.dma_semaphore, #tpu.memory_space<semaphore_mem>>)
      %dma_wait3A = arith.constant 0 : i32
      %dma_wait3A_82 = arith.constant 0 : i32
      %dma_wait3A_83 = tpu.memref_slice %arg4[%add3A, %dma_wait3A, %dma_wait3A_82] : memref<32x125x80xi32, #tpu.memory_space<hbm>> -> memref<1x125x80xi32, #tpu.memory_space<hbm>>
      %dma_wait3A_84 = tpu.memref_squeeze %dma_wait3A_83 : memref<1x125x80xi32, #tpu.memory_space<hbm>> -> memref<125x80xi32, #tpu.memory_space<hbm>>
      %dma_wait3A_85 = arith.constant 0 : i32
      %dma_wait3A_86 = arith.constant 0 : i32
      %dma_wait3A_87 = tpu.memref_slice %arg4[%add3A, %dma_wait3A_85, %dma_wait3A_86] : memref<32x125x80xi32, #tpu.memory_space<hbm>> -> memref<1x125x80xi32, #tpu.memory_space<hbm>>
      %dma_wait3A_88 = tpu.memref_squeeze %dma_wait3A_87 : memref<1x125x80xi32, #tpu.memory_space<hbm>> -> memref<125x80xi32, #tpu.memory_space<hbm>>
      tpu.wait_dma2 semaphore(%run_scoped3A : memref<!tpu.dma_semaphore, #tpu.memory_space<semaphore_mem>>) src(%dma_wait3A_88 : memref<125x80xi32, #tpu.memory_space<hbm>>) dst(%arg8 : memref<125x80xi32, #tpu.memory_space<vmem>>)
      tpu.yield
    }) : () -> ()
    %eq3A = arith.constant 0 : i32
    %eq3A_60 = arith.cmpi eq, %arg1, %eq3A : i32
    %convert_element_type3A = arith.extui %eq3A_60 : i1 to i32
    %cond3A = arith.constant 0 : i32
    %cond3A_61 = arith.cmpi ne, %convert_element_type3A, %cond3A : i32
    scf.if %cond3A_61 {
      "tpu.region"() ({
        %run_scoped3A = tpu.sem_alloc : memref<!tpu.dma_semaphore, #tpu.memory_space<semaphore_mem>>
        tpu.enqueue_dma source(%arg5 : memref<10000x64xf32, #tpu.memory_space<hbm>>) target(%arg10 : memref<10000x64xf32, #tpu.memory_space<vmem_shared>>) target_semaphore(%run_scoped3A : memref<!tpu.dma_semaphore, #tpu.memory_space<semaphore_mem>>)
        tpu.wait_dma2 semaphore(%run_scoped3A : memref<!tpu.dma_semaphore, #tpu.memory_space<semaphore_mem>>) src(%arg5 : memref<10000x64xf32, #tpu.memory_space<hbm>>) dst(%arg10 : memref<10000x64xf32, #tpu.memory_space<vmem_shared>>)
        tpu.yield
      }) : () -> ()
    } else {
    }
    %barrier3A = arith.constant 0 : index
    tpu.barrier barrier_id(%barrier3A)
    %scan3A = arith.constant 0 : i32
    %scan3A_62 = arith.constant 0 : i32
    %scan3A_63 = arith.constant 25 : i32
    %scan3A_64 = arith.addi %scan3A_62, %scan3A_63 : i32
    %scan3A_65 = arith.constant 1 : i32
    %scan3A_66 = scf.for %scan3A_74 = %scan3A_62 to %scan3A_64 step %scan3A_65 iter_args(%scan3A_75 = %scan3A) -> (i32)  : i32 {
      %mul3A_76 = arith.constant 5 : i32
      %mul3A_77 = arith.muli %scan3A_74, %mul3A_76 : i32
      %add3A_78 = arith.constant 0 : i32
      %add3A_79 = arith.addi %mul3A_77, %add3A_78 : i32
      %dma_wait3A = arith.constant 0 : i32
      %dma_wait3A_80 = arith.constant 0 : i32
      %dma_wait3A_81 = arith.constant 0 : i32
      %dma_wait3A_82 = tpu.memref_slice %arg9[%dma_wait3A, %dma_wait3A_80, %dma_wait3A_81] : memref<5x80x64xf32, #tpu.memory_space<vmem>> -> memref<1x80x64xf32, #tpu.memory_space<vmem>>
      %dma_wait3A_83 = tpu.memref_squeeze %dma_wait3A_82 : memref<1x80x64xf32, #tpu.memory_space<vmem>> -> memref<80x64xf32, #tpu.memory_space<vmem>>
      %dma_wait3A_84 = arith.constant 0 : i32
      %dma_wait3A_85 = tpu.memref_slice %arg7[%add3A_79, %dma_wait3A_84] : memref<125x80xi32, #tpu.memory_space<vmem>> -> memref<1x80xi32, #tpu.memory_space<vmem>>
      %dma_wait3A_86 = tpu.memref_squeeze %dma_wait3A_85 : memref<1x80xi32, #tpu.memory_space<vmem>> -> memref<80xi32, #tpu.memory_space<vmem>>
      %dma_wait3A_87 = arith.constant 0 : i32
      %dma_wait3A_88 = arith.constant 0 : i32
      %dma_wait3A_89 = tpu.memref_slice %arg2[%dma_wait3A_87, %dma_wait3A_88] : memref<10000x64xf32, #tpu.memory_space<hbm>> -> memref<10000x64xf32, #tpu.memory_space<hbm>>
      tpu.wait_indirect_dma semaphore(%arg11 : memref<!tpu.dma_semaphore, #tpu.memory_space<semaphore_mem>>) src(%dma_wait3A_89 : memref<10000x64xf32, #tpu.memory_space<hbm>>) dst(%dma_wait3A_83 : memref<80x64xf32, #tpu.memory_space<vmem>>)
      %run_scoped3A = arith.constant 0 : i32
      "tpu.region"() ({
        %run_scoped3A_189 = tpu.sem_alloc : memref<!tpu.dma_semaphore, #tpu.memory_space<semaphore_mem>>
        %dma_start3A_190 = arith.constant 0 : i32
        %dma_start3A_191 = arith.constant 0 : i32
        %dma_start3A_192 = tpu.memref_slice %arg9[%run_scoped3A, %dma_start3A_190, %dma_start3A_191] : memref<5x80x64xf32, #tpu.memory_space<vmem>> -> memref<1x80x64xf32, #tpu.memory_space<vmem>>
        %dma_start3A_193 = tpu.memref_squeeze %dma_start3A_192 : memref<1x80x64xf32, #tpu.memory_space<vmem>> -> memref<80x64xf32, #tpu.memory_space<vmem>>
        %dma_start3A_194 = arith.constant 0 : i32
        %dma_start3A_195 = tpu.memref_slice %arg8[%add3A_79, %dma_start3A_194] : memref<125x80xi32, #tpu.memory_space<vmem>> -> memref<1x80xi32, #tpu.memory_space<vmem>>
        %dma_start3A_196 = tpu.memref_squeeze %dma_start3A_195 : memref<1x80xi32, #tpu.memory_space<vmem>> -> memref<80xi32, #tpu.memory_space<vmem>>
        %dma_start3A_197 = arith.constant 0 : i32
        %dma_start3A_198 = arith.constant 0 : i32
        %dma_start3A_199 = tpu.memref_slice %arg10[%dma_start3A_197, %dma_start3A_198] : memref<10000x64xf32, #tpu.memory_space<vmem_shared>> -> memref<10000x64xf32, #tpu.memory_space<vmem_shared>>
        tpu.enqueue_indirect_dma source(%dma_start3A_193 : memref<80x64xf32, #tpu.memory_space<vmem>>) target(%dma_start3A_199 : memref<10000x64xf32, #tpu.memory_space<vmem_shared>>) offsets(%dma_start3A_196 : memref<80xi32, #tpu.memory_space<vmem>>) semaphore(%run_scoped3A_189 : memref<!tpu.dma_semaphore, #tpu.memory_space<semaphore_mem>>) {add = true}
        %dma_wait3A_200 = arith.constant 0 : i32
        %dma_wait3A_201 = arith.constant 0 : i32
        %dma_wait3A_202 = tpu.memref_slice %arg9[%run_scoped3A, %dma_wait3A_200, %dma_wait3A_201] : memref<5x80x64xf32, #tpu.memory_space<vmem>> -> memref<1x80x64xf32, #tpu.memory_space<vmem>>
        %dma_wait3A_203 = tpu.memref_squeeze %dma_wait3A_202 : memref<1x80x64xf32, #tpu.memory_space<vmem>> -> memref<80x64xf32, #tpu.memory_space<vmem>>
        %dma_wait3A_204 = arith.constant 0 : i32
        %dma_wait3A_205 = tpu.memref_slice %arg8[%add3A_79, %dma_wait3A_204] : memref<125x80xi32, #tpu.memory_space<vmem>> -> memref<1x80xi32, #tpu.memory_space<vmem>>
        %dma_wait3A_206 = tpu.memref_squeeze %dma_wait3A_205 : memref<1x80xi32, #tpu.memory_space<vmem>> -> memref<80xi32, #tpu.memory_space<vmem>>
        %dma_wait3A_207 = arith.constant 0 : i32
        %dma_wait3A_208 = arith.constant 0 : i32
        %dma_wait3A_209 = tpu.memref_slice %arg10[%dma_wait3A_207, %dma_wait3A_208] : memref<10000x64xf32, #tpu.memory_space<vmem_shared>> -> memref<10000x64xf32, #tpu.memory_space<vmem_shared>>
        tpu.wait_indirect_dma semaphore(%run_scoped3A_189 : memref<!tpu.dma_semaphore, #tpu.memory_space<semaphore_mem>>) src(%dma_wait3A_203 : memref<80x64xf32, #tpu.memory_space<vmem>>) dst(%dma_wait3A_209 : memref<10000x64xf32, #tpu.memory_space<vmem_shared>>)
        tpu.yield
      }) : () -> ()
      %add3A_90 = arith.constant 5 : i32
      %add3A_91 = arith.addi %add3A_79, %add3A_90 : i32
      %lt3A = arith.constant 125 : i32
      %lt3A_92 = arith.cmpi slt, %add3A_91, %lt3A : i32
      %convert_element_type3A_93 = arith.extui %lt3A_92 : i1 to i32
      %cond3A_94 = arith.constant 0 : i32
      %cond3A_95 = arith.cmpi ne, %convert_element_type3A_93, %cond3A_94 : i32
      scf.if %cond3A_95 {
        %add3A_189 = arith.constant 5 : i32
        %add3A_190 = arith.addi %add3A_79, %add3A_189 : i32
        %dma_start3A_191 = arith.constant 0 : i32
        %dma_start3A_192 = arith.constant 0 : i32
        %dma_start3A_193 = arith.constant 0 : i32
        %dma_start3A_194 = tpu.memref_slice %arg9[%dma_start3A_191, %dma_start3A_192, %dma_start3A_193] : memref<5x80x64xf32, #tpu.memory_space<vmem>> -> memref<1x80x64xf32, #tpu.memory_space<vmem>>
        %dma_start3A_195 = tpu.memref_squeeze %dma_start3A_194 : memref<1x80x64xf32, #tpu.memory_space<vmem>> -> memref<80x64xf32, #tpu.memory_space<vmem>>
        %dma_start3A_196 = arith.constant 0 : i32
        %dma_start3A_197 = tpu.memref_slice %arg7[%add3A_190, %dma_start3A_196] : memref<125x80xi32, #tpu.memory_space<vmem>> -> memref<1x80xi32, #tpu.memory_space<vmem>>
        %dma_start3A_198 = tpu.memref_squeeze %dma_start3A_197 : memref<1x80xi32, #tpu.memory_space<vmem>> -> memref<80xi32, #tpu.memory_space<vmem>>
        %dma_start3A_199 = arith.constant 0 : i32
        %dma_start3A_200 = arith.constant 0 : i32
        %dma_start3A_201 = tpu.memref_slice %arg2[%dma_start3A_199, %dma_start3A_200] : memref<10000x64xf32, #tpu.memory_space<hbm>> -> memref<10000x64xf32, #tpu.memory_space<hbm>>
        tpu.enqueue_indirect_dma source(%dma_start3A_201 : memref<10000x64xf32, #tpu.memory_space<hbm>>) target(%dma_start3A_195 : memref<80x64xf32, #tpu.memory_space<vmem>>) offsets(%dma_start3A_198 : memref<80xi32, #tpu.memory_space<vmem>>) semaphore(%arg11 : memref<!tpu.dma_semaphore, #tpu.memory_space<semaphore_mem>>)
      } else {
      }
      %mul3A_96 = arith.constant 5 : i32
      %mul3A_97 = arith.muli %scan3A_74, %mul3A_96 : i32
      %add3A_98 = arith.constant 1 : i32
      %add3A_99 = arith.addi %mul3A_97, %add3A_98 : i32
      %dma_wait3A_100 = arith.constant 1 : i32
      %dma_wait3A_101 = arith.constant 0 : i32
      %dma_wait3A_102 = arith.constant 0 : i32
      %dma_wait3A_103 = tpu.memref_slice %arg9[%dma_wait3A_100, %dma_wait3A_101, %dma_wait3A_102] : memref<5x80x64xf32, #tpu.memory_space<vmem>> -> memref<1x80x64xf32, #tpu.memory_space<vmem>>
      %dma_wait3A_104 = tpu.memref_squeeze %dma_wait3A_103 : memref<1x80x64xf32, #tpu.memory_space<vmem>> -> memref<80x64xf32, #tpu.memory_space<vmem>>
      %dma_wait3A_105 = arith.constant 0 : i32
      %dma_wait3A_106 = tpu.memref_slice %arg7[%add3A_99, %dma_wait3A_105] : memref<125x80xi32, #tpu.memory_space<vmem>> -> memref<1x80xi32, #tpu.memory_space<vmem>>
      %dma_wait3A_107 = tpu.memref_squeeze %dma_wait3A_106 : memref<1x80xi32, #tpu.memory_space<vmem>> -> memref<80xi32, #tpu.memory_space<vmem>>
      %dma_wait3A_108 = arith.constant 0 : i32
      %dma_wait3A_109 = arith.constant 0 : i32
      %dma_wait3A_110 = tpu.memref_slice %arg2[%dma_wait3A_108, %dma_wait3A_109] : memref<10000x64xf32, #tpu.memory_space<hbm>> -> memref<10000x64xf32, #tpu.memory_space<hbm>>
      tpu.wait_indirect_dma semaphore(%arg12 : memref<!tpu.dma_semaphore, #tpu.memory_space<semaphore_mem>>) src(%dma_wait3A_110 : memref<10000x64xf32, #tpu.memory_space<hbm>>) dst(%dma_wait3A_104 : memref<80x64xf32, #tpu.memory_space<vmem>>)
      %run_scoped3A_111 = arith.constant 1 : i32
      "tpu.region"() ({
        %run_scoped3A_189 = tpu.sem_alloc : memref<!tpu.dma_semaphore, #tpu.memory_space<semaphore_mem>>
        %dma_start3A_190 = arith.constant 0 : i32
        %dma_start3A_191 = arith.constant 0 : i32
        %dma_start3A_192 = tpu.memref_slice %arg9[%run_scoped3A_111, %dma_start3A_190, %dma_start3A_191] : memref<5x80x64xf32, #tpu.memory_space<vmem>> -> memref<1x80x64xf32, #tpu.memory_space<vmem>>
        %dma_start3A_193 = tpu.memref_squeeze %dma_start3A_192 : memref<1x80x64xf32, #tpu.memory_space<vmem>> -> memref<80x64xf32, #tpu.memory_space<vmem>>
        %dma_start3A_194 = arith.constant 0 : i32
        %dma_start3A_195 = tpu.memref_slice %arg8[%add3A_99, %dma_start3A_194] : memref<125x80xi32, #tpu.memory_space<vmem>> -> memref<1x80xi32, #tpu.memory_space<vmem>>
        %dma_start3A_196 = tpu.memref_squeeze %dma_start3A_195 : memref<1x80xi32, #tpu.memory_space<vmem>> -> memref<80xi32, #tpu.memory_space<vmem>>
        %dma_start3A_197 = arith.constant 0 : i32
        %dma_start3A_198 = arith.constant 0 : i32
        %dma_start3A_199 = tpu.memref_slice %arg10[%dma_start3A_197, %dma_start3A_198] : memref<10000x64xf32, #tpu.memory_space<vmem_shared>> -> memref<10000x64xf32, #tpu.memory_space<vmem_shared>>
        tpu.enqueue_indirect_dma source(%dma_start3A_193 : memref<80x64xf32, #tpu.memory_space<vmem>>) target(%dma_start3A_199 : memref<10000x64xf32, #tpu.memory_space<vmem_shared>>) offsets(%dma_start3A_196 : memref<80xi32, #tpu.memory_space<vmem>>) semaphore(%run_scoped3A_189 : memref<!tpu.dma_semaphore, #tpu.memory_space<semaphore_mem>>) {add = true}
        %dma_wait3A_200 = arith.constant 0 : i32
        %dma_wait3A_201 = arith.constant 0 : i32
        %dma_wait3A_202 = tpu.memref_slice %arg9[%run_scoped3A_111, %dma_wait3A_200, %dma_wait3A_201] : memref<5x80x64xf32, #tpu.memory_space<vmem>> -> memref<1x80x64xf32, #tpu.memory_space<vmem>>
        %dma_wait3A_203 = tpu.memref_squeeze %dma_wait3A_202 : memref<1x80x64xf32, #tpu.memory_space<vmem>> -> memref<80x64xf32, #tpu.memory_space<vmem>>
        %dma_wait3A_204 = arith.constant 0 : i32
        %dma_wait3A_205 = tpu.memref_slice %arg8[%add3A_99, %dma_wait3A_204] : memref<125x80xi32, #tpu.memory_space<vmem>> -> memref<1x80xi32, #tpu.memory_space<vmem>>
        %dma_wait3A_206 = tpu.memref_squeeze %dma_wait3A_205 : memref<1x80xi32, #tpu.memory_space<vmem>> -> memref<80xi32, #tpu.memory_space<vmem>>
        %dma_wait3A_207 = arith.constant 0 : i32
        %dma_wait3A_208 = arith.constant 0 : i32
        %dma_wait3A_209 = tpu.memref_slice %arg10[%dma_wait3A_207, %dma_wait3A_208] : memref<10000x64xf32, #tpu.memory_space<vmem_shared>> -> memref<10000x64xf32, #tpu.memory_space<vmem_shared>>
        tpu.wait_indirect_dma semaphore(%run_scoped3A_189 : memref<!tpu.dma_semaphore, #tpu.memory_space<semaphore_mem>>) src(%dma_wait3A_203 : memref<80x64xf32, #tpu.memory_space<vmem>>) dst(%dma_wait3A_209 : memref<10000x64xf32, #tpu.memory_space<vmem_shared>>)
        tpu.yield
      }) : () -> ()
      %add3A_112 = arith.constant 5 : i32
      %add3A_113 = arith.addi %add3A_99, %add3A_112 : i32
      %lt3A_114 = arith.constant 125 : i32
      %lt3A_115 = arith.cmpi slt, %add3A_113, %lt3A_114 : i32
      %convert_element_type3A_116 = arith.extui %lt3A_115 : i1 to i32
      %cond3A_117 = arith.constant 0 : i32
      %cond3A_118 = arith.cmpi ne, %convert_element_type3A_116, %cond3A_117 : i32
      scf.if %cond3A_118 {
        %add3A_189 = arith.constant 5 : i32
        %add3A_190 = arith.addi %add3A_99, %add3A_189 : i32
        %dma_start3A_191 = arith.constant 1 : i32
        %dma_start3A_192 = arith.constant 0 : i32
        %dma_start3A_193 = arith.constant 0 : i32
        %dma_start3A_194 = tpu.memref_slice %arg9[%dma_start3A_191, %dma_start3A_192, %dma_start3A_193] : memref<5x80x64xf32, #tpu.memory_space<vmem>> -> memref<1x80x64xf32, #tpu.memory_space<vmem>>
        %dma_start3A_195 = tpu.memref_squeeze %dma_start3A_194 : memref<1x80x64xf32, #tpu.memory_space<vmem>> -> memref<80x64xf32, #tpu.memory_space<vmem>>
        %dma_start3A_196 = arith.constant 0 : i32
        %dma_start3A_197 = tpu.memref_slice %arg7[%add3A_190, %dma_start3A_196] : memref<125x80xi32, #tpu.memory_space<vmem>> -> memref<1x80xi32, #tpu.memory_space<vmem>>
        %dma_start3A_198 = tpu.memref_squeeze %dma_start3A_197 : memref<1x80xi32, #tpu.memory_space<vmem>> -> memref<80xi32, #tpu.memory_space<vmem>>
        %dma_start3A_199 = arith.constant 0 : i32
        %dma_start3A_200 = arith.constant 0 : i32
        %dma_start3A_201 = tpu.memref_slice %arg2[%dma_start3A_199, %dma_start3A_200] : memref<10000x64xf32, #tpu.memory_space<hbm>> -> memref<10000x64xf32, #tpu.memory_space<hbm>>
        tpu.enqueue_indirect_dma source(%dma_start3A_201 : memref<10000x64xf32, #tpu.memory_space<hbm>>) target(%dma_start3A_195 : memref<80x64xf32, #tpu.memory_space<vmem>>) offsets(%dma_start3A_198 : memref<80xi32, #tpu.memory_space<vmem>>) semaphore(%arg12 : memref<!tpu.dma_semaphore, #tpu.memory_space<semaphore_mem>>)
      } else {
      }
      %mul3A_119 = arith.constant 5 : i32
      %mul3A_120 = arith.muli %scan3A_74, %mul3A_119 : i32
      %add3A_121 = arith.constant 2 : i32
      %add3A_122 = arith.addi %mul3A_120, %add3A_121 : i32
      %dma_wait3A_123 = arith.constant 2 : i32
      %dma_wait3A_124 = arith.constant 0 : i32
      %dma_wait3A_125 = arith.constant 0 : i32
      %dma_wait3A_126 = tpu.memref_slice %arg9[%dma_wait3A_123, %dma_wait3A_124, %dma_wait3A_125] : memref<5x80x64xf32, #tpu.memory_space<vmem>> -> memref<1x80x64xf32, #tpu.memory_space<vmem>>
      %dma_wait3A_127 = tpu.memref_squeeze %dma_wait3A_126 : memref<1x80x64xf32, #tpu.memory_space<vmem>> -> memref<80x64xf32, #tpu.memory_space<vmem>>
      %dma_wait3A_128 = arith.constant 0 : i32
      %dma_wait3A_129 = tpu.memref_slice %arg7[%add3A_122, %dma_wait3A_128] : memref<125x80xi32, #tpu.memory_space<vmem>> -> memref<1x80xi32, #tpu.memory_space<vmem>>
      %dma_wait3A_130 = tpu.memref_squeeze %dma_wait3A_129 : memref<1x80xi32, #tpu.memory_space<vmem>> -> memref<80xi32, #tpu.memory_space<vmem>>
      %dma_wait3A_131 = arith.constant 0 : i32
      %dma_wait3A_132 = arith.constant 0 : i32
      %dma_wait3A_133 = tpu.memref_slice %arg2[%dma_wait3A_131, %dma_wait3A_132] : memref<10000x64xf32, #tpu.memory_space<hbm>> -> memref<10000x64xf32, #tpu.memory_space<hbm>>
      tpu.wait_indirect_dma semaphore(%arg13 : memref<!tpu.dma_semaphore, #tpu.memory_space<semaphore_mem>>) src(%dma_wait3A_133 : memref<10000x64xf32, #tpu.memory_space<hbm>>) dst(%dma_wait3A_127 : memref<80x64xf32, #tpu.memory_space<vmem>>)
      %run_scoped3A_134 = arith.constant 2 : i32
      "tpu.region"() ({
        %run_scoped3A_189 = tpu.sem_alloc : memref<!tpu.dma_semaphore, #tpu.memory_space<semaphore_mem>>
        %dma_start3A_190 = arith.constant 0 : i32
        %dma_start3A_191 = arith.constant 0 : i32
        %dma_start3A_192 = tpu.memref_slice %arg9[%run_scoped3A_134, %dma_start3A_190, %dma_start3A_191] : memref<5x80x64xf32, #tpu.memory_space<vmem>> -> memref<1x80x64xf32, #tpu.memory_space<vmem>>
        %dma_start3A_193 = tpu.memref_squeeze %dma_start3A_192 : memref<1x80x64xf32, #tpu.memory_space<vmem>> -> memref<80x64xf32, #tpu.memory_space<vmem>>
        %dma_start3A_194 = arith.constant 0 : i32
        %dma_start3A_195 = tpu.memref_slice %arg8[%add3A_122, %dma_start3A_194] : memref<125x80xi32, #tpu.memory_space<vmem>> -> memref<1x80xi32, #tpu.memory_space<vmem>>
        %dma_start3A_196 = tpu.memref_squeeze %dma_start3A_195 : memref<1x80xi32, #tpu.memory_space<vmem>> -> memref<80xi32, #tpu.memory_space<vmem>>
        %dma_start3A_197 = arith.constant 0 : i32
        %dma_start3A_198 = arith.constant 0 : i32
        %dma_start3A_199 = tpu.memref_slice %arg10[%dma_start3A_197, %dma_start3A_198] : memref<10000x64xf32, #tpu.memory_space<vmem_shared>> -> memref<10000x64xf32, #tpu.memory_space<vmem_shared>>
        tpu.enqueue_indirect_dma source(%dma_start3A_193 : memref<80x64xf32, #tpu.memory_space<vmem>>) target(%dma_start3A_199 : memref<10000x64xf32, #tpu.memory_space<vmem_shared>>) offsets(%dma_start3A_196 : memref<80xi32, #tpu.memory_space<vmem>>) semaphore(%run_scoped3A_189 : memref<!tpu.dma_semaphore, #tpu.memory_space<semaphore_mem>>) {add = true}
        %dma_wait3A_200 = arith.constant 0 : i32
        %dma_wait3A_201 = arith.constant 0 : i32
        %dma_wait3A_202 = tpu.memref_slice %arg9[%run_scoped3A_134, %dma_wait3A_200, %dma_wait3A_201] : memref<5x80x64xf32, #tpu.memory_space<vmem>> -> memref<1x80x64xf32, #tpu.memory_space<vmem>>
        %dma_wait3A_203 = tpu.memref_squeeze %dma_wait3A_202 : memref<1x80x64xf32, #tpu.memory_space<vmem>> -> memref<80x64xf32, #tpu.memory_space<vmem>>
        %dma_wait3A_204 = arith.constant 0 : i32
        %dma_wait3A_205 = tpu.memref_slice %arg8[%add3A_122, %dma_wait3A_204] : memref<125x80xi32, #tpu.memory_space<vmem>> -> memref<1x80xi32, #tpu.memory_space<vmem>>
        %dma_wait3A_206 = tpu.memref_squeeze %dma_wait3A_205 : memref<1x80xi32, #tpu.memory_space<vmem>> -> memref<80xi32, #tpu.memory_space<vmem>>
        %dma_wait3A_207 = arith.constant 0 : i32
        %dma_wait3A_208 = arith.constant 0 : i32
        %dma_wait3A_209 = tpu.memref_slice %arg10[%dma_wait3A_207, %dma_wait3A_208] : memref<10000x64xf32, #tpu.memory_space<vmem_shared>> -> memref<10000x64xf32, #tpu.memory_space<vmem_shared>>
        tpu.wait_indirect_dma semaphore(%run_scoped3A_189 : memref<!tpu.dma_semaphore, #tpu.memory_space<semaphore_mem>>) src(%dma_wait3A_203 : memref<80x64xf32, #tpu.memory_space<vmem>>) dst(%dma_wait3A_209 : memref<10000x64xf32, #tpu.memory_space<vmem_shared>>)
        tpu.yield
      }) : () -> ()
      %add3A_135 = arith.constant 5 : i32
      %add3A_136 = arith.addi %add3A_122, %add3A_135 : i32
      %lt3A_137 = arith.constant 125 : i32
      %lt3A_138 = arith.cmpi slt, %add3A_136, %lt3A_137 : i32
      %convert_element_type3A_139 = arith.extui %lt3A_138 : i1 to i32
      %cond3A_140 = arith.constant 0 : i32
      %cond3A_141 = arith.cmpi ne, %convert_element_type3A_139, %cond3A_140 : i32
      scf.if %cond3A_141 {
        %add3A_189 = arith.constant 5 : i32
        %add3A_190 = arith.addi %add3A_122, %add3A_189 : i32
        %dma_start3A_191 = arith.constant 2 : i32
        %dma_start3A_192 = arith.constant 0 : i32
        %dma_start3A_193 = arith.constant 0 : i32
        %dma_start3A_194 = tpu.memref_slice %arg9[%dma_start3A_191, %dma_start3A_192, %dma_start3A_193] : memref<5x80x64xf32, #tpu.memory_space<vmem>> -> memref<1x80x64xf32, #tpu.memory_space<vmem>>
        %dma_start3A_195 = tpu.memref_squeeze %dma_start3A_194 : memref<1x80x64xf32, #tpu.memory_space<vmem>> -> memref<80x64xf32, #tpu.memory_space<vmem>>
        %dma_start3A_196 = arith.constant 0 : i32
        %dma_start3A_197 = tpu.memref_slice %arg7[%add3A_190, %dma_start3A_196] : memref<125x80xi32, #tpu.memory_space<vmem>> -> memref<1x80xi32, #tpu.memory_space<vmem>>
        %dma_start3A_198 = tpu.memref_squeeze %dma_start3A_197 : memref<1x80xi32, #tpu.memory_space<vmem>> -> memref<80xi32, #tpu.memory_space<vmem>>
        %dma_start3A_199 = arith.constant 0 : i32
        %dma_start3A_200 = arith.constant 0 : i32
        %dma_start3A_201 = tpu.memref_slice %arg2[%dma_start3A_199, %dma_start3A_200] : memref<10000x64xf32, #tpu.memory_space<hbm>> -> memref<10000x64xf32, #tpu.memory_space<hbm>>
        tpu.enqueue_indirect_dma source(%dma_start3A_201 : memref<10000x64xf32, #tpu.memory_space<hbm>>) target(%dma_start3A_195 : memref<80x64xf32, #tpu.memory_space<vmem>>) offsets(%dma_start3A_198 : memref<80xi32, #tpu.memory_space<vmem>>) semaphore(%arg13 : memref<!tpu.dma_semaphore, #tpu.memory_space<semaphore_mem>>)
      } else {
      }
      %mul3A_142 = arith.constant 5 : i32
      %mul3A_143 = arith.muli %scan3A_74, %mul3A_142 : i32
      %add3A_144 = arith.constant 3 : i32
      %add3A_145 = arith.addi %mul3A_143, %add3A_144 : i32
      %dma_wait3A_146 = arith.constant 3 : i32
      %dma_wait3A_147 = arith.constant 0 : i32
      %dma_wait3A_148 = arith.constant 0 : i32
      %dma_wait3A_149 = tpu.memref_slice %arg9[%dma_wait3A_146, %dma_wait3A_147, %dma_wait3A_148] : memref<5x80x64xf32, #tpu.memory_space<vmem>> -> memref<1x80x64xf32, #tpu.memory_space<vmem>>
      %dma_wait3A_150 = tpu.memref_squeeze %dma_wait3A_149 : memref<1x80x64xf32, #tpu.memory_space<vmem>> -> memref<80x64xf32, #tpu.memory_space<vmem>>
      %dma_wait3A_151 = arith.constant 0 : i32
      %dma_wait3A_152 = tpu.memref_slice %arg7[%add3A_145, %dma_wait3A_151] : memref<125x80xi32, #tpu.memory_space<vmem>> -> memref<1x80xi32, #tpu.memory_space<vmem>>
      %dma_wait3A_153 = tpu.memref_squeeze %dma_wait3A_152 : memref<1x80xi32, #tpu.memory_space<vmem>> -> memref<80xi32, #tpu.memory_space<vmem>>
      %dma_wait3A_154 = arith.constant 0 : i32
      %dma_wait3A_155 = arith.constant 0 : i32
      %dma_wait3A_156 = tpu.memref_slice %arg2[%dma_wait3A_154, %dma_wait3A_155] : memref<10000x64xf32, #tpu.memory_space<hbm>> -> memref<10000x64xf32, #tpu.memory_space<hbm>>
      tpu.wait_indirect_dma semaphore(%arg14 : memref<!tpu.dma_semaphore, #tpu.memory_space<semaphore_mem>>) src(%dma_wait3A_156 : memref<10000x64xf32, #tpu.memory_space<hbm>>) dst(%dma_wait3A_150 : memref<80x64xf32, #tpu.memory_space<vmem>>)
      %run_scoped3A_157 = arith.constant 3 : i32
      "tpu.region"() ({
        %run_scoped3A_189 = tpu.sem_alloc : memref<!tpu.dma_semaphore, #tpu.memory_space<semaphore_mem>>
        %dma_start3A_190 = arith.constant 0 : i32
        %dma_start3A_191 = arith.constant 0 : i32
        %dma_start3A_192 = tpu.memref_slice %arg9[%run_scoped3A_157, %dma_start3A_190, %dma_start3A_191] : memref<5x80x64xf32, #tpu.memory_space<vmem>> -> memref<1x80x64xf32, #tpu.memory_space<vmem>>
        %dma_start3A_193 = tpu.memref_squeeze %dma_start3A_192 : memref<1x80x64xf32, #tpu.memory_space<vmem>> -> memref<80x64xf32, #tpu.memory_space<vmem>>
        %dma_start3A_194 = arith.constant 0 : i32
        %dma_start3A_195 = tpu.memref_slice %arg8[%add3A_145, %dma_start3A_194] : memref<125x80xi32, #tpu.memory_space<vmem>> -> memref<1x80xi32, #tpu.memory_space<vmem>>
        %dma_start3A_196 = tpu.memref_squeeze %dma_start3A_195 : memref<1x80xi32, #tpu.memory_space<vmem>> -> memref<80xi32, #tpu.memory_space<vmem>>
        %dma_start3A_197 = arith.constant 0 : i32
        %dma_start3A_198 = arith.constant 0 : i32
        %dma_start3A_199 = tpu.memref_slice %arg10[%dma_start3A_197, %dma_start3A_198] : memref<10000x64xf32, #tpu.memory_space<vmem_shared>> -> memref<10000x64xf32, #tpu.memory_space<vmem_shared>>
        tpu.enqueue_indirect_dma source(%dma_start3A_193 : memref<80x64xf32, #tpu.memory_space<vmem>>) target(%dma_start3A_199 : memref<10000x64xf32, #tpu.memory_space<vmem_shared>>) offsets(%dma_start3A_196 : memref<80xi32, #tpu.memory_space<vmem>>) semaphore(%run_scoped3A_189 : memref<!tpu.dma_semaphore, #tpu.memory_space<semaphore_mem>>) {add = true}
        %dma_wait3A_200 = arith.constant 0 : i32
        %dma_wait3A_201 = arith.constant 0 : i32
        %dma_wait3A_202 = tpu.memref_slice %arg9[%run_scoped3A_157, %dma_wait3A_200, %dma_wait3A_201] : memref<5x80x64xf32, #tpu.memory_space<vmem>> -> memref<1x80x64xf32, #tpu.memory_space<vmem>>
        %dma_wait3A_203 = tpu.memref_squeeze %dma_wait3A_202 : memref<1x80x64xf32, #tpu.memory_space<vmem>> -> memref<80x64xf32, #tpu.memory_space<vmem>>
        %dma_wait3A_204 = arith.constant 0 : i32
        %dma_wait3A_205 = tpu.memref_slice %arg8[%add3A_145, %dma_wait3A_204] : memref<125x80xi32, #tpu.memory_space<vmem>> -> memref<1x80xi32, #tpu.memory_space<vmem>>
        %dma_wait3A_206 = tpu.memref_squeeze %dma_wait3A_205 : memref<1x80xi32, #tpu.memory_space<vmem>> -> memref<80xi32, #tpu.memory_space<vmem>>
        %dma_wait3A_207 = arith.constant 0 : i32
        %dma_wait3A_208 = arith.constant 0 : i32
        %dma_wait3A_209 = tpu.memref_slice %arg10[%dma_wait3A_207, %dma_wait3A_208] : memref<10000x64xf32, #tpu.memory_space<vmem_shared>> -> memref<10000x64xf32, #tpu.memory_space<vmem_shared>>
        tpu.wait_indirect_dma semaphore(%run_scoped3A_189 : memref<!tpu.dma_semaphore, #tpu.memory_space<semaphore_mem>>) src(%dma_wait3A_203 : memref<80x64xf32, #tpu.memory_space<vmem>>) dst(%dma_wait3A_209 : memref<10000x64xf32, #tpu.memory_space<vmem_shared>>)
        tpu.yield
      }) : () -> ()
      %add3A_158 = arith.constant 5 : i32
      %add3A_159 = arith.addi %add3A_145, %add3A_158 : i32
      %lt3A_160 = arith.constant 125 : i32
      %lt3A_161 = arith.cmpi slt, %add3A_159, %lt3A_160 : i32
      %convert_element_type3A_162 = arith.extui %lt3A_161 : i1 to i32
      %cond3A_163 = arith.constant 0 : i32
      %cond3A_164 = arith.cmpi ne, %convert_element_type3A_162, %cond3A_163 : i32
      scf.if %cond3A_164 {
        %add3A_189 = arith.constant 5 : i32
        %add3A_190 = arith.addi %add3A_145, %add3A_189 : i32
        %dma_start3A_191 = arith.constant 3 : i32
        %dma_start3A_192 = arith.constant 0 : i32
        %dma_start3A_193 = arith.constant 0 : i32
        %dma_start3A_194 = tpu.memref_slice %arg9[%dma_start3A_191, %dma_start3A_192, %dma_start3A_193] : memref<5x80x64xf32, #tpu.memory_space<vmem>> -> memref<1x80x64xf32, #tpu.memory_space<vmem>>
        %dma_start3A_195 = tpu.memref_squeeze %dma_start3A_194 : memref<1x80x64xf32, #tpu.memory_space<vmem>> -> memref<80x64xf32, #tpu.memory_space<vmem>>
        %dma_start3A_196 = arith.constant 0 : i32
        %dma_start3A_197 = tpu.memref_slice %arg7[%add3A_190, %dma_start3A_196] : memref<125x80xi32, #tpu.memory_space<vmem>> -> memref<1x80xi32, #tpu.memory_space<vmem>>
        %dma_start3A_198 = tpu.memref_squeeze %dma_start3A_197 : memref<1x80xi32, #tpu.memory_space<vmem>> -> memref<80xi32, #tpu.memory_space<vmem>>
        %dma_start3A_199 = arith.constant 0 : i32
        %dma_start3A_200 = arith.constant 0 : i32
        %dma_start3A_201 = tpu.memref_slice %arg2[%dma_start3A_199, %dma_start3A_200] : memref<10000x64xf32, #tpu.memory_space<hbm>> -> memref<10000x64xf32, #tpu.memory_space<hbm>>
        tpu.enqueue_indirect_dma source(%dma_start3A_201 : memref<10000x64xf32, #tpu.memory_space<hbm>>) target(%dma_start3A_195 : memref<80x64xf32, #tpu.memory_space<vmem>>) offsets(%dma_start3A_198 : memref<80xi32, #tpu.memory_space<vmem>>) semaphore(%arg14 : memref<!tpu.dma_semaphore, #tpu.memory_space<semaphore_mem>>)
      } else {
      }
      %mul3A_165 = arith.constant 5 : i32
      %mul3A_166 = arith.muli %scan3A_74, %mul3A_165 : i32
      %add3A_167 = arith.constant 4 : i32
      %add3A_168 = arith.addi %mul3A_166, %add3A_167 : i32
      %dma_wait3A_169 = arith.constant 4 : i32
      %dma_wait3A_170 = arith.constant 0 : i32
      %dma_wait3A_171 = arith.constant 0 : i32
      %dma_wait3A_172 = tpu.memref_slice %arg9[%dma_wait3A_169, %dma_wait3A_170, %dma_wait3A_171] : memref<5x80x64xf32, #tpu.memory_space<vmem>> -> memref<1x80x64xf32, #tpu.memory_space<vmem>>
      %dma_wait3A_173 = tpu.memref_squeeze %dma_wait3A_172 : memref<1x80x64xf32, #tpu.memory_space<vmem>> -> memref<80x64xf32, #tpu.memory_space<vmem>>
      %dma_wait3A_174 = arith.constant 0 : i32
      %dma_wait3A_175 = tpu.memref_slice %arg7[%add3A_168, %dma_wait3A_174] : memref<125x80xi32, #tpu.memory_space<vmem>> -> memref<1x80xi32, #tpu.memory_space<vmem>>
      %dma_wait3A_176 = tpu.memref_squeeze %dma_wait3A_175 : memref<1x80xi32, #tpu.memory_space<vmem>> -> memref<80xi32, #tpu.memory_space<vmem>>
      %dma_wait3A_177 = arith.constant 0 : i32
      %dma_wait3A_178 = arith.constant 0 : i32
      %dma_wait3A_179 = tpu.memref_slice %arg2[%dma_wait3A_177, %dma_wait3A_178] : memref<10000x64xf32, #tpu.memory_space<hbm>> -> memref<10000x64xf32, #tpu.memory_space<hbm>>
      tpu.wait_indirect_dma semaphore(%arg15 : memref<!tpu.dma_semaphore, #tpu.memory_space<semaphore_mem>>) src(%dma_wait3A_179 : memref<10000x64xf32, #tpu.memory_space<hbm>>) dst(%dma_wait3A_173 : memref<80x64xf32, #tpu.memory_space<vmem>>)
      %run_scoped3A_180 = arith.constant 4 : i32
      "tpu.region"() ({
        %run_scoped3A_189 = tpu.sem_alloc : memref<!tpu.dma_semaphore, #tpu.memory_space<semaphore_mem>>
        %dma_start3A_190 = arith.constant 0 : i32
        %dma_start3A_191 = arith.constant 0 : i32
        %dma_start3A_192 = tpu.memref_slice %arg9[%run_scoped3A_180, %dma_start3A_190, %dma_start3A_191] : memref<5x80x64xf32, #tpu.memory_space<vmem>> -> memref<1x80x64xf32, #tpu.memory_space<vmem>>
        %dma_start3A_193 = tpu.memref_squeeze %dma_start3A_192 : memref<1x80x64xf32, #tpu.memory_space<vmem>> -> memref<80x64xf32, #tpu.memory_space<vmem>>
        %dma_start3A_194 = arith.constant 0 : i32
        %dma_start3A_195 = tpu.memref_slice %arg8[%add3A_168, %dma_start3A_194] : memref<125x80xi32, #tpu.memory_space<vmem>> -> memref<1x80xi32, #tpu.memory_space<vmem>>
        %dma_start3A_196 = tpu.memref_squeeze %dma_start3A_195 : memref<1x80xi32, #tpu.memory_space<vmem>> -> memref<80xi32, #tpu.memory_space<vmem>>
        %dma_start3A_197 = arith.constant 0 : i32
        %dma_start3A_198 = arith.constant 0 : i32
        %dma_start3A_199 = tpu.memref_slice %arg10[%dma_start3A_197, %dma_start3A_198] : memref<10000x64xf32, #tpu.memory_space<vmem_shared>> -> memref<10000x64xf32, #tpu.memory_space<vmem_shared>>
        tpu.enqueue_indirect_dma source(%dma_start3A_193 : memref<80x64xf32, #tpu.memory_space<vmem>>) target(%dma_start3A_199 : memref<10000x64xf32, #tpu.memory_space<vmem_shared>>) offsets(%dma_start3A_196 : memref<80xi32, #tpu.memory_space<vmem>>) semaphore(%run_scoped3A_189 : memref<!tpu.dma_semaphore, #tpu.memory_space<semaphore_mem>>) {add = true}
        %dma_wait3A_200 = arith.constant 0 : i32
        %dma_wait3A_201 = arith.constant 0 : i32
        %dma_wait3A_202 = tpu.memref_slice %arg9[%run_scoped3A_180, %dma_wait3A_200, %dma_wait3A_201] : memref<5x80x64xf32, #tpu.memory_space<vmem>> -> memref<1x80x64xf32, #tpu.memory_space<vmem>>
        %dma_wait3A_203 = tpu.memref_squeeze %dma_wait3A_202 : memref<1x80x64xf32, #tpu.memory_space<vmem>> -> memref<80x64xf32, #tpu.memory_space<vmem>>
        %dma_wait3A_204 = arith.constant 0 : i32
        %dma_wait3A_205 = tpu.memref_slice %arg8[%add3A_168, %dma_wait3A_204] : memref<125x80xi32, #tpu.memory_space<vmem>> -> memref<1x80xi32, #tpu.memory_space<vmem>>
        %dma_wait3A_206 = tpu.memref_squeeze %dma_wait3A_205 : memref<1x80xi32, #tpu.memory_space<vmem>> -> memref<80xi32, #tpu.memory_space<vmem>>
        %dma_wait3A_207 = arith.constant 0 : i32
        %dma_wait3A_208 = arith.constant 0 : i32
        %dma_wait3A_209 = tpu.memref_slice %arg10[%dma_wait3A_207, %dma_wait3A_208] : memref<10000x64xf32, #tpu.memory_space<vmem_shared>> -> memref<10000x64xf32, #tpu.memory_space<vmem_shared>>
        tpu.wait_indirect_dma semaphore(%run_scoped3A_189 : memref<!tpu.dma_semaphore, #tpu.memory_space<semaphore_mem>>) src(%dma_wait3A_203 : memref<80x64xf32, #tpu.memory_space<vmem>>) dst(%dma_wait3A_209 : memref<10000x64xf32, #tpu.memory_space<vmem_shared>>)
        tpu.yield
      }) : () -> ()
      %add3A_181 = arith.constant 5 : i32
      %add3A_182 = arith.addi %add3A_168, %add3A_181 : i32
      %lt3A_183 = arith.constant 125 : i32
      %lt3A_184 = arith.cmpi slt, %add3A_182, %lt3A_183 : i32
      %convert_element_type3A_185 = arith.extui %lt3A_184 : i1 to i32
      %cond3A_186 = arith.constant 0 : i32
      %cond3A_187 = arith.cmpi ne, %convert_element_type3A_185, %cond3A_186 : i32
      scf.if %cond3A_187 {
        %add3A_189 = arith.constant 5 : i32
        %add3A_190 = arith.addi %add3A_168, %add3A_189 : i32
        %dma_start3A_191 = arith.constant 4 : i32
        %dma_start3A_192 = arith.constant 0 : i32
        %dma_start3A_193 = arith.constant 0 : i32
        %dma_start3A_194 = tpu.memref_slice %arg9[%dma_start3A_191, %dma_start3A_192, %dma_start3A_193] : memref<5x80x64xf32, #tpu.memory_space<vmem>> -> memref<1x80x64xf32, #tpu.memory_space<vmem>>
        %dma_start3A_195 = tpu.memref_squeeze %dma_start3A_194 : memref<1x80x64xf32, #tpu.memory_space<vmem>> -> memref<80x64xf32, #tpu.memory_space<vmem>>
        %dma_start3A_196 = arith.constant 0 : i32
        %dma_start3A_197 = tpu.memref_slice %arg7[%add3A_190, %dma_start3A_196] : memref<125x80xi32, #tpu.memory_space<vmem>> -> memref<1x80xi32, #tpu.memory_space<vmem>>
        %dma_start3A_198 = tpu.memref_squeeze %dma_start3A_197 : memref<1x80xi32, #tpu.memory_space<vmem>> -> memref<80xi32, #tpu.memory_space<vmem>>
        %dma_start3A_199 = arith.constant 0 : i32
        %dma_start3A_200 = arith.constant 0 : i32
        %dma_start3A_201 = tpu.memref_slice %arg2[%dma_start3A_199, %dma_start3A_200] : memref<10000x64xf32, #tpu.memory_space<hbm>> -> memref<10000x64xf32, #tpu.memory_space<hbm>>
        tpu.enqueue_indirect_dma source(%dma_start3A_201 : memref<10000x64xf32, #tpu.memory_space<hbm>>) target(%dma_start3A_195 : memref<80x64xf32, #tpu.memory_space<vmem>>) offsets(%dma_start3A_198 : memref<80xi32, #tpu.memory_space<vmem>>) semaphore(%arg15 : memref<!tpu.dma_semaphore, #tpu.memory_space<semaphore_mem>>)
      } else {
      }
      %scan3A_188 = arith.constant 0 : i32
      scf.yield %scan3A_188 : i32
    }
    %scan3A_67 = arith.constant 25 : i32
    %barrier3A_68 = arith.constant 0 : index
    tpu.barrier barrier_id(%barrier3A_68)
    %eq3A_69 = arith.constant 0 : i32
    %eq3A_70 = arith.cmpi eq, %arg1, %eq3A_69 : i32
    %convert_element_type3A_71 = arith.extui %eq3A_70 : i1 to i32
    %cond3A_72 = arith.constant 0 : i32
    %cond3A_73 = arith.cmpi ne, %convert_element_type3A_71, %cond3A_72 : i32
    scf.if %cond3A_73 {
      "tpu.region"() ({
        %run_scoped3A = tpu.sem_alloc : memref<!tpu.dma_semaphore, #tpu.memory_space<semaphore_mem>>
        %dma_start3A_74 = arith.constant 0 : i32
        %dma_start3A_75 = arith.constant 0 : i32
        %dma_start3A_76 = tpu.memref_slice %arg6[%arg0, %dma_start3A_74, %dma_start3A_75] : memref<2x10000x64xf32, #tpu.memory_space<hbm>> -> memref<1x10000x64xf32, #tpu.memory_space<hbm>>
        %dma_start3A_77 = tpu.memref_squeeze %dma_start3A_76 : memref<1x10000x64xf32, #tpu.memory_space<hbm>> -> memref<10000x64xf32, #tpu.memory_space<hbm>>
        tpu.enqueue_dma source(%arg10 : memref<10000x64xf32, #tpu.memory_space<vmem_shared>>) target(%dma_start3A_77 : memref<10000x64xf32, #tpu.memory_space<hbm>>) target_semaphore(%run_scoped3A : memref<!tpu.dma_semaphore, #tpu.memory_space<semaphore_mem>>)
        %dma_wait3A = arith.constant 0 : i32
        %dma_wait3A_78 = arith.constant 0 : i32
        %dma_wait3A_79 = tpu.memref_slice %arg6[%arg0, %dma_wait3A, %dma_wait3A_78] : memref<2x10000x64xf32, #tpu.memory_space<hbm>> -> memref<1x10000x64xf32, #tpu.memory_space<hbm>>
        %dma_wait3A_80 = tpu.memref_squeeze %dma_wait3A_79 : memref<1x10000x64xf32, #tpu.memory_space<hbm>> -> memref<10000x64xf32, #tpu.memory_space<hbm>>
        tpu.wait_dma2 semaphore(%run_scoped3A : memref<!tpu.dma_semaphore, #tpu.memory_space<semaphore_mem>>) src(%arg10 : memref<10000x64xf32, #tpu.memory_space<vmem_shared>>) dst(%dma_wait3A_80 : memref<10000x64xf32, #tpu.memory_space<hbm>>)
        tpu.yield
      }) : () -> ()
    } else {
    }
    return
  }
}

#map = affine_map<(d0, d1) -> (0, 0)>
#map1 = affine_map<(d0, d1) -> (0, 0, 0)>
module attributes {stable_mosaic.version = 14 : i64} {
  func.func @_segsum_sc(%arg0: i32, %arg1: i32, %arg2: memref<10000x64xf32, #tpu.memory_space<hbm>>, %arg3: memref<32x125x80xi32, #tpu.memory_space<hbm>>, %arg4: memref<32x125x80xi32, #tpu.memory_space<hbm>>, %arg5: memref<10000x64xf32, #tpu.memory_space<hbm>>, %arg6: memref<2x10000x64xf32, #tpu.memory_space<hbm>>, %arg7: memref<125x80xi32, #tpu.memory_space<vmem>>, %arg8: memref<125x80xi32, #tpu.memory_space<vmem>>, %arg9: memref<5x80x64xf32, #tpu.memory_space<vmem>>, %arg10: memref<10000x64xf32, #tpu.memory_space<vmem_shared>>, %arg11: memref<!tpu.dma_semaphore, #tpu.memory_space<semaphore_mem>>, %arg12: memref<!tpu.dma_semaphore, #tpu.memory_space<semaphore_mem>>, %arg13: memref<!tpu.dma_semaphore, #tpu.memory_space<semaphore_mem>>, %arg14: memref<!tpu.dma_semaphore, #tpu.memory_space<semaphore_mem>>, %arg15: memref<!tpu.dma_semaphore, #tpu.memory_space<semaphore_mem>>) attributes {dimension_semantics = [#tpu.dimension_semantics<core_parallel>, #tpu.dimension_semantics<subcore_parallel>], iteration_bounds = array<i64: 2, 16>, scalar_prefetch = 0 : i64, scratch_operands = 9 : i64, tpu.core_type = #tpu.core_type<sc_vector_subcore>, window_params = [{transform_indices = #map}, {transform_indices = #map1}, {transform_indices = #map1}, {transform_indices = #map}, {transform_indices = #map1}]} {
    %mul3A = arith.constant 2 : i32
    %mul3A_0 = arith.muli %arg1, %mul3A : i32
    %add3A = arith.addi %mul3A_0, %arg0 : i32
    "tpu.region"() ({
      %run_scoped3A = tpu.sem_alloc : memref<!tpu.dma_semaphore, #tpu.memory_space<semaphore_mem>>
      %dma_start3A_74 = arith.constant 0 : i32
      %dma_start3A_75 = arith.constant 0 : i32
      %dma_start3A_76 = tpu.memref_slice %arg3[%add3A, %dma_start3A_74, %dma_start3A_75] : memref<32x125x80xi32, #tpu.memory_space<hbm>> -> memref<1x125x80xi32, #tpu.memory_space<hbm>>
      %dma_start3A_77 = tpu.memref_squeeze %dma_start3A_76 : memref<1x125x80xi32, #tpu.memory_space<hbm>> -> memref<125x80xi32, #tpu.memory_space<hbm>>
      %dma_start3A_78 = arith.constant 0 : i32
      %dma_start3A_79 = arith.constant 0 : i32
      %dma_start3A_80 = tpu.memref_slice %arg3[%add3A, %dma_start3A_78, %dma_start3A_79] : memref<32x125x80xi32, #tpu.memory_space<hbm>> -> memref<1x125x80xi32, #tpu.memory_space<hbm>>
      %dma_start3A_81 = tpu.memref_squeeze %dma_start3A_80 : memref<1x125x80xi32, #tpu.memory_space<hbm>> -> memref<125x80xi32, #tpu.memory_space<hbm>>
      tpu.enqueue_dma source(%dma_start3A_81 : memref<125x80xi32, #tpu.memory_space<hbm>>) target(%arg7 : memref<125x80xi32, #tpu.memory_space<vmem>>) target_semaphore(%run_scoped3A : memref<!tpu.dma_semaphore, #tpu.memory_space<semaphore_mem>>)
      %dma_wait3A = arith.constant 0 : i32
      %dma_wait3A_82 = arith.constant 0 : i32
      %dma_wait3A_83 = tpu.memref_slice %arg3[%add3A, %dma_wait3A, %dma_wait3A_82] : memref<32x125x80xi32, #tpu.memory_space<hbm>> -> memref<1x125x80xi32, #tpu.memory_space<hbm>>
      %dma_wait3A_84 = tpu.memref_squeeze %dma_wait3A_83 : memref<1x125x80xi32, #tpu.memory_space<hbm>> -> memref<125x80xi32, #tpu.memory_space<hbm>>
      %dma_wait3A_85 = arith.constant 0 : i32
      %dma_wait3A_86 = arith.constant 0 : i32
      %dma_wait3A_87 = tpu.memref_slice %arg3[%add3A, %dma_wait3A_85, %dma_wait3A_86] : memref<32x125x80xi32, #tpu.memory_space<hbm>> -> memref<1x125x80xi32, #tpu.memory_space<hbm>>
      %dma_wait3A_88 = tpu.memref_squeeze %dma_wait3A_87 : memref<1x125x80xi32, #tpu.memory_space<hbm>> -> memref<125x80xi32, #tpu.memory_space<hbm>>
      tpu.wait_dma2 semaphore(%run_scoped3A : memref<!tpu.dma_semaphore, #tpu.memory_space<semaphore_mem>>) src(%dma_wait3A_88 : memref<125x80xi32, #tpu.memory_space<hbm>>) dst(%arg7 : memref<125x80xi32, #tpu.memory_space<vmem>>)
      tpu.yield
    }) : () -> ()
    %dma_start3A = arith.constant 0 : i32
    %dma_start3A_1 = arith.constant 0 : i32
    %dma_start3A_2 = arith.constant 0 : i32
    %dma_start3A_3 = arith.constant 0 : i32
    %dma_start3A_4 = tpu.memref_slice %arg9[%dma_start3A_1, %dma_start3A_2, %dma_start3A_3] : memref<5x80x64xf32, #tpu.memory_space<vmem>> -> memref<1x80x64xf32, #tpu.memory_space<vmem>>
    %dma_start3A_5 = tpu.memref_squeeze %dma_start3A_4 : memref<1x80x64xf32, #tpu.memory_space<vmem>> -> memref<80x64xf32, #tpu.memory_space<vmem>>
    %dma_start3A_6 = arith.constant 0 : i32
    %dma_start3A_7 = tpu.memref_slice %arg7[%dma_start3A, %dma_start3A_6] : memref<125x80xi32, #tpu.memory_space<vmem>> -> memref<1x80xi32, #tpu.memory_space<vmem>>
    %dma_start3A_8 = tpu.memref_squeeze %dma_start3A_7 : memref<1x80xi32, #tpu.memory_space<vmem>> -> memref<80xi32, #tpu.memory_space<vmem>>
    %dma_start3A_9 = arith.constant 0 : i32
    %dma_start3A_10 = arith.constant 0 : i32
    %dma_start3A_11 = tpu.memref_slice %arg2[%dma_start3A_9, %dma_start3A_10] : memref<10000x64xf32, #tpu.memory_space<hbm>> -> memref<10000x64xf32, #tpu.memory_space<hbm>>
    tpu.enqueue_indirect_dma source(%dma_start3A_11 : memref<10000x64xf32, #tpu.memory_space<hbm>>) target(%dma_start3A_5 : memref<80x64xf32, #tpu.memory_space<vmem>>) offsets(%dma_start3A_8 : memref<80xi32, #tpu.memory_space<vmem>>) semaphore(%arg11 : memref<!tpu.dma_semaphore, #tpu.memory_space<semaphore_mem>>)
    %dma_start3A_12 = arith.constant 1 : i32
    %dma_start3A_13 = arith.constant 1 : i32
    %dma_start3A_14 = arith.constant 0 : i32
    %dma_start3A_15 = arith.constant 0 : i32
    %dma_start3A_16 = tpu.memref_slice %arg9[%dma_start3A_13, %dma_start3A_14, %dma_start3A_15] : memref<5x80x64xf32, #tpu.memory_space<vmem>> -> memref<1x80x64xf32, #tpu.memory_space<vmem>>
    %dma_start3A_17 = tpu.memref_squeeze %dma_start3A_16 : memref<1x80x64xf32, #tpu.memory_space<vmem>> -> memref<80x64xf32, #tpu.memory_space<vmem>>
    %dma_start3A_18 = arith.constant 0 : i32
    %dma_start3A_19 = tpu.memref_slice %arg7[%dma_start3A_12, %dma_start3A_18] : memref<125x80xi32, #tpu.memory_space<vmem>> -> memref<1x80xi32, #tpu.memory_space<vmem>>
    %dma_start3A_20 = tpu.memref_squeeze %dma_start3A_19 : memref<1x80xi32, #tpu.memory_space<vmem>> -> memref<80xi32, #tpu.memory_space<vmem>>
    %dma_start3A_21 = arith.constant 0 : i32
    %dma_start3A_22 = arith.constant 0 : i32
    %dma_start3A_23 = tpu.memref_slice %arg2[%dma_start3A_21, %dma_start3A_22] : memref<10000x64xf32, #tpu.memory_space<hbm>> -> memref<10000x64xf32, #tpu.memory_space<hbm>>
    tpu.enqueue_indirect_dma source(%dma_start3A_23 : memref<10000x64xf32, #tpu.memory_space<hbm>>) target(%dma_start3A_17 : memref<80x64xf32, #tpu.memory_space<vmem>>) offsets(%dma_start3A_20 : memref<80xi32, #tpu.memory_space<vmem>>) semaphore(%arg12 : memref<!tpu.dma_semaphore, #tpu.memory_space<semaphore_mem>>)
    %dma_start3A_24 = arith.constant 2 : i32
    %dma_start3A_25 = arith.constant 2 : i32
    %dma_start3A_26 = arith.constant 0 : i32
    %dma_start3A_27 = arith.constant 0 : i32
    %dma_start3A_28 = tpu.memref_slice %arg9[%dma_start3A_25, %dma_start3A_26, %dma_start3A_27] : memref<5x80x64xf32, #tpu.memory_space<vmem>> -> memref<1x80x64xf32, #tpu.memory_space<vmem>>
    %dma_start3A_29 = tpu.memref_squeeze %dma_start3A_28 : memref<1x80x64xf32, #tpu.memory_space<vmem>> -> memref<80x64xf32, #tpu.memory_space<vmem>>
    %dma_start3A_30 = arith.constant 0 : i32
    %dma_start3A_31 = tpu.memref_slice %arg7[%dma_start3A_24, %dma_start3A_30] : memref<125x80xi32, #tpu.memory_space<vmem>> -> memref<1x80xi32, #tpu.memory_space<vmem>>
    %dma_start3A_32 = tpu.memref_squeeze %dma_start3A_31 : memref<1x80xi32, #tpu.memory_space<vmem>> -> memref<80xi32, #tpu.memory_space<vmem>>
    %dma_start3A_33 = arith.constant 0 : i32
    %dma_start3A_34 = arith.constant 0 : i32
    %dma_start3A_35 = tpu.memref_slice %arg2[%dma_start3A_33, %dma_start3A_34] : memref<10000x64xf32, #tpu.memory_space<hbm>> -> memref<10000x64xf32, #tpu.memory_space<hbm>>
    tpu.enqueue_indirect_dma source(%dma_start3A_35 : memref<10000x64xf32, #tpu.memory_space<hbm>>) target(%dma_start3A_29 : memref<80x64xf32, #tpu.memory_space<vmem>>) offsets(%dma_start3A_32 : memref<80xi32, #tpu.memory_space<vmem>>) semaphore(%arg13 : memref<!tpu.dma_semaphore, #tpu.memory_space<semaphore_mem>>)
    %dma_start3A_36 = arith.constant 3 : i32
    %dma_start3A_37 = arith.constant 3 : i32
    %dma_start3A_38 = arith.constant 0 : i32
    %dma_start3A_39 = arith.constant 0 : i32
    %dma_start3A_40 = tpu.memref_slice %arg9[%dma_start3A_37, %dma_start3A_38, %dma_start3A_39] : memref<5x80x64xf32, #tpu.memory_space<vmem>> -> memref<1x80x64xf32, #tpu.memory_space<vmem>>
    %dma_start3A_41 = tpu.memref_squeeze %dma_start3A_40 : memref<1x80x64xf32, #tpu.memory_space<vmem>> -> memref<80x64xf32, #tpu.memory_space<vmem>>
    %dma_start3A_42 = arith.constant 0 : i32
    %dma_start3A_43 = tpu.memref_slice %arg7[%dma_start3A_36, %dma_start3A_42] : memref<125x80xi32, #tpu.memory_space<vmem>> -> memref<1x80xi32, #tpu.memory_space<vmem>>
    %dma_start3A_44 = tpu.memref_squeeze %dma_start3A_43 : memref<1x80xi32, #tpu.memory_space<vmem>> -> memref<80xi32, #tpu.memory_space<vmem>>
    %dma_start3A_45 = arith.constant 0 : i32
    %dma_start3A_46 = arith.constant 0 : i32
    %dma_start3A_47 = tpu.memref_slice %arg2[%dma_start3A_45, %dma_start3A_46] : memref<10000x64xf32, #tpu.memory_space<hbm>> -> memref<10000x64xf32, #tpu.memory_space<hbm>>
    tpu.enqueue_indirect_dma source(%dma_start3A_47 : memref<10000x64xf32, #tpu.memory_space<hbm>>) target(%dma_start3A_41 : memref<80x64xf32, #tpu.memory_space<vmem>>) offsets(%dma_start3A_44 : memref<80xi32, #tpu.memory_space<vmem>>) semaphore(%arg14 : memref<!tpu.dma_semaphore, #tpu.memory_space<semaphore_mem>>)
    %dma_start3A_48 = arith.constant 4 : i32
    %dma_start3A_49 = arith.constant 4 : i32
    %dma_start3A_50 = arith.constant 0 : i32
    %dma_start3A_51 = arith.constant 0 : i32
    %dma_start3A_52 = tpu.memref_slice %arg9[%dma_start3A_49, %dma_start3A_50, %dma_start3A_51] : memref<5x80x64xf32, #tpu.memory_space<vmem>> -> memref<1x80x64xf32, #tpu.memory_space<vmem>>
    %dma_start3A_53 = tpu.memref_squeeze %dma_start3A_52 : memref<1x80x64xf32, #tpu.memory_space<vmem>> -> memref<80x64xf32, #tpu.memory_space<vmem>>
    %dma_start3A_54 = arith.constant 0 : i32
    %dma_start3A_55 = tpu.memref_slice %arg7[%dma_start3A_48, %dma_start3A_54] : memref<125x80xi32, #tpu.memory_space<vmem>> -> memref<1x80xi32, #tpu.memory_space<vmem>>
    %dma_start3A_56 = tpu.memref_squeeze %dma_start3A_55 : memref<1x80xi32, #tpu.memory_space<vmem>> -> memref<80xi32, #tpu.memory_space<vmem>>
    %dma_start3A_57 = arith.constant 0 : i32
    %dma_start3A_58 = arith.constant 0 : i32
    %dma_start3A_59 = tpu.memref_slice %arg2[%dma_start3A_57, %dma_start3A_58] : memref<10000x64xf32, #tpu.memory_space<hbm>> -> memref<10000x64xf32, #tpu.memory_space<hbm>>
    tpu.enqueue_indirect_dma source(%dma_start3A_59 : memref<10000x64xf32, #tpu.memory_space<hbm>>) target(%dma_start3A_53 : memref<80x64xf32, #tpu.memory_space<vmem>>) offsets(%dma_start3A_56 : memref<80xi32, #tpu.memory_space<vmem>>) semaphore(%arg15 : memref<!tpu.dma_semaphore, #tpu.memory_space<semaphore_mem>>)
    "tpu.region"() ({
      %run_scoped3A = tpu.sem_alloc : memref<!tpu.dma_semaphore, #tpu.memory_space<semaphore_mem>>
      %dma_start3A_74 = arith.constant 0 : i32
      %dma_start3A_75 = arith.constant 0 : i32
      %dma_start3A_76 = tpu.memref_slice %arg4[%add3A, %dma_start3A_74, %dma_start3A_75] : memref<32x125x80xi32, #tpu.memory_space<hbm>> -> memref<1x125x80xi32, #tpu.memory_space<hbm>>
      %dma_start3A_77 = tpu.memref_squeeze %dma_start3A_76 : memref<1x125x80xi32, #tpu.memory_space<hbm>> -> memref<125x80xi32, #tpu.memory_space<hbm>>
      %dma_start3A_78 = arith.constant 0 : i32
      %dma_start3A_79 = arith.constant 0 : i32
      %dma_start3A_80 = tpu.memref_slice %arg4[%add3A, %dma_start3A_78, %dma_start3A_79] : memref<32x125x80xi32, #tpu.memory_space<hbm>> -> memref<1x125x80xi32, #tpu.memory_space<hbm>>
      %dma_start3A_81 = tpu.memref_squeeze %dma_start3A_80 : memref<1x125x80xi32, #tpu.memory_space<hbm>> -> memref<125x80xi32, #tpu.memory_space<hbm>>
      tpu.enqueue_dma source(%dma_start3A_81 : memref<125x80xi32, #tpu.memory_space<hbm>>) target(%arg8 : memref<125x80xi32, #tpu.memory_space<vmem>>) target_semaphore(%run_scoped3A : memref<!tpu.dma_semaphore, #tpu.memory_space<semaphore_mem>>)
      %dma_wait3A = arith.constant 0 : i32
      %dma_wait3A_82 = arith.constant 0 : i32
      %dma_wait3A_83 = tpu.memref_slice %arg4[%add3A, %dma_wait3A, %dma_wait3A_82] : memref<32x125x80xi32, #tpu.memory_space<hbm>> -> memref<1x125x80xi32, #tpu.memory_space<hbm>>
      %dma_wait3A_84 = tpu.memref_squeeze %dma_wait3A_83 : memref<1x125x80xi32, #tpu.memory_space<hbm>> -> memref<125x80xi32, #tpu.memory_space<hbm>>
      %dma_wait3A_85 = arith.constant 0 : i32
      %dma_wait3A_86 = arith.constant 0 : i32
      %dma_wait3A_87 = tpu.memref_slice %arg4[%add3A, %dma_wait3A_85, %dma_wait3A_86] : memref<32x125x80xi32, #tpu.memory_space<hbm>> -> memref<1x125x80xi32, #tpu.memory_space<hbm>>
      %dma_wait3A_88 = tpu.memref_squeeze %dma_wait3A_87 : memref<1x125x80xi32, #tpu.memory_space<hbm>> -> memref<125x80xi32, #tpu.memory_space<hbm>>
      tpu.wait_dma2 semaphore(%run_scoped3A : memref<!tpu.dma_semaphore, #tpu.memory_space<semaphore_mem>>) src(%dma_wait3A_88 : memref<125x80xi32, #tpu.memory_space<hbm>>) dst(%arg8 : memref<125x80xi32, #tpu.memory_space<vmem>>)
      tpu.yield
    }) : () -> ()
    %eq3A = arith.constant 0 : i32
    %eq3A_60 = arith.cmpi eq, %arg1, %eq3A : i32
    %convert_element_type3A = arith.extui %eq3A_60 : i1 to i32
    %cond3A = arith.constant 0 : i32
    %cond3A_61 = arith.cmpi ne, %convert_element_type3A, %cond3A : i32
    scf.if %cond3A_61 {
      "tpu.region"() ({
        %run_scoped3A = tpu.sem_alloc : memref<!tpu.dma_semaphore, #tpu.memory_space<semaphore_mem>>
        tpu.enqueue_dma source(%arg5 : memref<10000x64xf32, #tpu.memory_space<hbm>>) target(%arg10 : memref<10000x64xf32, #tpu.memory_space<vmem_shared>>) target_semaphore(%run_scoped3A : memref<!tpu.dma_semaphore, #tpu.memory_space<semaphore_mem>>)
        tpu.wait_dma2 semaphore(%run_scoped3A : memref<!tpu.dma_semaphore, #tpu.memory_space<semaphore_mem>>) src(%arg5 : memref<10000x64xf32, #tpu.memory_space<hbm>>) dst(%arg10 : memref<10000x64xf32, #tpu.memory_space<vmem_shared>>)
        tpu.yield
      }) : () -> ()
    } else {
    }
    %barrier3A = arith.constant 0 : index
    tpu.barrier barrier_id(%barrier3A)
    %scan3A = arith.constant 0 : i32
    %scan3A_62 = arith.constant 0 : i32
    %scan3A_63 = arith.constant 25 : i32
    %scan3A_64 = arith.addi %scan3A_62, %scan3A_63 : i32
    %scan3A_65 = arith.constant 1 : i32
    %scan3A_66 = scf.for %scan3A_74 = %scan3A_62 to %scan3A_64 step %scan3A_65 iter_args(%scan3A_75 = %scan3A) -> (i32)  : i32 {
      %mul3A_76 = arith.constant 5 : i32
      %mul3A_77 = arith.muli %scan3A_74, %mul3A_76 : i32
      %add3A_78 = arith.constant 0 : i32
      %add3A_79 = arith.addi %mul3A_77, %add3A_78 : i32
      %dma_wait3A = arith.constant 0 : i32
      %dma_wait3A_80 = arith.constant 0 : i32
      %dma_wait3A_81 = arith.constant 0 : i32
      %dma_wait3A_82 = tpu.memref_slice %arg9[%dma_wait3A, %dma_wait3A_80, %dma_wait3A_81] : memref<5x80x64xf32, #tpu.memory_space<vmem>> -> memref<1x80x64xf32, #tpu.memory_space<vmem>>
      %dma_wait3A_83 = tpu.memref_squeeze %dma_wait3A_82 : memref<1x80x64xf32, #tpu.memory_space<vmem>> -> memref<80x64xf32, #tpu.memory_space<vmem>>
      %dma_wait3A_84 = arith.constant 0 : i32
      %dma_wait3A_85 = tpu.memref_slice %arg7[%add3A_79, %dma_wait3A_84] : memref<125x80xi32, #tpu.memory_space<vmem>> -> memref<1x80xi32, #tpu.memory_space<vmem>>
      %dma_wait3A_86 = tpu.memref_squeeze %dma_wait3A_85 : memref<1x80xi32, #tpu.memory_space<vmem>> -> memref<80xi32, #tpu.memory_space<vmem>>
      %dma_wait3A_87 = arith.constant 0 : i32
      %dma_wait3A_88 = arith.constant 0 : i32
      %dma_wait3A_89 = tpu.memref_slice %arg2[%dma_wait3A_87, %dma_wait3A_88] : memref<10000x64xf32, #tpu.memory_space<hbm>> -> memref<10000x64xf32, #tpu.memory_space<hbm>>
      tpu.wait_indirect_dma semaphore(%arg11 : memref<!tpu.dma_semaphore, #tpu.memory_space<semaphore_mem>>) src(%dma_wait3A_89 : memref<10000x64xf32, #tpu.memory_space<hbm>>) dst(%dma_wait3A_83 : memref<80x64xf32, #tpu.memory_space<vmem>>)
      %run_scoped3A = arith.constant 0 : i32
      "tpu.region"() ({
        %run_scoped3A_189 = tpu.sem_alloc : memref<!tpu.dma_semaphore, #tpu.memory_space<semaphore_mem>>
        %dma_start3A_190 = arith.constant 0 : i32
        %dma_start3A_191 = arith.constant 0 : i32
        %dma_start3A_192 = tpu.memref_slice %arg9[%run_scoped3A, %dma_start3A_190, %dma_start3A_191] : memref<5x80x64xf32, #tpu.memory_space<vmem>> -> memref<1x80x64xf32, #tpu.memory_space<vmem>>
        %dma_start3A_193 = tpu.memref_squeeze %dma_start3A_192 : memref<1x80x64xf32, #tpu.memory_space<vmem>> -> memref<80x64xf32, #tpu.memory_space<vmem>>
        %dma_start3A_194 = arith.constant 0 : i32
        %dma_start3A_195 = tpu.memref_slice %arg8[%add3A_79, %dma_start3A_194] : memref<125x80xi32, #tpu.memory_space<vmem>> -> memref<1x80xi32, #tpu.memory_space<vmem>>
        %dma_start3A_196 = tpu.memref_squeeze %dma_start3A_195 : memref<1x80xi32, #tpu.memory_space<vmem>> -> memref<80xi32, #tpu.memory_space<vmem>>
        %dma_start3A_197 = arith.constant 0 : i32
        %dma_start3A_198 = arith.constant 0 : i32
        %dma_start3A_199 = tpu.memref_slice %arg10[%dma_start3A_197, %dma_start3A_198] : memref<10000x64xf32, #tpu.memory_space<vmem_shared>> -> memref<10000x64xf32, #tpu.memory_space<vmem_shared>>
        tpu.enqueue_indirect_dma source(%dma_start3A_193 : memref<80x64xf32, #tpu.memory_space<vmem>>) target(%dma_start3A_199 : memref<10000x64xf32, #tpu.memory_space<vmem_shared>>) offsets(%dma_start3A_196 : memref<80xi32, #tpu.memory_space<vmem>>) semaphore(%run_scoped3A_189 : memref<!tpu.dma_semaphore, #tpu.memory_space<semaphore_mem>>) {add = true}
        %dma_wait3A_200 = arith.constant 0 : i32
        %dma_wait3A_201 = arith.constant 0 : i32
        %dma_wait3A_202 = tpu.memref_slice %arg9[%run_scoped3A, %dma_wait3A_200, %dma_wait3A_201] : memref<5x80x64xf32, #tpu.memory_space<vmem>> -> memref<1x80x64xf32, #tpu.memory_space<vmem>>
        %dma_wait3A_203 = tpu.memref_squeeze %dma_wait3A_202 : memref<1x80x64xf32, #tpu.memory_space<vmem>> -> memref<80x64xf32, #tpu.memory_space<vmem>>
        %dma_wait3A_204 = arith.constant 0 : i32
        %dma_wait3A_205 = tpu.memref_slice %arg8[%add3A_79, %dma_wait3A_204] : memref<125x80xi32, #tpu.memory_space<vmem>> -> memref<1x80xi32, #tpu.memory_space<vmem>>
        %dma_wait3A_206 = tpu.memref_squeeze %dma_wait3A_205 : memref<1x80xi32, #tpu.memory_space<vmem>> -> memref<80xi32, #tpu.memory_space<vmem>>
        %dma_wait3A_207 = arith.constant 0 : i32
        %dma_wait3A_208 = arith.constant 0 : i32
        %dma_wait3A_209 = tpu.memref_slice %arg10[%dma_wait3A_207, %dma_wait3A_208] : memref<10000x64xf32, #tpu.memory_space<vmem_shared>> -> memref<10000x64xf32, #tpu.memory_space<vmem_shared>>
        tpu.wait_indirect_dma semaphore(%run_scoped3A_189 : memref<!tpu.dma_semaphore, #tpu.memory_space<semaphore_mem>>) src(%dma_wait3A_203 : memref<80x64xf32, #tpu.memory_space<vmem>>) dst(%dma_wait3A_209 : memref<10000x64xf32, #tpu.memory_space<vmem_shared>>)
        tpu.yield
      }) : () -> ()
      %add3A_90 = arith.constant 5 : i32
      %add3A_91 = arith.addi %add3A_79, %add3A_90 : i32
      %lt3A = arith.constant 125 : i32
      %lt3A_92 = arith.cmpi slt, %add3A_91, %lt3A : i32
      %convert_element_type3A_93 = arith.extui %lt3A_92 : i1 to i32
      %cond3A_94 = arith.constant 0 : i32
      %cond3A_95 = arith.cmpi ne, %convert_element_type3A_93, %cond3A_94 : i32
      scf.if %cond3A_95 {
        %add3A_189 = arith.constant 5 : i32
        %add3A_190 = arith.addi %add3A_79, %add3A_189 : i32
        %dma_start3A_191 = arith.constant 0 : i32
        %dma_start3A_192 = arith.constant 0 : i32
        %dma_start3A_193 = arith.constant 0 : i32
        %dma_start3A_194 = tpu.memref_slice %arg9[%dma_start3A_191, %dma_start3A_192, %dma_start3A_193] : memref<5x80x64xf32, #tpu.memory_space<vmem>> -> memref<1x80x64xf32, #tpu.memory_space<vmem>>
        %dma_start3A_195 = tpu.memref_squeeze %dma_start3A_194 : memref<1x80x64xf32, #tpu.memory_space<vmem>> -> memref<80x64xf32, #tpu.memory_space<vmem>>
        %dma_start3A_196 = arith.constant 0 : i32
        %dma_start3A_197 = tpu.memref_slice %arg7[%add3A_190, %dma_start3A_196] : memref<125x80xi32, #tpu.memory_space<vmem>> -> memref<1x80xi32, #tpu.memory_space<vmem>>
        %dma_start3A_198 = tpu.memref_squeeze %dma_start3A_197 : memref<1x80xi32, #tpu.memory_space<vmem>> -> memref<80xi32, #tpu.memory_space<vmem>>
        %dma_start3A_199 = arith.constant 0 : i32
        %dma_start3A_200 = arith.constant 0 : i32
        %dma_start3A_201 = tpu.memref_slice %arg2[%dma_start3A_199, %dma_start3A_200] : memref<10000x64xf32, #tpu.memory_space<hbm>> -> memref<10000x64xf32, #tpu.memory_space<hbm>>
        tpu.enqueue_indirect_dma source(%dma_start3A_201 : memref<10000x64xf32, #tpu.memory_space<hbm>>) target(%dma_start3A_195 : memref<80x64xf32, #tpu.memory_space<vmem>>) offsets(%dma_start3A_198 : memref<80xi32, #tpu.memory_space<vmem>>) semaphore(%arg11 : memref<!tpu.dma_semaphore, #tpu.memory_space<semaphore_mem>>)
      } else {
      }
      %mul3A_96 = arith.constant 5 : i32
      %mul3A_97 = arith.muli %scan3A_74, %mul3A_96 : i32
      %add3A_98 = arith.constant 1 : i32
      %add3A_99 = arith.addi %mul3A_97, %add3A_98 : i32
      %dma_wait3A_100 = arith.constant 1 : i32
      %dma_wait3A_101 = arith.constant 0 : i32
      %dma_wait3A_102 = arith.constant 0 : i32
      %dma_wait3A_103 = tpu.memref_slice %arg9[%dma_wait3A_100, %dma_wait3A_101, %dma_wait3A_102] : memref<5x80x64xf32, #tpu.memory_space<vmem>> -> memref<1x80x64xf32, #tpu.memory_space<vmem>>
      %dma_wait3A_104 = tpu.memref_squeeze %dma_wait3A_103 : memref<1x80x64xf32, #tpu.memory_space<vmem>> -> memref<80x64xf32, #tpu.memory_space<vmem>>
      %dma_wait3A_105 = arith.constant 0 : i32
      %dma_wait3A_106 = tpu.memref_slice %arg7[%add3A_99, %dma_wait3A_105] : memref<125x80xi32, #tpu.memory_space<vmem>> -> memref<1x80xi32, #tpu.memory_space<vmem>>
      %dma_wait3A_107 = tpu.memref_squeeze %dma_wait3A_106 : memref<1x80xi32, #tpu.memory_space<vmem>> -> memref<80xi32, #tpu.memory_space<vmem>>
      %dma_wait3A_108 = arith.constant 0 : i32
      %dma_wait3A_109 = arith.constant 0 : i32
      %dma_wait3A_110 = tpu.memref_slice %arg2[%dma_wait3A_108, %dma_wait3A_109] : memref<10000x64xf32, #tpu.memory_space<hbm>> -> memref<10000x64xf32, #tpu.memory_space<hbm>>
      tpu.wait_indirect_dma semaphore(%arg12 : memref<!tpu.dma_semaphore, #tpu.memory_space<semaphore_mem>>) src(%dma_wait3A_110 : memref<10000x64xf32, #tpu.memory_space<hbm>>) dst(%dma_wait3A_104 : memref<80x64xf32, #tpu.memory_space<vmem>>)
      %run_scoped3A_111 = arith.constant 1 : i32
      "tpu.region"() ({
        %run_scoped3A_189 = tpu.sem_alloc : memref<!tpu.dma_semaphore, #tpu.memory_space<semaphore_mem>>
        %dma_start3A_190 = arith.constant 0 : i32
        %dma_start3A_191 = arith.constant 0 : i32
        %dma_start3A_192 = tpu.memref_slice %arg9[%run_scoped3A_111, %dma_start3A_190, %dma_start3A_191] : memref<5x80x64xf32, #tpu.memory_space<vmem>> -> memref<1x80x64xf32, #tpu.memory_space<vmem>>
        %dma_start3A_193 = tpu.memref_squeeze %dma_start3A_192 : memref<1x80x64xf32, #tpu.memory_space<vmem>> -> memref<80x64xf32, #tpu.memory_space<vmem>>
        %dma_start3A_194 = arith.constant 0 : i32
        %dma_start3A_195 = tpu.memref_slice %arg8[%add3A_99, %dma_start3A_194] : memref<125x80xi32, #tpu.memory_space<vmem>> -> memref<1x80xi32, #tpu.memory_space<vmem>>
        %dma_start3A_196 = tpu.memref_squeeze %dma_start3A_195 : memref<1x80xi32, #tpu.memory_space<vmem>> -> memref<80xi32, #tpu.memory_space<vmem>>
        %dma_start3A_197 = arith.constant 0 : i32
        %dma_start3A_198 = arith.constant 0 : i32
        %dma_start3A_199 = tpu.memref_slice %arg10[%dma_start3A_197, %dma_start3A_198] : memref<10000x64xf32, #tpu.memory_space<vmem_shared>> -> memref<10000x64xf32, #tpu.memory_space<vmem_shared>>
        tpu.enqueue_indirect_dma source(%dma_start3A_193 : memref<80x64xf32, #tpu.memory_space<vmem>>) target(%dma_start3A_199 : memref<10000x64xf32, #tpu.memory_space<vmem_shared>>) offsets(%dma_start3A_196 : memref<80xi32, #tpu.memory_space<vmem>>) semaphore(%run_scoped3A_189 : memref<!tpu.dma_semaphore, #tpu.memory_space<semaphore_mem>>) {add = true}
        %dma_wait3A_200 = arith.constant 0 : i32
        %dma_wait3A_201 = arith.constant 0 : i32
        %dma_wait3A_202 = tpu.memref_slice %arg9[%run_scoped3A_111, %dma_wait3A_200, %dma_wait3A_201] : memref<5x80x64xf32, #tpu.memory_space<vmem>> -> memref<1x80x64xf32, #tpu.memory_space<vmem>>
        %dma_wait3A_203 = tpu.memref_squeeze %dma_wait3A_202 : memref<1x80x64xf32, #tpu.memory_space<vmem>> -> memref<80x64xf32, #tpu.memory_space<vmem>>
        %dma_wait3A_204 = arith.constant 0 : i32
        %dma_wait3A_205 = tpu.memref_slice %arg8[%add3A_99, %dma_wait3A_204] : memref<125x80xi32, #tpu.memory_space<vmem>> -> memref<1x80xi32, #tpu.memory_space<vmem>>
        %dma_wait3A_206 = tpu.memref_squeeze %dma_wait3A_205 : memref<1x80xi32, #tpu.memory_space<vmem>> -> memref<80xi32, #tpu.memory_space<vmem>>
        %dma_wait3A_207 = arith.constant 0 : i32
        %dma_wait3A_208 = arith.constant 0 : i32
        %dma_wait3A_209 = tpu.memref_slice %arg10[%dma_wait3A_207, %dma_wait3A_208] : memref<10000x64xf32, #tpu.memory_space<vmem_shared>> -> memref<10000x64xf32, #tpu.memory_space<vmem_shared>>
        tpu.wait_indirect_dma semaphore(%run_scoped3A_189 : memref<!tpu.dma_semaphore, #tpu.memory_space<semaphore_mem>>) src(%dma_wait3A_203 : memref<80x64xf32, #tpu.memory_space<vmem>>) dst(%dma_wait3A_209 : memref<10000x64xf32, #tpu.memory_space<vmem_shared>>)
        tpu.yield
      }) : () -> ()
      %add3A_112 = arith.constant 5 : i32
      %add3A_113 = arith.addi %add3A_99, %add3A_112 : i32
      %lt3A_114 = arith.constant 125 : i32
      %lt3A_115 = arith.cmpi slt, %add3A_113, %lt3A_114 : i32
      %convert_element_type3A_116 = arith.extui %lt3A_115 : i1 to i32
      %cond3A_117 = arith.constant 0 : i32
      %cond3A_118 = arith.cmpi ne, %convert_element_type3A_116, %cond3A_117 : i32
      scf.if %cond3A_118 {
        %add3A_189 = arith.constant 5 : i32
        %add3A_190 = arith.addi %add3A_99, %add3A_189 : i32
        %dma_start3A_191 = arith.constant 1 : i32
        %dma_start3A_192 = arith.constant 0 : i32
        %dma_start3A_193 = arith.constant 0 : i32
        %dma_start3A_194 = tpu.memref_slice %arg9[%dma_start3A_191, %dma_start3A_192, %dma_start3A_193] : memref<5x80x64xf32, #tpu.memory_space<vmem>> -> memref<1x80x64xf32, #tpu.memory_space<vmem>>
        %dma_start3A_195 = tpu.memref_squeeze %dma_start3A_194 : memref<1x80x64xf32, #tpu.memory_space<vmem>> -> memref<80x64xf32, #tpu.memory_space<vmem>>
        %dma_start3A_196 = arith.constant 0 : i32
        %dma_start3A_197 = tpu.memref_slice %arg7[%add3A_190, %dma_start3A_196] : memref<125x80xi32, #tpu.memory_space<vmem>> -> memref<1x80xi32, #tpu.memory_space<vmem>>
        %dma_start3A_198 = tpu.memref_squeeze %dma_start3A_197 : memref<1x80xi32, #tpu.memory_space<vmem>> -> memref<80xi32, #tpu.memory_space<vmem>>
        %dma_start3A_199 = arith.constant 0 : i32
        %dma_start3A_200 = arith.constant 0 : i32
        %dma_start3A_201 = tpu.memref_slice %arg2[%dma_start3A_199, %dma_start3A_200] : memref<10000x64xf32, #tpu.memory_space<hbm>> -> memref<10000x64xf32, #tpu.memory_space<hbm>>
        tpu.enqueue_indirect_dma source(%dma_start3A_201 : memref<10000x64xf32, #tpu.memory_space<hbm>>) target(%dma_start3A_195 : memref<80x64xf32, #tpu.memory_space<vmem>>) offsets(%dma_start3A_198 : memref<80xi32, #tpu.memory_space<vmem>>) semaphore(%arg12 : memref<!tpu.dma_semaphore, #tpu.memory_space<semaphore_mem>>)
      } else {
      }
      %mul3A_119 = arith.constant 5 : i32
      %mul3A_120 = arith.muli %scan3A_74, %mul3A_119 : i32
      %add3A_121 = arith.constant 2 : i32
      %add3A_122 = arith.addi %mul3A_120, %add3A_121 : i32
      %dma_wait3A_123 = arith.constant 2 : i32
      %dma_wait3A_124 = arith.constant 0 : i32
      %dma_wait3A_125 = arith.constant 0 : i32
      %dma_wait3A_126 = tpu.memref_slice %arg9[%dma_wait3A_123, %dma_wait3A_124, %dma_wait3A_125] : memref<5x80x64xf32, #tpu.memory_space<vmem>> -> memref<1x80x64xf32, #tpu.memory_space<vmem>>
      %dma_wait3A_127 = tpu.memref_squeeze %dma_wait3A_126 : memref<1x80x64xf32, #tpu.memory_space<vmem>> -> memref<80x64xf32, #tpu.memory_space<vmem>>
      %dma_wait3A_128 = arith.constant 0 : i32
      %dma_wait3A_129 = tpu.memref_slice %arg7[%add3A_122, %dma_wait3A_128] : memref<125x80xi32, #tpu.memory_space<vmem>> -> memref<1x80xi32, #tpu.memory_space<vmem>>
      %dma_wait3A_130 = tpu.memref_squeeze %dma_wait3A_129 : memref<1x80xi32, #tpu.memory_space<vmem>> -> memref<80xi32, #tpu.memory_space<vmem>>
      %dma_wait3A_131 = arith.constant 0 : i32
      %dma_wait3A_132 = arith.constant 0 : i32
      %dma_wait3A_133 = tpu.memref_slice %arg2[%dma_wait3A_131, %dma_wait3A_132] : memref<10000x64xf32, #tpu.memory_space<hbm>> -> memref<10000x64xf32, #tpu.memory_space<hbm>>
      tpu.wait_indirect_dma semaphore(%arg13 : memref<!tpu.dma_semaphore, #tpu.memory_space<semaphore_mem>>) src(%dma_wait3A_133 : memref<10000x64xf32, #tpu.memory_space<hbm>>) dst(%dma_wait3A_127 : memref<80x64xf32, #tpu.memory_space<vmem>>)
      %run_scoped3A_134 = arith.constant 2 : i32
      "tpu.region"() ({
        %run_scoped3A_189 = tpu.sem_alloc : memref<!tpu.dma_semaphore, #tpu.memory_space<semaphore_mem>>
        %dma_start3A_190 = arith.constant 0 : i32
        %dma_start3A_191 = arith.constant 0 : i32
        %dma_start3A_192 = tpu.memref_slice %arg9[%run_scoped3A_134, %dma_start3A_190, %dma_start3A_191] : memref<5x80x64xf32, #tpu.memory_space<vmem>> -> memref<1x80x64xf32, #tpu.memory_space<vmem>>
        %dma_start3A_193 = tpu.memref_squeeze %dma_start3A_192 : memref<1x80x64xf32, #tpu.memory_space<vmem>> -> memref<80x64xf32, #tpu.memory_space<vmem>>
        %dma_start3A_194 = arith.constant 0 : i32
        %dma_start3A_195 = tpu.memref_slice %arg8[%add3A_122, %dma_start3A_194] : memref<125x80xi32, #tpu.memory_space<vmem>> -> memref<1x80xi32, #tpu.memory_space<vmem>>
        %dma_start3A_196 = tpu.memref_squeeze %dma_start3A_195 : memref<1x80xi32, #tpu.memory_space<vmem>> -> memref<80xi32, #tpu.memory_space<vmem>>
        %dma_start3A_197 = arith.constant 0 : i32
        %dma_start3A_198 = arith.constant 0 : i32
        %dma_start3A_199 = tpu.memref_slice %arg10[%dma_start3A_197, %dma_start3A_198] : memref<10000x64xf32, #tpu.memory_space<vmem_shared>> -> memref<10000x64xf32, #tpu.memory_space<vmem_shared>>
        tpu.enqueue_indirect_dma source(%dma_start3A_193 : memref<80x64xf32, #tpu.memory_space<vmem>>) target(%dma_start3A_199 : memref<10000x64xf32, #tpu.memory_space<vmem_shared>>) offsets(%dma_start3A_196 : memref<80xi32, #tpu.memory_space<vmem>>) semaphore(%run_scoped3A_189 : memref<!tpu.dma_semaphore, #tpu.memory_space<semaphore_mem>>) {add = true}
        %dma_wait3A_200 = arith.constant 0 : i32
        %dma_wait3A_201 = arith.constant 0 : i32
        %dma_wait3A_202 = tpu.memref_slice %arg9[%run_scoped3A_134, %dma_wait3A_200, %dma_wait3A_201] : memref<5x80x64xf32, #tpu.memory_space<vmem>> -> memref<1x80x64xf32, #tpu.memory_space<vmem>>
        %dma_wait3A_203 = tpu.memref_squeeze %dma_wait3A_202 : memref<1x80x64xf32, #tpu.memory_space<vmem>> -> memref<80x64xf32, #tpu.memory_space<vmem>>
        %dma_wait3A_204 = arith.constant 0 : i32
        %dma_wait3A_205 = tpu.memref_slice %arg8[%add3A_122, %dma_wait3A_204] : memref<125x80xi32, #tpu.memory_space<vmem>> -> memref<1x80xi32, #tpu.memory_space<vmem>>
        %dma_wait3A_206 = tpu.memref_squeeze %dma_wait3A_205 : memref<1x80xi32, #tpu.memory_space<vmem>> -> memref<80xi32, #tpu.memory_space<vmem>>
        %dma_wait3A_207 = arith.constant 0 : i32
        %dma_wait3A_208 = arith.constant 0 : i32
        %dma_wait3A_209 = tpu.memref_slice %arg10[%dma_wait3A_207, %dma_wait3A_208] : memref<10000x64xf32, #tpu.memory_space<vmem_shared>> -> memref<10000x64xf32, #tpu.memory_space<vmem_shared>>
        tpu.wait_indirect_dma semaphore(%run_scoped3A_189 : memref<!tpu.dma_semaphore, #tpu.memory_space<semaphore_mem>>) src(%dma_wait3A_203 : memref<80x64xf32, #tpu.memory_space<vmem>>) dst(%dma_wait3A_209 : memref<10000x64xf32, #tpu.memory_space<vmem_shared>>)
        tpu.yield
      }) : () -> ()
      %add3A_135 = arith.constant 5 : i32
      %add3A_136 = arith.addi %add3A_122, %add3A_135 : i32
      %lt3A_137 = arith.constant 125 : i32
      %lt3A_138 = arith.cmpi slt, %add3A_136, %lt3A_137 : i32
      %convert_element_type3A_139 = arith.extui %lt3A_138 : i1 to i32
      %cond3A_140 = arith.constant 0 : i32
      %cond3A_141 = arith.cmpi ne, %convert_element_type3A_139, %cond3A_140 : i32
      scf.if %cond3A_141 {
        %add3A_189 = arith.constant 5 : i32
        %add3A_190 = arith.addi %add3A_122, %add3A_189 : i32
        %dma_start3A_191 = arith.constant 2 : i32
        %dma_start3A_192 = arith.constant 0 : i32
        %dma_start3A_193 = arith.constant 0 : i32
        %dma_start3A_194 = tpu.memref_slice %arg9[%dma_start3A_191, %dma_start3A_192, %dma_start3A_193] : memref<5x80x64xf32, #tpu.memory_space<vmem>> -> memref<1x80x64xf32, #tpu.memory_space<vmem>>
        %dma_start3A_195 = tpu.memref_squeeze %dma_start3A_194 : memref<1x80x64xf32, #tpu.memory_space<vmem>> -> memref<80x64xf32, #tpu.memory_space<vmem>>
        %dma_start3A_196 = arith.constant 0 : i32
        %dma_start3A_197 = tpu.memref_slice %arg7[%add3A_190, %dma_start3A_196] : memref<125x80xi32, #tpu.memory_space<vmem>> -> memref<1x80xi32, #tpu.memory_space<vmem>>
        %dma_start3A_198 = tpu.memref_squeeze %dma_start3A_197 : memref<1x80xi32, #tpu.memory_space<vmem>> -> memref<80xi32, #tpu.memory_space<vmem>>
        %dma_start3A_199 = arith.constant 0 : i32
        %dma_start3A_200 = arith.constant 0 : i32
        %dma_start3A_201 = tpu.memref_slice %arg2[%dma_start3A_199, %dma_start3A_200] : memref<10000x64xf32, #tpu.memory_space<hbm>> -> memref<10000x64xf32, #tpu.memory_space<hbm>>
        tpu.enqueue_indirect_dma source(%dma_start3A_201 : memref<10000x64xf32, #tpu.memory_space<hbm>>) target(%dma_start3A_195 : memref<80x64xf32, #tpu.memory_space<vmem>>) offsets(%dma_start3A_198 : memref<80xi32, #tpu.memory_space<vmem>>) semaphore(%arg13 : memref<!tpu.dma_semaphore, #tpu.memory_space<semaphore_mem>>)
      } else {
      }
      %mul3A_142 = arith.constant 5 : i32
      %mul3A_143 = arith.muli %scan3A_74, %mul3A_142 : i32
      %add3A_144 = arith.constant 3 : i32
      %add3A_145 = arith.addi %mul3A_143, %add3A_144 : i32
      %dma_wait3A_146 = arith.constant 3 : i32
      %dma_wait3A_147 = arith.constant 0 : i32
      %dma_wait3A_148 = arith.constant 0 : i32
      %dma_wait3A_149 = tpu.memref_slice %arg9[%dma_wait3A_146, %dma_wait3A_147, %dma_wait3A_148] : memref<5x80x64xf32, #tpu.memory_space<vmem>> -> memref<1x80x64xf32, #tpu.memory_space<vmem>>
      %dma_wait3A_150 = tpu.memref_squeeze %dma_wait3A_149 : memref<1x80x64xf32, #tpu.memory_space<vmem>> -> memref<80x64xf32, #tpu.memory_space<vmem>>
      %dma_wait3A_151 = arith.constant 0 : i32
      %dma_wait3A_152 = tpu.memref_slice %arg7[%add3A_145, %dma_wait3A_151] : memref<125x80xi32, #tpu.memory_space<vmem>> -> memref<1x80xi32, #tpu.memory_space<vmem>>
      %dma_wait3A_153 = tpu.memref_squeeze %dma_wait3A_152 : memref<1x80xi32, #tpu.memory_space<vmem>> -> memref<80xi32, #tpu.memory_space<vmem>>
      %dma_wait3A_154 = arith.constant 0 : i32
      %dma_wait3A_155 = arith.constant 0 : i32
      %dma_wait3A_156 = tpu.memref_slice %arg2[%dma_wait3A_154, %dma_wait3A_155] : memref<10000x64xf32, #tpu.memory_space<hbm>> -> memref<10000x64xf32, #tpu.memory_space<hbm>>
      tpu.wait_indirect_dma semaphore(%arg14 : memref<!tpu.dma_semaphore, #tpu.memory_space<semaphore_mem>>) src(%dma_wait3A_156 : memref<10000x64xf32, #tpu.memory_space<hbm>>) dst(%dma_wait3A_150 : memref<80x64xf32, #tpu.memory_space<vmem>>)
      %run_scoped3A_157 = arith.constant 3 : i32
      "tpu.region"() ({
        %run_scoped3A_189 = tpu.sem_alloc : memref<!tpu.dma_semaphore, #tpu.memory_space<semaphore_mem>>
        %dma_start3A_190 = arith.constant 0 : i32
        %dma_start3A_191 = arith.constant 0 : i32
        %dma_start3A_192 = tpu.memref_slice %arg9[%run_scoped3A_157, %dma_start3A_190, %dma_start3A_191] : memref<5x80x64xf32, #tpu.memory_space<vmem>> -> memref<1x80x64xf32, #tpu.memory_space<vmem>>
        %dma_start3A_193 = tpu.memref_squeeze %dma_start3A_192 : memref<1x80x64xf32, #tpu.memory_space<vmem>> -> memref<80x64xf32, #tpu.memory_space<vmem>>
        %dma_start3A_194 = arith.constant 0 : i32
        %dma_start3A_195 = tpu.memref_slice %arg8[%add3A_145, %dma_start3A_194] : memref<125x80xi32, #tpu.memory_space<vmem>> -> memref<1x80xi32, #tpu.memory_space<vmem>>
        %dma_start3A_196 = tpu.memref_squeeze %dma_start3A_195 : memref<1x80xi32, #tpu.memory_space<vmem>> -> memref<80xi32, #tpu.memory_space<vmem>>
        %dma_start3A_197 = arith.constant 0 : i32
        %dma_start3A_198 = arith.constant 0 : i32
        %dma_start3A_199 = tpu.memref_slice %arg10[%dma_start3A_197, %dma_start3A_198] : memref<10000x64xf32, #tpu.memory_space<vmem_shared>> -> memref<10000x64xf32, #tpu.memory_space<vmem_shared>>
        tpu.enqueue_indirect_dma source(%dma_start3A_193 : memref<80x64xf32, #tpu.memory_space<vmem>>) target(%dma_start3A_199 : memref<10000x64xf32, #tpu.memory_space<vmem_shared>>) offsets(%dma_start3A_196 : memref<80xi32, #tpu.memory_space<vmem>>) semaphore(%run_scoped3A_189 : memref<!tpu.dma_semaphore, #tpu.memory_space<semaphore_mem>>) {add = true}
        %dma_wait3A_200 = arith.constant 0 : i32
        %dma_wait3A_201 = arith.constant 0 : i32
        %dma_wait3A_202 = tpu.memref_slice %arg9[%run_scoped3A_157, %dma_wait3A_200, %dma_wait3A_201] : memref<5x80x64xf32, #tpu.memory_space<vmem>> -> memref<1x80x64xf32, #tpu.memory_space<vmem>>
        %dma_wait3A_203 = tpu.memref_squeeze %dma_wait3A_202 : memref<1x80x64xf32, #tpu.memory_space<vmem>> -> memref<80x64xf32, #tpu.memory_space<vmem>>
        %dma_wait3A_204 = arith.constant 0 : i32
        %dma_wait3A_205 = tpu.memref_slice %arg8[%add3A_145, %dma_wait3A_204] : memref<125x80xi32, #tpu.memory_space<vmem>> -> memref<1x80xi32, #tpu.memory_space<vmem>>
        %dma_wait3A_206 = tpu.memref_squeeze %dma_wait3A_205 : memref<1x80xi32, #tpu.memory_space<vmem>> -> memref<80xi32, #tpu.memory_space<vmem>>
        %dma_wait3A_207 = arith.constant 0 : i32
        %dma_wait3A_208 = arith.constant 0 : i32
        %dma_wait3A_209 = tpu.memref_slice %arg10[%dma_wait3A_207, %dma_wait3A_208] : memref<10000x64xf32, #tpu.memory_space<vmem_shared>> -> memref<10000x64xf32, #tpu.memory_space<vmem_shared>>
        tpu.wait_indirect_dma semaphore(%run_scoped3A_189 : memref<!tpu.dma_semaphore, #tpu.memory_space<semaphore_mem>>) src(%dma_wait3A_203 : memref<80x64xf32, #tpu.memory_space<vmem>>) dst(%dma_wait3A_209 : memref<10000x64xf32, #tpu.memory_space<vmem_shared>>)
        tpu.yield
      }) : () -> ()
      %add3A_158 = arith.constant 5 : i32
      %add3A_159 = arith.addi %add3A_145, %add3A_158 : i32
      %lt3A_160 = arith.constant 125 : i32
      %lt3A_161 = arith.cmpi slt, %add3A_159, %lt3A_160 : i32
      %convert_element_type3A_162 = arith.extui %lt3A_161 : i1 to i32
      %cond3A_163 = arith.constant 0 : i32
      %cond3A_164 = arith.cmpi ne, %convert_element_type3A_162, %cond3A_163 : i32
      scf.if %cond3A_164 {
        %add3A_189 = arith.constant 5 : i32
        %add3A_190 = arith.addi %add3A_145, %add3A_189 : i32
        %dma_start3A_191 = arith.constant 3 : i32
        %dma_start3A_192 = arith.constant 0 : i32
        %dma_start3A_193 = arith.constant 0 : i32
        %dma_start3A_194 = tpu.memref_slice %arg9[%dma_start3A_191, %dma_start3A_192, %dma_start3A_193] : memref<5x80x64xf32, #tpu.memory_space<vmem>> -> memref<1x80x64xf32, #tpu.memory_space<vmem>>
        %dma_start3A_195 = tpu.memref_squeeze %dma_start3A_194 : memref<1x80x64xf32, #tpu.memory_space<vmem>> -> memref<80x64xf32, #tpu.memory_space<vmem>>
        %dma_start3A_196 = arith.constant 0 : i32
        %dma_start3A_197 = tpu.memref_slice %arg7[%add3A_190, %dma_start3A_196] : memref<125x80xi32, #tpu.memory_space<vmem>> -> memref<1x80xi32, #tpu.memory_space<vmem>>
        %dma_start3A_198 = tpu.memref_squeeze %dma_start3A_197 : memref<1x80xi32, #tpu.memory_space<vmem>> -> memref<80xi32, #tpu.memory_space<vmem>>
        %dma_start3A_199 = arith.constant 0 : i32
        %dma_start3A_200 = arith.constant 0 : i32
        %dma_start3A_201 = tpu.memref_slice %arg2[%dma_start3A_199, %dma_start3A_200] : memref<10000x64xf32, #tpu.memory_space<hbm>> -> memref<10000x64xf32, #tpu.memory_space<hbm>>
        tpu.enqueue_indirect_dma source(%dma_start3A_201 : memref<10000x64xf32, #tpu.memory_space<hbm>>) target(%dma_start3A_195 : memref<80x64xf32, #tpu.memory_space<vmem>>) offsets(%dma_start3A_198 : memref<80xi32, #tpu.memory_space<vmem>>) semaphore(%arg14 : memref<!tpu.dma_semaphore, #tpu.memory_space<semaphore_mem>>)
      } else {
      }
      %mul3A_165 = arith.constant 5 : i32
      %mul3A_166 = arith.muli %scan3A_74, %mul3A_165 : i32
      %add3A_167 = arith.constant 4 : i32
      %add3A_168 = arith.addi %mul3A_166, %add3A_167 : i32
      %dma_wait3A_169 = arith.constant 4 : i32
      %dma_wait3A_170 = arith.constant 0 : i32
      %dma_wait3A_171 = arith.constant 0 : i32
      %dma_wait3A_172 = tpu.memref_slice %arg9[%dma_wait3A_169, %dma_wait3A_170, %dma_wait3A_171] : memref<5x80x64xf32, #tpu.memory_space<vmem>> -> memref<1x80x64xf32, #tpu.memory_space<vmem>>
      %dma_wait3A_173 = tpu.memref_squeeze %dma_wait3A_172 : memref<1x80x64xf32, #tpu.memory_space<vmem>> -> memref<80x64xf32, #tpu.memory_space<vmem>>
      %dma_wait3A_174 = arith.constant 0 : i32
      %dma_wait3A_175 = tpu.memref_slice %arg7[%add3A_168, %dma_wait3A_174] : memref<125x80xi32, #tpu.memory_space<vmem>> -> memref<1x80xi32, #tpu.memory_space<vmem>>
      %dma_wait3A_176 = tpu.memref_squeeze %dma_wait3A_175 : memref<1x80xi32, #tpu.memory_space<vmem>> -> memref<80xi32, #tpu.memory_space<vmem>>
      %dma_wait3A_177 = arith.constant 0 : i32
      %dma_wait3A_178 = arith.constant 0 : i32
      %dma_wait3A_179 = tpu.memref_slice %arg2[%dma_wait3A_177, %dma_wait3A_178] : memref<10000x64xf32, #tpu.memory_space<hbm>> -> memref<10000x64xf32, #tpu.memory_space<hbm>>
      tpu.wait_indirect_dma semaphore(%arg15 : memref<!tpu.dma_semaphore, #tpu.memory_space<semaphore_mem>>) src(%dma_wait3A_179 : memref<10000x64xf32, #tpu.memory_space<hbm>>) dst(%dma_wait3A_173 : memref<80x64xf32, #tpu.memory_space<vmem>>)
      %run_scoped3A_180 = arith.constant 4 : i32
      "tpu.region"() ({
        %run_scoped3A_189 = tpu.sem_alloc : memref<!tpu.dma_semaphore, #tpu.memory_space<semaphore_mem>>
        %dma_start3A_190 = arith.constant 0 : i32
        %dma_start3A_191 = arith.constant 0 : i32
        %dma_start3A_192 = tpu.memref_slice %arg9[%run_scoped3A_180, %dma_start3A_190, %dma_start3A_191] : memref<5x80x64xf32, #tpu.memory_space<vmem>> -> memref<1x80x64xf32, #tpu.memory_space<vmem>>
        %dma_start3A_193 = tpu.memref_squeeze %dma_start3A_192 : memref<1x80x64xf32, #tpu.memory_space<vmem>> -> memref<80x64xf32, #tpu.memory_space<vmem>>
        %dma_start3A_194 = arith.constant 0 : i32
        %dma_start3A_195 = tpu.memref_slice %arg8[%add3A_168, %dma_start3A_194] : memref<125x80xi32, #tpu.memory_space<vmem>> -> memref<1x80xi32, #tpu.memory_space<vmem>>
        %dma_start3A_196 = tpu.memref_squeeze %dma_start3A_195 : memref<1x80xi32, #tpu.memory_space<vmem>> -> memref<80xi32, #tpu.memory_space<vmem>>
        %dma_start3A_197 = arith.constant 0 : i32
        %dma_start3A_198 = arith.constant 0 : i32
        %dma_start3A_199 = tpu.memref_slice %arg10[%dma_start3A_197, %dma_start3A_198] : memref<10000x64xf32, #tpu.memory_space<vmem_shared>> -> memref<10000x64xf32, #tpu.memory_space<vmem_shared>>
        tpu.enqueue_indirect_dma source(%dma_start3A_193 : memref<80x64xf32, #tpu.memory_space<vmem>>) target(%dma_start3A_199 : memref<10000x64xf32, #tpu.memory_space<vmem_shared>>) offsets(%dma_start3A_196 : memref<80xi32, #tpu.memory_space<vmem>>) semaphore(%run_scoped3A_189 : memref<!tpu.dma_semaphore, #tpu.memory_space<semaphore_mem>>) {add = true}
        %dma_wait3A_200 = arith.constant 0 : i32
        %dma_wait3A_201 = arith.constant 0 : i32
        %dma_wait3A_202 = tpu.memref_slice %arg9[%run_scoped3A_180, %dma_wait3A_200, %dma_wait3A_201] : memref<5x80x64xf32, #tpu.memory_space<vmem>> -> memref<1x80x64xf32, #tpu.memory_space<vmem>>
        %dma_wait3A_203 = tpu.memref_squeeze %dma_wait3A_202 : memref<1x80x64xf32, #tpu.memory_space<vmem>> -> memref<80x64xf32, #tpu.memory_space<vmem>>
        %dma_wait3A_204 = arith.constant 0 : i32
        %dma_wait3A_205 = tpu.memref_slice %arg8[%add3A_168, %dma_wait3A_204] : memref<125x80xi32, #tpu.memory_space<vmem>> -> memref<1x80xi32, #tpu.memory_space<vmem>>
        %dma_wait3A_206 = tpu.memref_squeeze %dma_wait3A_205 : memref<1x80xi32, #tpu.memory_space<vmem>> -> memref<80xi32, #tpu.memory_space<vmem>>
        %dma_wait3A_207 = arith.constant 0 : i32
        %dma_wait3A_208 = arith.constant 0 : i32
        %dma_wait3A_209 = tpu.memref_slice %arg10[%dma_wait3A_207, %dma_wait3A_208] : memref<10000x64xf32, #tpu.memory_space<vmem_shared>> -> memref<10000x64xf32, #tpu.memory_space<vmem_shared>>
        tpu.wait_indirect_dma semaphore(%run_scoped3A_189 : memref<!tpu.dma_semaphore, #tpu.memory_space<semaphore_mem>>) src(%dma_wait3A_203 : memref<80x64xf32, #tpu.memory_space<vmem>>) dst(%dma_wait3A_209 : memref<10000x64xf32, #tpu.memory_space<vmem_shared>>)
        tpu.yield
      }) : () -> ()
      %add3A_181 = arith.constant 5 : i32
      %add3A_182 = arith.addi %add3A_168, %add3A_181 : i32
      %lt3A_183 = arith.constant 125 : i32
      %lt3A_184 = arith.cmpi slt, %add3A_182, %lt3A_183 : i32
      %convert_element_type3A_185 = arith.extui %lt3A_184 : i1 to i32
      %cond3A_186 = arith.constant 0 : i32
      %cond3A_187 = arith.cmpi ne, %convert_element_type3A_185, %cond3A_186 : i32
      scf.if %cond3A_187 {
        %add3A_189 = arith.constant 5 : i32
        %add3A_190 = arith.addi %add3A_168, %add3A_189 : i32
        %dma_start3A_191 = arith.constant 4 : i32
        %dma_start3A_192 = arith.constant 0 : i32
        %dma_start3A_193 = arith.constant 0 : i32
        %dma_start3A_194 = tpu.memref_slice %arg9[%dma_start3A_191, %dma_start3A_192, %dma_start3A_193] : memref<5x80x64xf32, #tpu.memory_space<vmem>> -> memref<1x80x64xf32, #tpu.memory_space<vmem>>
        %dma_start3A_195 = tpu.memref_squeeze %dma_start3A_194 : memref<1x80x64xf32, #tpu.memory_space<vmem>> -> memref<80x64xf32, #tpu.memory_space<vmem>>
        %dma_start3A_196 = arith.constant 0 : i32
        %dma_start3A_197 = tpu.memref_slice %arg7[%add3A_190, %dma_start3A_196] : memref<125x80xi32, #tpu.memory_space<vmem>> -> memref<1x80xi32, #tpu.memory_space<vmem>>
        %dma_start3A_198 = tpu.memref_squeeze %dma_start3A_197 : memref<1x80xi32, #tpu.memory_space<vmem>> -> memref<80xi32, #tpu.memory_space<vmem>>
        %dma_start3A_199 = arith.constant 0 : i32
        %dma_start3A_200 = arith.constant 0 : i32
        %dma_start3A_201 = tpu.memref_slice %arg2[%dma_start3A_199, %dma_start3A_200] : memref<10000x64xf32, #tpu.memory_space<hbm>> -> memref<10000x64xf32, #tpu.memory_space<hbm>>
        tpu.enqueue_indirect_dma source(%dma_start3A_201 : memref<10000x64xf32, #tpu.memory_space<hbm>>) target(%dma_start3A_195 : memref<80x64xf32, #tpu.memory_space<vmem>>) offsets(%dma_start3A_198 : memref<80xi32, #tpu.memory_space<vmem>>) semaphore(%arg15 : memref<!tpu.dma_semaphore, #tpu.memory_space<semaphore_mem>>)
      } else {
      }
      %scan3A_188 = arith.constant 0 : i32
      scf.yield %scan3A_188 : i32
    }
    %scan3A_67 = arith.constant 25 : i32
    %barrier3A_68 = arith.constant 0 : index
    tpu.barrier barrier_id(%barrier3A_68)
    %eq3A_69 = arith.constant 0 : i32
    %eq3A_70 = arith.cmpi eq, %arg1, %eq3A_69 : i32
    %convert_element_type3A_71 = arith.extui %eq3A_70 : i1 to i32
    %cond3A_72 = arith.constant 0 : i32
    %cond3A_73 = arith.cmpi ne, %convert_element_type3A_71, %cond3A_72 : i32
    scf.if %cond3A_73 {
      "tpu.region"() ({
        %run_scoped3A = tpu.sem_alloc : memref<!tpu.dma_semaphore, #tpu.memory_space<semaphore_mem>>
        %dma_start3A_74 = arith.constant 0 : i32
        %dma_start3A_75 = arith.constant 0 : i32
        %dma_start3A_76 = tpu.memref_slice %arg6[%arg0, %dma_start3A_74, %dma_start3A_75] : memref<2x10000x64xf32, #tpu.memory_space<hbm>> -> memref<1x10000x64xf32, #tpu.memory_space<hbm>>
        %dma_start3A_77 = tpu.memref_squeeze %dma_start3A_76 : memref<1x10000x64xf32, #tpu.memory_space<hbm>> -> memref<10000x64xf32, #tpu.memory_space<hbm>>
        tpu.enqueue_dma source(%arg10 : memref<10000x64xf32, #tpu.memory_space<vmem_shared>>) target(%dma_start3A_77 : memref<10000x64xf32, #tpu.memory_space<hbm>>) target_semaphore(%run_scoped3A : memref<!tpu.dma_semaphore, #tpu.memory_space<semaphore_mem>>)
        %dma_wait3A = arith.constant 0 : i32
        %dma_wait3A_78 = arith.constant 0 : i32
        %dma_wait3A_79 = tpu.memref_slice %arg6[%arg0, %dma_wait3A, %dma_wait3A_78] : memref<2x10000x64xf32, #tpu.memory_space<hbm>> -> memref<1x10000x64xf32, #tpu.memory_space<hbm>>
        %dma_wait3A_80 = tpu.memref_squeeze %dma_wait3A_79 : memref<1x10000x64xf32, #tpu.memory_space<hbm>> -> memref<10000x64xf32, #tpu.memory_space<hbm>>
        tpu.wait_dma2 semaphore(%run_scoped3A : memref<!tpu.dma_semaphore, #tpu.memory_space<semaphore_mem>>) src(%arg10 : memref<10000x64xf32, #tpu.memory_space<vmem_shared>>) dst(%dma_wait3A_80 : memref<10000x64xf32, #tpu.memory_space<hbm>>)
        tpu.yield
      }) : () -> ()
    } else {
    }
    return
  }
}

module attributes {stable_mosaic.version = 14 : i64} {
  func.func @body(%arg0: memref<10000x128xf32, #tpu.memory_space<vmem>>, %arg1: memref<128x64xf32, #tpu.memory_space<vmem>>, %arg2: memref<10000x64xf32, #tpu.memory_space<vmem>>) attributes {dimension_semantics = [], scalar_prefetch = 0 : i64, scratch_operands = 0 : i64, tpu.core_type = #tpu.core_type<tc>} {
    %get3A = arith.constant 0 : index
    %get3A_0 = arith.constant 0 : index
    %get3A_1 = vector.load %arg0[%get3A, %get3A_0] : memref<10000x128xf32, #tpu.memory_space<vmem>>, vector<10000x128xf32>
    %get3A_2 = arith.constant 0 : index
    %get3A_3 = arith.constant 0 : index
    %get3A_4 = vector.load %arg1[%get3A_2, %get3A_3] : memref<128x64xf32, #tpu.memory_space<vmem>>, vector<128x64xf32>
    %dot_general3A = arith.constant dense<0.000000e+00> : vector<10000x64xf32>
    %dot_general3A_5 = tpu.matmul %get3A_1, %get3A_4, %dot_general3A {dimension_numbers = #tpu.dot_dimension_numbers<[1], [0], [0], [1], [0, 0, 1, 1], [], []>, transpose_lhs_hint = false} : vector<10000x128xf32>, vector<128x64xf32>, vector<10000x64xf32> -> vector<10000x64xf32>
    %swap3A = arith.constant 0 : index
    %swap3A_6 = arith.constant 0 : index
    %swap3A_7 = vector.load %arg2[%swap3A, %swap3A_6] : memref<10000x64xf32, #tpu.memory_space<vmem>>, vector<10000x64xf32>
    tpu.vector_store %arg2[%swap3A, %swap3A_6], %dot_general3A_5 {strides = array<i32>} : memref<10000x64xf32, #tpu.memory_space<vmem>>, vector<10000x64xf32>,
    return
  }
}

module attributes {stable_mosaic.version = 14 : i64} {
  func.func @body(%arg0: memref<10000x64xf32, #tpu.memory_space<vmem>>, %arg1: memref<2x10000x64xf32, #tpu.memory_space<vmem>>, %arg2: memref<64x64xf32, #tpu.memory_space<vmem>>, %arg3: memref<1x64xf32, #tpu.memory_space<vmem>>, %arg4: memref<64x64xf32, #tpu.memory_space<vmem>>, %arg5: memref<1x64xf32, #tpu.memory_space<vmem>>, %arg6: memref<1x64xf32, #tpu.memory_space<vmem>>, %arg7: memref<1x64xf32, #tpu.memory_space<vmem>>, %arg8: memref<10000x64xf32, #tpu.memory_space<vmem>>) attributes {dimension_semantics = [], scalar_prefetch = 0 : i64, scratch_operands = 0 : i64, tpu.core_type = #tpu.core_type<tc>} {
    %get3A = arith.constant 0 : index
    %get3A_0 = arith.constant 0 : index
    %get3A_1 = arith.constant 0 : index
    %get3A_2 = vector.load %arg1[%get3A, %get3A_0, %get3A_1] : memref<2x10000x64xf32, #tpu.memory_space<vmem>>, vector<1x10000x64xf32>
    %get3A_3 = vector.shape_cast %get3A_2 : vector<1x10000x64xf32> to vector<10000x64xf32>
    %get3A_4 = arith.constant 1 : index
    %get3A_5 = arith.constant 0 : index
    %get3A_6 = arith.constant 0 : index
    %get3A_7 = vector.load %arg1[%get3A_4, %get3A_5, %get3A_6] : memref<2x10000x64xf32, #tpu.memory_space<vmem>>, vector<1x10000x64xf32>
    %get3A_8 = vector.shape_cast %get3A_7 : vector<1x10000x64xf32> to vector<10000x64xf32>
    %add3A = arith.addf %get3A_3, %get3A_8 : vector<10000x64xf32>
    %get3A_9 = arith.constant 0 : index
    %get3A_10 = arith.constant 0 : index
    %get3A_11 = vector.load %arg0[%get3A_9, %get3A_10] : memref<10000x64xf32, #tpu.memory_space<vmem>>, vector<10000x64xf32>
    %add3A_12 = arith.addf %get3A_11, %add3A : vector<10000x64xf32>
    %get3A_13 = arith.constant 0 : index
    %get3A_14 = arith.constant 0 : index
    %get3A_15 = vector.load %arg3[%get3A_13, %get3A_14] : memref<1x64xf32, #tpu.memory_space<vmem>>, vector<1x64xf32>
    %add3A_16 = vector.broadcast %get3A_15 : vector<1x64xf32> to vector<10000x64xf32>
    %add3A_17 = arith.addf %add3A_12, %add3A_16 : vector<10000x64xf32>
    %max3A = arith.constant 0.000000e+00 : f32
    %max3A_18 = vector.broadcast %max3A : f32 to vector<10000x64xf32>
    %max3A_19 = arith.maximumf %add3A_17, %max3A_18 : vector<10000x64xf32>
    %get3A_20 = arith.constant 0 : index
    %get3A_21 = arith.constant 0 : index
    %get3A_22 = vector.load %arg4[%get3A_20, %get3A_21] : memref<64x64xf32, #tpu.memory_space<vmem>>, vector<64x64xf32>
    %dot_general3A = arith.constant dense<0.000000e+00> : vector<10000x64xf32>
    %dot_general3A_23 = tpu.matmul %max3A_19, %get3A_22, %dot_general3A {dimension_numbers = #tpu.dot_dimension_numbers<[1], [0], [0], [1], [0, 0, 1, 1], [], []>, transpose_lhs_hint = false} : vector<10000x64xf32>, vector<64x64xf32>, vector<10000x64xf32> -> vector<10000x64xf32>
    %get3A_24 = arith.constant 0 : index
    %get3A_25 = arith.constant 0 : index
    %get3A_26 = vector.load %arg5[%get3A_24, %get3A_25] : memref<1x64xf32, #tpu.memory_space<vmem>>, vector<1x64xf32>
    %add3A_27 = vector.broadcast %get3A_26 : vector<1x64xf32> to vector<10000x64xf32>
    %add3A_28 = arith.addf %dot_general3A_23, %add3A_27 : vector<10000x64xf32>
    %reduce_sum3A = arith.constant dense<0.000000e+00> : vector<64xf32>
    %reduce_sum3A_29 = vector.multi_reduction <add>, %add3A_28, %reduce_sum3A [0] : vector<10000x64xf32> to vector<64xf32>
    %broadcast_in_dim3A = vector.shape_cast %reduce_sum3A_29 : vector<64xf32> to vector<1x64xf32>
    %div3A = arith.constant 1.000000e+04 : f32
    %div3A_30 = vector.broadcast %div3A : f32 to vector<1x64xf32>
    %div3A_31 = arith.divf %broadcast_in_dim3A, %div3A_30 : vector<1x64xf32>
    %sub3A = vector.broadcast %div3A_31 : vector<1x64xf32> to vector<10000x64xf32>
    %sub3A_32 = arith.subf %add3A_28, %sub3A : vector<10000x64xf32>
    %mul3A = arith.mulf %sub3A_32, %sub3A_32 : vector<10000x64xf32>
    %reduce_sum3A_33 = arith.constant dense<0.000000e+00> : vector<64xf32>
    %reduce_sum3A_34 = vector.multi_reduction <add>, %mul3A, %reduce_sum3A_33 [0] : vector<10000x64xf32> to vector<64xf32>
    %broadcast_in_dim3A_35 = vector.shape_cast %reduce_sum3A_34 : vector<64xf32> to vector<1x64xf32>
    %div3A_36 = arith.constant 1.000000e+04 : f32
    %div3A_37 = vector.broadcast %div3A_36 : f32 to vector<1x64xf32>
    %div3A_38 = arith.divf %broadcast_in_dim3A_35, %div3A_37 : vector<1x64xf32>
    %add3A_39 = arith.constant 9.99999974E-6 : f32
    %add3A_40 = vector.broadcast %add3A_39 : f32 to vector<1x64xf32>
    %add3A_41 = arith.addf %div3A_38, %add3A_40 : vector<1x64xf32>
    %rsqrt3A = math.rsqrt %add3A_41 : vector<1x64xf32>
    %mul3A_42 = vector.broadcast %rsqrt3A : vector<1x64xf32> to vector<10000x64xf32>
    %mul3A_43 = arith.mulf %sub3A_32, %mul3A_42 : vector<10000x64xf32>
    %get3A_44 = arith.constant 0 : index
    %get3A_45 = arith.constant 0 : index
    %get3A_46 = vector.load %arg6[%get3A_44, %get3A_45] : memref<1x64xf32, #tpu.memory_space<vmem>>, vector<1x64xf32>
    %mul3A_47 = vector.broadcast %get3A_46 : vector<1x64xf32> to vector<10000x64xf32>
    %mul3A_48 = arith.mulf %mul3A_43, %mul3A_47 : vector<10000x64xf32>
    %get3A_49 = arith.constant 0 : index
    %get3A_50 = arith.constant 0 : index
    %get3A_51 = vector.load %arg7[%get3A_49, %get3A_50] : memref<1x64xf32, #tpu.memory_space<vmem>>, vector<1x64xf32>
    %add3A_52 = vector.broadcast %get3A_51 : vector<1x64xf32> to vector<10000x64xf32>
    %add3A_53 = arith.addf %mul3A_48, %add3A_52 : vector<10000x64xf32>
    %max3A_54 = arith.constant 0.000000e+00 : f32
    %max3A_55 = vector.broadcast %max3A_54 : f32 to vector<10000x64xf32>
    %max3A_56 = arith.maximumf %add3A_53, %max3A_55 : vector<10000x64xf32>
    %swap3A = arith.constant 0 : index
    %swap3A_57 = arith.constant 0 : index
    %swap3A_58 = vector.load %arg8[%swap3A, %swap3A_57] : memref<10000x64xf32, #tpu.memory_space<vmem>>, vector<10000x64xf32>
    tpu.vector_store %arg8[%swap3A, %swap3A_57], %max3A_56 {strides = array<i32>} : memref<10000x64xf32, #tpu.memory_space<vmem>>, vector<10000x64xf32>,
    return
  }
}

module attributes {stable_mosaic.version = 14 : i64} {
  func.func @body(%arg0: memref<10000x64xf32, #tpu.memory_space<vmem>>, %arg1: memref<2x10000x64xf32, #tpu.memory_space<vmem>>, %arg2: memref<64x64xf32, #tpu.memory_space<vmem>>, %arg3: memref<1x64xf32, #tpu.memory_space<vmem>>, %arg4: memref<64x64xf32, #tpu.memory_space<vmem>>, %arg5: memref<1x64xf32, #tpu.memory_space<vmem>>, %arg6: memref<1x64xf32, #tpu.memory_space<vmem>>, %arg7: memref<1x64xf32, #tpu.memory_space<vmem>>, %arg8: memref<10000x64xf32, #tpu.memory_space<vmem>>) attributes {dimension_semantics = [], scalar_prefetch = 0 : i64, scratch_operands = 0 : i64, tpu.core_type = #tpu.core_type<tc>} {
    %get3A = arith.constant 0 : index
    %get3A_0 = arith.constant 0 : index
    %get3A_1 = arith.constant 0 : index
    %get3A_2 = vector.load %arg1[%get3A, %get3A_0, %get3A_1] : memref<2x10000x64xf32, #tpu.memory_space<vmem>>, vector<1x10000x64xf32>
    %get3A_3 = vector.shape_cast %get3A_2 : vector<1x10000x64xf32> to vector<10000x64xf32>
    %get3A_4 = arith.constant 1 : index
    %get3A_5 = arith.constant 0 : index
    %get3A_6 = arith.constant 0 : index
    %get3A_7 = vector.load %arg1[%get3A_4, %get3A_5, %get3A_6] : memref<2x10000x64xf32, #tpu.memory_space<vmem>>, vector<1x10000x64xf32>
    %get3A_8 = vector.shape_cast %get3A_7 : vector<1x10000x64xf32> to vector<10000x64xf32>
    %add3A = arith.addf %get3A_3, %get3A_8 : vector<10000x64xf32>
    %get3A_9 = arith.constant 0 : index
    %get3A_10 = arith.constant 0 : index
    %get3A_11 = vector.load %arg0[%get3A_9, %get3A_10] : memref<10000x64xf32, #tpu.memory_space<vmem>>, vector<10000x64xf32>
    %add3A_12 = arith.addf %get3A_11, %add3A : vector<10000x64xf32>
    %get3A_13 = arith.constant 0 : index
    %get3A_14 = arith.constant 0 : index
    %get3A_15 = vector.load %arg2[%get3A_13, %get3A_14] : memref<64x64xf32, #tpu.memory_space<vmem>>, vector<64x64xf32>
    %dot_general3A = arith.constant dense<0.000000e+00> : vector<10000x64xf32>
    %dot_general3A_16 = tpu.matmul %add3A_12, %get3A_15, %dot_general3A {dimension_numbers = #tpu.dot_dimension_numbers<[1], [0], [0], [1], [0, 0, 1, 1], [], []>, transpose_lhs_hint = false} : vector<10000x64xf32>, vector<64x64xf32>, vector<10000x64xf32> -> vector<10000x64xf32>
    %get3A_17 = arith.constant 0 : index
    %get3A_18 = arith.constant 0 : index
    %get3A_19 = vector.load %arg3[%get3A_17, %get3A_18] : memref<1x64xf32, #tpu.memory_space<vmem>>, vector<1x64xf32>
    %add3A_20 = vector.broadcast %get3A_19 : vector<1x64xf32> to vector<10000x64xf32>
    %add3A_21 = arith.addf %dot_general3A_16, %add3A_20 : vector<10000x64xf32>
    %max3A = arith.constant 0.000000e+00 : f32
    %max3A_22 = vector.broadcast %max3A : f32 to vector<10000x64xf32>
    %max3A_23 = arith.maximumf %add3A_21, %max3A_22 : vector<10000x64xf32>
    %get3A_24 = arith.constant 0 : index
    %get3A_25 = arith.constant 0 : index
    %get3A_26 = vector.load %arg4[%get3A_24, %get3A_25] : memref<64x64xf32, #tpu.memory_space<vmem>>, vector<64x64xf32>
    %dot_general3A_27 = arith.constant dense<0.000000e+00> : vector<10000x64xf32>
    %dot_general3A_28 = tpu.matmul %max3A_23, %get3A_26, %dot_general3A_27 {dimension_numbers = #tpu.dot_dimension_numbers<[1], [0], [0], [1], [0, 0, 1, 1], [], []>, transpose_lhs_hint = false} : vector<10000x64xf32>, vector<64x64xf32>, vector<10000x64xf32> -> vector<10000x64xf32>
    %get3A_29 = arith.constant 0 : index
    %get3A_30 = arith.constant 0 : index
    %get3A_31 = vector.load %arg5[%get3A_29, %get3A_30] : memref<1x64xf32, #tpu.memory_space<vmem>>, vector<1x64xf32>
    %add3A_32 = vector.broadcast %get3A_31 : vector<1x64xf32> to vector<10000x64xf32>
    %add3A_33 = arith.addf %dot_general3A_28, %add3A_32 : vector<10000x64xf32>
    %reduce_sum3A = arith.constant dense<0.000000e+00> : vector<64xf32>
    %reduce_sum3A_34 = vector.multi_reduction <add>, %add3A_33, %reduce_sum3A [0] : vector<10000x64xf32> to vector<64xf32>
    %broadcast_in_dim3A = vector.shape_cast %reduce_sum3A_34 : vector<64xf32> to vector<1x64xf32>
    %div3A = arith.constant 1.000000e+04 : f32
    %div3A_35 = vector.broadcast %div3A : f32 to vector<1x64xf32>
    %div3A_36 = arith.divf %broadcast_in_dim3A, %div3A_35 : vector<1x64xf32>
    %sub3A = vector.broadcast %div3A_36 : vector<1x64xf32> to vector<10000x64xf32>
    %sub3A_37 = arith.subf %add3A_33, %sub3A : vector<10000x64xf32>
    %mul3A = arith.mulf %sub3A_37, %sub3A_37 : vector<10000x64xf32>
    %reduce_sum3A_38 = arith.constant dense<0.000000e+00> : vector<64xf32>
    %reduce_sum3A_39 = vector.multi_reduction <add>, %mul3A, %reduce_sum3A_38 [0] : vector<10000x64xf32> to vector<64xf32>
    %broadcast_in_dim3A_40 = vector.shape_cast %reduce_sum3A_39 : vector<64xf32> to vector<1x64xf32>
    %div3A_41 = arith.constant 1.000000e+04 : f32
    %div3A_42 = vector.broadcast %div3A_41 : f32 to vector<1x64xf32>
    %div3A_43 = arith.divf %broadcast_in_dim3A_40, %div3A_42 : vector<1x64xf32>
    %add3A_44 = arith.constant 9.99999974E-6 : f32
    %add3A_45 = vector.broadcast %add3A_44 : f32 to vector<1x64xf32>
    %add3A_46 = arith.addf %div3A_43, %add3A_45 : vector<1x64xf32>
    %rsqrt3A = math.rsqrt %add3A_46 : vector<1x64xf32>
    %mul3A_47 = vector.broadcast %rsqrt3A : vector<1x64xf32> to vector<10000x64xf32>
    %mul3A_48 = arith.mulf %sub3A_37, %mul3A_47 : vector<10000x64xf32>
    %get3A_49 = arith.constant 0 : index
    %get3A_50 = arith.constant 0 : index
    %get3A_51 = vector.load %arg6[%get3A_49, %get3A_50] : memref<1x64xf32, #tpu.memory_space<vmem>>, vector<1x64xf32>
    %mul3A_52 = vector.broadcast %get3A_51 : vector<1x64xf32> to vector<10000x64xf32>
    %mul3A_53 = arith.mulf %mul3A_48, %mul3A_52 : vector<10000x64xf32>
    %get3A_54 = arith.constant 0 : index
    %get3A_55 = arith.constant 0 : index
    %get3A_56 = vector.load %arg7[%get3A_54, %get3A_55] : memref<1x64xf32, #tpu.memory_space<vmem>>, vector<1x64xf32>
    %add3A_57 = vector.broadcast %get3A_56 : vector<1x64xf32> to vector<10000x64xf32>
    %add3A_58 = arith.addf %mul3A_53, %add3A_57 : vector<10000x64xf32>
    %max3A_59 = arith.constant 0.000000e+00 : f32
    %max3A_60 = vector.broadcast %max3A_59 : f32 to vector<10000x64xf32>
    %max3A_61 = arith.maximumf %add3A_58, %max3A_60 : vector<10000x64xf32>
    %swap3A = arith.constant 0 : index
    %swap3A_62 = arith.constant 0 : index
    %swap3A_63 = vector.load %arg8[%swap3A, %swap3A_62] : memref<10000x64xf32, #tpu.memory_space<vmem>>, vector<10000x64xf32>
    tpu.vector_store %arg8[%swap3A, %swap3A_62], %max3A_61 {strides = array<i32>} : memref<10000x64xf32, #tpu.memory_space<vmem>>, vector<10000x64xf32>,
    return
  }
}

module attributes {stable_mosaic.version = 14 : i64} {
  func.func @body(%arg0: memref<10000x64xf32, #tpu.memory_space<vmem>>, %arg1: memref<10000x64xf32, #tpu.memory_space<vmem>>, %arg2: memref<2x10000x64xf32, #tpu.memory_space<vmem>>, %arg3: memref<1x10000xi32, #tpu.memory_space<vmem>>, %arg4: memref<64x64xf32, #tpu.memory_space<vmem>>, %arg5: memref<1x64xf32, #tpu.memory_space<vmem>>, %arg6: memref<64x64xf32, #tpu.memory_space<vmem>>, %arg7: memref<1x64xf32, #tpu.memory_space<vmem>>, %arg8: memref<1x64xf32, #tpu.memory_space<vmem>>, %arg9: memref<1x64xf32, #tpu.memory_space<vmem>>, %arg10: memref<192x64xf32, #tpu.memory_space<vmem>>, %arg11: memref<1x64xf32, #tpu.memory_space<vmem>>, %arg12: memref<64x32xf32, #tpu.memory_space<vmem>>, %arg13: memref<1x32xf32, #tpu.memory_space<vmem>>, %arg14: memref<32x2xf32, #tpu.memory_space<vmem>>, %arg15: memref<1x2xf32, #tpu.memory_space<vmem>>, %arg16: memref<64x2xf32, #tpu.memory_space<vmem>>) attributes {dimension_semantics = [], scalar_prefetch = 0 : i64, scratch_operands = 0 : i64, tpu.core_type = #tpu.core_type<tc>} {
    %get3A = arith.constant 0 : index
    %get3A_0 = arith.constant 0 : index
    %get3A_1 = arith.constant 0 : index
    %get3A_2 = vector.load %arg2[%get3A, %get3A_0, %get3A_1] : memref<2x10000x64xf32, #tpu.memory_space<vmem>>, vector<1x10000x64xf32>
    %get3A_3 = vector.shape_cast %get3A_2 : vector<1x10000x64xf32> to vector<10000x64xf32>
    %get3A_4 = arith.constant 1 : index
    %get3A_5 = arith.constant 0 : index
    %get3A_6 = arith.constant 0 : index
    %get3A_7 = vector.load %arg2[%get3A_4, %get3A_5, %get3A_6] : memref<2x10000x64xf32, #tpu.memory_space<vmem>>, vector<1x10000x64xf32>
    %get3A_8 = vector.shape_cast %get3A_7 : vector<1x10000x64xf32> to vector<10000x64xf32>
    %add3A = arith.addf %get3A_3, %get3A_8 : vector<10000x64xf32>
    %get3A_9 = arith.constant 0 : index
    %get3A_10 = arith.constant 0 : index
    %get3A_11 = vector.load %arg1[%get3A_9, %get3A_10] : memref<10000x64xf32, #tpu.memory_space<vmem>>, vector<10000x64xf32>
    %add3A_12 = arith.addf %get3A_11, %add3A : vector<10000x64xf32>
    %get3A_13 = arith.constant 0 : index
    %get3A_14 = arith.constant 0 : index
    %get3A_15 = vector.load %arg4[%get3A_13, %get3A_14] : memref<64x64xf32, #tpu.memory_space<vmem>>, vector<64x64xf32>
    %dot_general3A = arith.constant dense<0.000000e+00> : vector<10000x64xf32>
    %dot_general3A_16 = tpu.matmul %add3A_12, %get3A_15, %dot_general3A {dimension_numbers = #tpu.dot_dimension_numbers<[1], [0], [0], [1], [0, 0, 1, 1], [], []>, transpose_lhs_hint = false} : vector<10000x64xf32>, vector<64x64xf32>, vector<10000x64xf32> -> vector<10000x64xf32>
    %get3A_17 = arith.constant 0 : index
    %get3A_18 = arith.constant 0 : index
    %get3A_19 = vector.load %arg5[%get3A_17, %get3A_18] : memref<1x64xf32, #tpu.memory_space<vmem>>, vector<1x64xf32>
    %add3A_20 = vector.broadcast %get3A_19 : vector<1x64xf32> to vector<10000x64xf32>
    %add3A_21 = arith.addf %dot_general3A_16, %add3A_20 : vector<10000x64xf32>
    %max3A = arith.constant 0.000000e+00 : f32
    %max3A_22 = vector.broadcast %max3A : f32 to vector<10000x64xf32>
    %max3A_23 = arith.maximumf %add3A_21, %max3A_22 : vector<10000x64xf32>
    %get3A_24 = arith.constant 0 : index
    %get3A_25 = arith.constant 0 : index
    %get3A_26 = vector.load %arg6[%get3A_24, %get3A_25] : memref<64x64xf32, #tpu.memory_space<vmem>>, vector<64x64xf32>
    %dot_general3A_27 = arith.constant dense<0.000000e+00> : vector<10000x64xf32>
    %dot_general3A_28 = tpu.matmul %max3A_23, %get3A_26, %dot_general3A_27 {dimension_numbers = #tpu.dot_dimension_numbers<[1], [0], [0], [1], [0, 0, 1, 1], [], []>, transpose_lhs_hint = false} : vector<10000x64xf32>, vector<64x64xf32>, vector<10000x64xf32> -> vector<10000x64xf32>
    %get3A_29 = arith.constant 0 : index
    %get3A_30 = arith.constant 0 : index
    %get3A_31 = vector.load %arg7[%get3A_29, %get3A_30] : memref<1x64xf32, #tpu.memory_space<vmem>>, vector<1x64xf32>
    %add3A_32 = vector.broadcast %get3A_31 : vector<1x64xf32> to vector<10000x64xf32>
    %add3A_33 = arith.addf %dot_general3A_28, %add3A_32 : vector<10000x64xf32>
    %reduce_sum3A = arith.constant dense<0.000000e+00> : vector<64xf32>
    %reduce_sum3A_34 = vector.multi_reduction <add>, %add3A_33, %reduce_sum3A [0] : vector<10000x64xf32> to vector<64xf32>
    %broadcast_in_dim3A = vector.shape_cast %reduce_sum3A_34 : vector<64xf32> to vector<1x64xf32>
    %div3A = arith.constant 1.000000e+04 : f32
    %div3A_35 = vector.broadcast %div3A : f32 to vector<1x64xf32>
    %div3A_36 = arith.divf %broadcast_in_dim3A, %div3A_35 : vector<1x64xf32>
    %sub3A = vector.broadcast %div3A_36 : vector<1x64xf32> to vector<10000x64xf32>
    %sub3A_37 = arith.subf %add3A_33, %sub3A : vector<10000x64xf32>
    %mul3A = arith.mulf %sub3A_37, %sub3A_37 : vector<10000x64xf32>
    %reduce_sum3A_38 = arith.constant dense<0.000000e+00> : vector<64xf32>
    %reduce_sum3A_39 = vector.multi_reduction <add>, %mul3A, %reduce_sum3A_38 [0] : vector<10000x64xf32> to vector<64xf32>
    %broadcast_in_dim3A_40 = vector.shape_cast %reduce_sum3A_39 : vector<64xf32> to vector<1x64xf32>
    %div3A_41 = arith.constant 1.000000e+04 : f32
    %div3A_42 = vector.broadcast %div3A_41 : f32 to vector<1x64xf32>
    %div3A_43 = arith.divf %broadcast_in_dim3A_40, %div3A_42 : vector<1x64xf32>
    %add3A_44 = arith.constant 9.99999974E-6 : f32
    %add3A_45 = vector.broadcast %add3A_44 : f32 to vector<1x64xf32>
    %add3A_46 = arith.addf %div3A_43, %add3A_45 : vector<1x64xf32>
    %rsqrt3A = math.rsqrt %add3A_46 : vector<1x64xf32>
    %mul3A_47 = vector.broadcast %rsqrt3A : vector<1x64xf32> to vector<10000x64xf32>
    %mul3A_48 = arith.mulf %sub3A_37, %mul3A_47 : vector<10000x64xf32>
    %get3A_49 = arith.constant 0 : index
    %get3A_50 = arith.constant 0 : index
    %get3A_51 = vector.load %arg8[%get3A_49, %get3A_50] : memref<1x64xf32, #tpu.memory_space<vmem>>, vector<1x64xf32>
    %mul3A_52 = vector.broadcast %get3A_51 : vector<1x64xf32> to vector<10000x64xf32>
    %mul3A_53 = arith.mulf %mul3A_48, %mul3A_52 : vector<10000x64xf32>
    %get3A_54 = arith.constant 0 : index
    %get3A_55 = arith.constant 0 : index
    %get3A_56 = vector.load %arg9[%get3A_54, %get3A_55] : memref<1x64xf32, #tpu.memory_space<vmem>>, vector<1x64xf32>
    %add3A_57 = vector.broadcast %get3A_56 : vector<1x64xf32> to vector<10000x64xf32>
    %add3A_58 = arith.addf %mul3A_53, %add3A_57 : vector<10000x64xf32>
    %max3A_59 = arith.constant 0.000000e+00 : f32
    %max3A_60 = vector.broadcast %max3A_59 : f32 to vector<10000x64xf32>
    %max3A_61 = arith.maximumf %add3A_58, %max3A_60 : vector<10000x64xf32>
    %get3A_62 = arith.constant 0 : index
    %get3A_63 = arith.constant 0 : index
    %get3A_64 = vector.load %arg0[%get3A_62, %get3A_63] : memref<10000x64xf32, #tpu.memory_space<vmem>>, vector<10000x64xf32>
    %get3A_65 = arith.constant 0 : index
    %get3A_66 = arith.constant 0 : index
    %get3A_67 = vector.load %arg10[%get3A_65, %get3A_66] : memref<192x64xf32, #tpu.memory_space<vmem>>, vector<64x64xf32>
    %dot_general3A_68 = arith.constant dense<0.000000e+00> : vector<10000x64xf32>
    %dot_general3A_69 = tpu.matmul %get3A_64, %get3A_67, %dot_general3A_68 {dimension_numbers = #tpu.dot_dimension_numbers<[1], [0], [0], [1], [0, 0, 1, 1], [], []>, transpose_lhs_hint = false} : vector<10000x64xf32>, vector<64x64xf32>, vector<10000x64xf32> -> vector<10000x64xf32>
    %get3A_70 = arith.constant 0 : index
    %get3A_71 = arith.constant 0 : index
    %get3A_72 = vector.load %arg1[%get3A_70, %get3A_71] : memref<10000x64xf32, #tpu.memory_space<vmem>>, vector<10000x64xf32>
    %get3A_73 = arith.constant 64 : index
    %get3A_74 = arith.constant 0 : index
    %get3A_75 = vector.load %arg10[%get3A_73, %get3A_74] : memref<192x64xf32, #tpu.memory_space<vmem>>, vector<64x64xf32>
    %dot_general3A_76 = arith.constant dense<0.000000e+00> : vector<10000x64xf32>
    %dot_general3A_77 = tpu.matmul %get3A_72, %get3A_75, %dot_general3A_76 {dimension_numbers = #tpu.dot_dimension_numbers<[1], [0], [0], [1], [0, 0, 1, 1], [], []>, transpose_lhs_hint = false} : vector<10000x64xf32>, vector<64x64xf32>, vector<10000x64xf32> -> vector<10000x64xf32>
    %add3A_78 = arith.addf %dot_general3A_69, %dot_general3A_77 : vector<10000x64xf32>
    %get3A_79 = arith.constant 128 : index
    %get3A_80 = arith.constant 0 : index
    %get3A_81 = vector.load %arg10[%get3A_79, %get3A_80] : memref<192x64xf32, #tpu.memory_space<vmem>>, vector<64x64xf32>
    %dot_general3A_82 = arith.constant dense<0.000000e+00> : vector<10000x64xf32>
    %dot_general3A_83 = tpu.matmul %max3A_61, %get3A_81, %dot_general3A_82 {dimension_numbers = #tpu.dot_dimension_numbers<[1], [0], [0], [1], [0, 0, 1, 1], [], []>, transpose_lhs_hint = false} : vector<10000x64xf32>, vector<64x64xf32>, vector<10000x64xf32> -> vector<10000x64xf32>
    %add3A_84 = arith.addf %add3A_78, %dot_general3A_83 : vector<10000x64xf32>
    %get3A_85 = arith.constant 0 : index
    %get3A_86 = arith.constant 0 : index
    %get3A_87 = vector.load %arg11[%get3A_85, %get3A_86] : memref<1x64xf32, #tpu.memory_space<vmem>>, vector<1x64xf32>
    %add3A_88 = vector.broadcast %get3A_87 : vector<1x64xf32> to vector<10000x64xf32>
    %add3A_89 = arith.addf %add3A_84, %add3A_88 : vector<10000x64xf32>
    %iota3A = tpu.iota {dimensions = array<i32: 0>} : vector<64x10000xi32>
    %get3A_90 = arith.constant 0 : index
    %get3A_91 = arith.constant 0 : index
    %get3A_92 = vector.load %arg3[%get3A_90, %get3A_91] : memref<1x10000xi32, #tpu.memory_space<vmem>>, vector<1x10000xi32>
    %eq3A = vector.broadcast %get3A_92 : vector<1x10000xi32> to vector<64x10000xi32>
    %eq3A_93 = arith.cmpi eq, %iota3A, %eq3A : vector<64x10000xi32>
    %convert_element_type3A = arith.extui %eq3A_93 : vector<64x10000xi1> to vector<64x10000xi32>
    %convert_element_type3A_94 = arith.sitofp %convert_element_type3A : vector<64x10000xi32> to vector<64x10000xf32>
    %dot_general3A_95 = arith.constant dense<0.000000e+00> : vector<64x64xf32>
    %dot_general3A_96 = tpu.matmul %convert_element_type3A_94, %add3A_89, %dot_general3A_95 {dimension_numbers = #tpu.dot_dimension_numbers<[1], [0], [0], [1], [0, 0, 1, 1], [], []>, transpose_lhs_hint = false} : vector<64x10000xf32>, vector<10000x64xf32>, vector<64x64xf32> -> vector<64x64xf32>
    %get3A_97 = arith.constant 0 : index
    %get3A_98 = arith.constant 0 : index
    %get3A_99 = vector.load %arg12[%get3A_97, %get3A_98] : memref<64x32xf32, #tpu.memory_space<vmem>>, vector<64x32xf32>
    %dot_general3A_100 = arith.constant dense<0.000000e+00> : vector<64x32xf32>
    %dot_general3A_101 = tpu.matmul %dot_general3A_96, %get3A_99, %dot_general3A_100 {dimension_numbers = #tpu.dot_dimension_numbers<[1], [0], [0], [1], [0, 0, 1, 1], [], []>, transpose_lhs_hint = false} : vector<64x64xf32>, vector<64x32xf32>, vector<64x32xf32> -> vector<64x32xf32>
    %get3A_102 = arith.constant 0 : index
    %get3A_103 = arith.constant 0 : index
    %get3A_104 = vector.load %arg13[%get3A_102, %get3A_103] : memref<1x32xf32, #tpu.memory_space<vmem>>, vector<1x32xf32>
    %add3A_105 = vector.broadcast %get3A_104 : vector<1x32xf32> to vector<64x32xf32>
    %add3A_106 = arith.addf %dot_general3A_101, %add3A_105 : vector<64x32xf32>
    %max3A_107 = arith.constant 0.000000e+00 : f32
    %max3A_108 = vector.broadcast %max3A_107 : f32 to vector<64x32xf32>
    %max3A_109 = arith.maximumf %add3A_106, %max3A_108 : vector<64x32xf32>
    %get3A_110 = arith.constant 0 : index
    %get3A_111 = arith.constant 0 : index
    %get3A_112 = vector.load %arg14[%get3A_110, %get3A_111] : memref<32x2xf32, #tpu.memory_space<vmem>>, vector<32x2xf32>
    %dot_general3A_113 = arith.constant dense<0.000000e+00> : vector<64x2xf32>
    %dot_general3A_114 = tpu.matmul %max3A_109, %get3A_112, %dot_general3A_113 {dimension_numbers = #tpu.dot_dimension_numbers<[1], [0], [0], [1], [0, 0, 1, 1], [], []>, transpose_lhs_hint = false} : vector<64x32xf32>, vector<32x2xf32>, vector<64x2xf32> -> vector<64x2xf32>
    %get3A_115 = arith.constant 0 : index
    %get3A_116 = arith.constant 0 : index
    %get3A_117 = vector.load %arg15[%get3A_115, %get3A_116] : memref<1x2xf32, #tpu.memory_space<vmem>>, vector<1x2xf32>
    %add3A_118 = vector.broadcast %get3A_117 : vector<1x2xf32> to vector<64x2xf32>
    %add3A_119 = arith.addf %dot_general3A_114, %add3A_118 : vector<64x2xf32>
    %swap3A = arith.constant 0 : index
    %swap3A_120 = arith.constant 0 : index
    %swap3A_121 = vector.load %arg16[%swap3A, %swap3A_120] : memref<64x2xf32, #tpu.memory_space<vmem>>, vector<64x2xf32>
    tpu.vector_store %arg16[%swap3A, %swap3A_120], %add3A_119 {strides = array<i32>} : memref<64x2xf32, #tpu.memory_space<vmem>>, vector<64x2xf32>,
    return
  }
}

</mosaic_0001>

<sc_bundles>
// kernel: kernel.12.cloned.1.call-start
scs
__scs_entry_jumppad:
0x0: {  	(pc) =	sbr.rel $0x88, $3  }
0x1: {  	(tag) =	ssettag $0x0;
	lr =	simm.s32 $0x1  }
0x2: {  	[smem:$0x3F86] =	sst lr;
	_ =	strace $0xD0000000  }
0x3: {  	_ = 	snop  }
0x4: {  	_ = 	snop  }
0x5: {  	_ = 	snop  }
0x6: {  	_ = 	snop  }
0x7: {  	_ = 	snop  }
__scs_overlays_trampoline_lowered:
0x8: {  	[smem:$0x3F95] =	sst s0  }
0x9: {  	[smem:$0x3F96] =	sst s1  }
0xa: {  	[smem:$0x3F97] =	sst s2  }
0xb: {  	[smem:$0x3F98] =	sst s3  }
0xc: {  	[smem:$0x3F99] =	sst s4  }
0xd: {  	[smem:$0x3F9A] =	sst s5  }
0xe: {  	[smem:$0x3F9B] =	sst s6  }
0xf: {  	[smem:$0x3F9C] =	sst s7  }
0x10: {  	[smem:$0x3F9D] =	sst s8  }
0x11: {  	[smem:$0x3F9E] =	sst s9;
	s0 =	simm.s32 @!p0 $0x0  }
0x12: {  	s1 =	sld [smem:$0x3F84];
	s0 =	simm.s32 @p0 $0x1  }
0x13: {  	[smem:$0x3F9F] =	sst s0;
	s0 =	simm.s32 @!p1 $0x0  }
0x14: {  	s2 =	sld [smem:$0x3F83];
	s0 =	simm.s32 @p1 $0x1  }
0x15: {  	[smem:$0x3FA0] =	sst s0;
	s0 =	simm.s32 @!p2 $0x0  }
0x16: {  	s3 =	sld [smem:$0x3FDB];
	s0 =	simm.s32 @p2 $0x1  }
0x17: {  	s4 =	simm.s32 $0x1BF5;
	[smem:$0x3FA2] =	sst s0  }
0x18: {  	s0 =	sld [smem:$0x3F85];
	_ =	swait.ge [sflag:s4], $0x0  }
0x19: {  	s7 =	sld [smem:$0x3F86]  }
0x1a: {  	s8 =	sadd.s32 $0xFFFFE003, lr  }
0x1b: {  	s9 =	sadd.s32 $0xFFFFFEF7, lr;
	s5 =	simm.s32 $0xFFFFFFFF;
	p2 =	slt.u32 s8, $0xFFFFF086  }
0x1c: {  	p1 =	slt.u32 s9, $0xF7A;
	s5 =	simm.s32 @!p2 $0x0  }
0x1d: {  	s5 =	simm.s32 @p1 $0x1;
	p0 =	seq.s32 s7, s2  }
0x1e: {  	s7 =	smul.u32 @!p0 $0xF7A, s2;
	p2 =	seq.s32 @!p0 s5, $0x0  }
0x1f: {  	s9 =	smul.u32 $0xF7A, s1;
	s8 =	simm.s32 @!p0 $0x1BF5;
	p2 =	por !p2, p0  }
0x20: {  	[sflag:s8] =	ssyncset.s32 @!p0 $0xFFFFF086;
	s6 =	sadd.s32 @!p0 s3, s7;
	s7 =	simm.s32 @!p0 $0x108  }
0x21: {  	s3 =	sadd.s32 s3, s9;
	s6 =	sadd.s32 @!p0 $0x88, s6;
	s7 =	simm.s32 @p2 $0x1082  }
0x22: {  	[simem:s7], [sflag:s8] =	dma.local @!p0 [hbm:s6], $0xF7A  }
0x23: {  	s9 =	sor.u32 $0xD0000000, s2;
	s6 =	simm.s32 $0x108;
	_ =	swait.ge @!p0 [sflag:s8], $0x0  }
0x24: {  	s3 =	sadd.s32 $0x88, s3;
	s6 =	simm.s32 @!p1 $0x1082;
	[sflag:s4] =	ssyncset.s32 $0xFFFFF086  }
0x25: {  	[simem:s6], [sflag:s4] =	dma.local [hbm:s3], $0xF7A  }
0x26: {  	[smem:$0x3F86] =	sst s1;
	(tag) =	ssettag s2;
	_ =	strace s9  }
0x27: {  	s1 =	sld [smem:$0x3F96]  }
0x28: {  	s2 =	sld [smem:$0x3F97]  }
0x29: {  	s4 =	sld [smem:$0x3F99]  }
0x2a: {  	p0 =	seq.s32 s5, $0x0;
	s5 =	sld [smem:$0x3F9A]  }
0x2b: {  	s6 =	sld [smem:$0x3F9B]  }
0x2c: {  	s7 =	sld [smem:$0x3F9C]  }
0x2d: {  	s3 =	simm.s32 $0x108;
	s8 =	sld [smem:$0x3F9D]  }
0x2e: {  	s3 =	simm.s32 @!p0 $0x1082;
	s9 =	sld [smem:$0x3F9E]  }
0x2f: {  	lr =	sadd.s32 s0, s3;
	s0 =	sld [smem:$0x3F95]  }
0x30: {  	s3 =	sld [smem:$0x3F98]  }
0x31: {  	[smem:$0x3FA1] =	sst s10  }
0x32: {  	s10 =	sld [smem:$0x3F9F];
	_ =	sdelay $0x3  }
0x33: {  	p0 =	seq.s32 s10, $0x1;
	s10 =	sld [smem:$0x3FA1];
	_ =	sdelay $0x3  }
0x34: {  	[smem:$0x3FA1] =	sst s10  }
0x35: {  	s10 =	sld [smem:$0x3FA0];
	_ =	sdelay $0x3  }
0x36: {  	p1 =	seq.s32 s10, $0x1;
	s10 =	sld [smem:$0x3FA1];
	_ =	sdelay $0x3  }
0x37: {  	[smem:$0x3FA1] =	sst s10  }
0x38: {  	s10 =	sld [smem:$0x3FA2]  }
0x39: {  	_ = 	snop;
	(pc) =	sbr.ind lr, $3  }
0x3a: {  	_ = 	snop  }
0x3b: {  	_ = 	snop  }
0x3c: {  	p2 =	seq.s32 s10, $0x1;
	s10 =	sld [smem:$0x3FA1]  }
0x3d: {  	_ =	shalt  }
0x3e: {  	_ =	shalt  }
0x3f: {  	_ =	shalt  }
0x40: {  	_ =	shalt  }
0x41: {  	_ =	shalt  }
0x42: {  	_ =	shalt  }
0x43: {  	_ =	shalt  }
0x44: {  	_ =	shalt  }
0x45: {  	_ =	shalt  }
0x46: {  	_ =	shalt  }
0x47: {  	_ =	shalt  }
0x48: {  	_ =	shalt  }
0x49: {  	_ =	shalt  }
0x4a: {  	_ =	shalt  }
0x4b: {  	_ =	shalt  }
0x4c: {  	_ =	shalt  }
0x4d: {  	_ =	shalt  }
0x4e: {  	_ =	shalt  }
0x4f: {  	_ =	shalt  }
0x50: {  	_ =	shalt  }
0x51: {  	_ =	shalt  }
0x52: {  	_ =	shalt  }
0x53: {  	_ =	shalt  }
0x54: {  	_ =	shalt  }
0x55: {  	_ =	shalt  }
0x56: {  	_ =	shalt  }
0x57: {  	_ =	shalt  }
0x58: {  	_ =	shalt  }
0x59: {  	_ =	shalt  }
0x5a: {  	_ =	shalt  }
0x5b: {  	_ =	shalt  }
0x5c: {  	_ =	shalt  }
0x5d: {  	_ =	shalt  }
0x5e: {  	_ =	shalt  }
0x5f: {  	_ =	shalt  }
0x60: {  	_ =	shalt  }
0x61: {  	_ =	shalt  }
0x62: {  	_ =	shalt  }
0x63: {  	_ =	shalt  }
0x64: {  	_ =	shalt  }
0x65: {  	_ =	shalt  }
0x66: {  	_ =	shalt  }
0x67: {  	_ =	shalt  }
0x68: {  	_ =	shalt  }
0x69: {  	_ =	shalt  }
0x6a: {  	_ =	shalt  }
0x6b: {  	_ =	shalt  }
0x6c: {  	_ =	shalt  }
0x6d: {  	_ =	shalt  }
0x6e: {  	_ =	shalt  }
0x6f: {  	_ =	shalt  }
0x70: {  	_ =	shalt  }
0x71: {  	_ =	shalt  }
0x72: {  	_ =	shalt  }
0x73: {  	_ =	shalt  }
0x74: {  	_ =	shalt  }
0x75: {  	_ =	shalt  }
0x76: {  	_ =	shalt  }
0x77: {  	_ =	shalt  }
0x78: {  	_ =	shalt  }
0x79: {  	_ =	shalt  }
0x7a: {  	_ =	shalt  }
0x7b: {  	_ =	shalt  }
0x7c: {  	_ =	shalt  }
0x7d: {  	_ =	shalt  }
0x7e: {  	_ =	shalt  }
0x7f: {  	_ =	shalt  }
0x80: {  	_ =	shalt  }
0x81: {  	_ =	shalt  }
0x82: {  	_ =	shalt  }
0x83: {  	_ =	shalt  }
0x84: {  	_ =	shalt  }
0x85: {  	_ =	shalt  }
0x86: {  	_ =	shalt  }
0x87: {  	_ =	shalt  }
.Lfunc_end0:
.L_simem_size_0:
called_computation.1_lowered:
.L_overlay_start_0:
0x88: {  	s2 =	sld [smem:$0x3FD9]  }
0x89: {  	s3 =	sld [smem:$0x3FFE];
	_ =	sdelay $0x1  }
0x8a: {  	s1 =	srdreg.scid  }
0x8b: {  	s0 =	sand.u32 $0x1, s1  }
0x8c: {  	s16 =	sshll.u32 s0, $0xA;
	s2 =	sadd.s32 s3, s2  }
0x8d: {  	s2 =	sadd.s32 s2, s16  }
0x8e: {  	[smem:$0x3FAD] =	sst s2  }
0x8f: {  	_ = 	snop  }
0x90: {  	(tm) =	ssettm $0x1  }
0x91: {  	s17 =	sld [smem:$0x3FFB];
	_ =	sdelay $0x3  }
0x92: {  	_ =	strace s17  }
0x93: {  	s2 =	sld [smem:$0x3FFC];
	_ =	sdelay $0x3  }
0x94: {  	_ =	strace s2  }
0x95: {  	s2 =	sld [smem:$0x3FFD];
	_ =	sdelay $0x3  }
0x96: {  	_ =	strace s2  }
0x97: {  	_ =	strace $0x8FFFFFFF  }
0x98: {  	s18 =	sld [smem:$0x3FDB];
	_ =	sdelay $0x1  }
0x99: {  	s19 =	simm.s32 $_scs_section_size  }
0x9a: {  	s4 =	simm.s32 $_size__tile_overlayer_lowered;
	s5 =	simm.s32 $_tile_overlayer_lowered  }
0x9b: {  	s22 =	simm.s32 $0x1BFF;
	s21 =	sshll.u32 s5, $0x1;
	s2 =	sadd.s32 s19, s18  }
0x9c: {  	s6 =	simm.s32 $0x0;
	s20 =	sshll.u32 s4, $0x1;
	s4 =	sadd.s32 s21, s2  }
0x9d: {  	[timem:s6], [sflag:s22] =	dma.local [hbm:s4], s20  }
0x9e: {  	_ =	swait.ge [sflag:s22], s20  }
0x9f: {  	s3 =	ssub.s32 $0x0, s20;
	[sflag:s22] =	ssyncset.done $0x0  }
0xa0: {  	[sflag:s22] =	ssyncadd.s32 s3;
	_ =	sdelay $0x1  }
0xa1: {  	s23 =	simm.s32 $0x1B8B  }
0xa2: {  	_ =	swait.ge [sflag:s23], $0x1  }
0xa3: {  	[sflag:s23] =	ssyncset.done $0x0  }
0xa4: {  	s25 =	simm.s32 $0x1B8E;
	s24 =	sld [smem:$0x3FFE];
	[sflag:s23] =	ssyncadd.s32 $0xFFFFFFFF  }
0xa5: {  	s26 =	simm.s32 $execute0_lowered;
	[smem:$0x3FD2] =	sst s25  }
0xa6: {  	s4 =	sshll.u32 s26, $0x1;
	_ =	strace $0x80000049;
	[dreg:$0x1] =	wrdreg $0xFFFFFFFF  }
0xa7: {  	s28 =	simm.s32 $_size_execute0_lowered;
	s2 =	sadd.s32 s2, s4;
	[dreg:$0x0] =	wrdreg $0x0  }
0xa8: {  	s4 =	sshll.u32 s28, $0x1;
	[dreg:$0x2] =	wrdreg s2  }
0xa9: {  	[dreg:$0x3] =	wrdreg s4  }
0xaa: {  	[dreg:$0x4] =	wrdreg $0xC0  }
0xab: {  	_ =	task [dreg:s6], $0x5FFFF  }
0xac: {  	[dreg:$0x1] =	wrdreg $0xFFFFFFFF  }
0xad: {  	[dreg:$0x0] =	wrdreg $0x60  }
0xae: {  	[dreg:$0x2] =	wrdreg s24  }
0xaf: {  	[dreg:$0x3] =	wrdreg $0xB2200  }
0xb0: {  	[dreg:$0x4] =	wrdreg $0x9  }
0xb1: {  	_ =	task.clear_ibuf [dreg:s6], $0x5FFFF;
	_ =	strace $0x90000049  }
0xb2: {  	s29 =	simm.s32 $0x9;
	_ =	strace $0x8000004B  }
0xb3: {  	_ =	swait.ge [sflag:s29], $0x1  }
0xb4: {  	[sflag:s29] =	ssyncadd.s32 $0xFFFFFFFF  }
0xb5: {  	_ =	strace $0x9000004B  }
0xb6: {  	_ =	sfence  }
0xb7: {  	s30 =	sld [smem:$0x0];
	_ =	sdelay $0x2  }
0xb8: {  	s31 =	sshll.u32 s1, $0xD;
	s1 =	sshrl.u32 s1, $0x2  }
0xb9: {  	s3 =	sand.u32 $0x4000, s31;
	s1 =	sadd.s32 s1, s30  }
0xba: {  	s0 =	sor.u32 s3, s0;
	s1 =	sshll.u32 s1, $0x11  }
0xbb: {  	s0 =	sor.u32 s1, s0  }
0xbc: {  	s0 =	sadd.s32 $0x8F2B, s0  }
0xbd: {  	[sflag:s0] =	ssyncadd.remote.s32 $0x1  }
0xbe: {  	_ =	sfence.sel $0xFFFF  }
0xbf: {  	[dreg:$0x0] =	wrdreg $0xFFFFFFFF;
	(pc) =	sbr.abs _section_cstart, $3  }
0xc0: {  	[dreg:$0x1] =	wrdreg $0xFFFFFFFF  }
0xc1: {  	_ =	task.clear_ibuf [dreg:s6], $0x2FFFF;
	_ =	strace $0x9FFFFFFF  }
0xc2: {  	(tm) =	ssettm $0x7FFFFFFF  }
0xc3: {  	_ =	shalt  }
tec
execute0_lowered:
.L_overlay_start_1:
0x0: {  	(tag) =	ssettag $0x1  }
0x1: {  	s0 =	rddreg [dreg:$0x0]  }
0x2: {  	s1 =	rddreg [dreg:$0x1]  }
0x3: {  	s3 =	srdreg.scid;
	s9 =	stileid.u32;
	s2 =	simm.s32 $0x0  }
0x4: {  	s11 =	simm.s32 $0x4E20;
	s12 =	simm.s32 $0x6220;
	s14 =	simm.s32 $0x7620  }
0x5: {  	s16 =	simm.s32 $0x8A20;
	s18 =	simm.s32 $0x9E20;
	s19 =	simm.s32 $0x2710  }
0x6: {  	s21 =	simm.s32 $0x1;
	s22 =	simm.s32 $0x2;
	s23 =	simm.s32 $0x3  }
0x7: {  	s24 =	simm.s32 $0x4;
	s28 =	simm.s32 $0x4CE0;
	s29 =	simm.s32 $0x4D30  }
0x8: {  	s30 =	simm.s32 $0x4D80;
	s31 =	simm.s32 $0x4DD0;
	s4 =	sand.u32 $0x1, s3  }
0x9: {  	s25 =	sshll.u32 s9, $0x1;
	[smem:$0x7FF] =	sst s2;
	p0 =	sne.s32 s9, $0x0  }
0xa: {  	s9 =	simm.s32 $0x6;
	s3 =	sor.u32 s4, s25;
	_ =	strace $0x8000004A  }
0xb: {  	s6 =	smul.u32 $0x13880, s4;
	s7 =	ssub.s32 $0x2, s4;
	s4 =	sadd.s32 $0x2AC00, s0  }
0xc: {  	s20 =	sshrl.u32 @!p0 s1, $0x3;
	s5 =	smul.u32 $0x4E2, s3;
	s26 =	sshrl.u32 s7, $0x1  }
0xd: {  	s25 =	simm.s32 $0x5;
	s3 =	sadd.s32 $0x17200, s0;
	s10 =	ssub.s32 s7, s26  }
0xe: {  	s26 =	simm.s32 $0x4C90;
	s8 =	sadd.s32 s5, s0;
	s0 =	sadd.s32 s6, s0  }
0xf: {  	s5 =	sadd.s32 $0xD400, s8;
	s6 =	sadd.s32 $0x3600, s8;
	s7 =	sadd.s32 $0x3E600, s0  }
0x10: {  	s8 =	smax.u32 s10, $0x1;
	s10 =	simm.s32 $0x50;
	s0 =	simm.s32 $0x0  }
.LBB2_1:
0x11: {  	[tilespmem:s2], [sflag:$0x6] =	stream.linear.gather [hbm4b:s5+s2], $0x2710, $0x38;
	[tilespmem:$0x14E60] =	vst v63  }
0x12: {  	_ =	swait.ge [sflag:s9], $0x2710  }
0x13: {  	[sflag:s9] =	ssyncset.done $0x0  }
0x14: {  	[sflag:s9] =	ssyncadd.s32 $0xFFFFD8F0  }
0x15: {  	[tilespmem:s11], [sflag:$0x1] =	stream.indirect.gather [hbm4b:s3+s10], $0x40, s2, s10, $0xb8;
	[tilespmem:$0x14E60] =	vst v63  }
0x16: {  	_ = 	snop  }
0x17: {  	[tilespmem:s12], [sflag:$0x2] =	stream.indirect.gather [hbm4b:s3+s10], $0x40, s10, s10, $0xb8;
	[tilespmem:$0x14E60] =	vst v63  }
0x18: {  	s13 =	simm.s32 $0xA0  }
0x19: {  	[tilespmem:s14], [sflag:$0x3] =	stream.indirect.gather [hbm4b:s3+s10], $0x40, s13, s10, $0xb8;
	[tilespmem:$0x14E60] =	vst v63  }
0x1a: {  	s17 =	simm.s32 $0xF0  }
0x1b: {  	[tilespmem:s16], [sflag:$0x4] =	stream.indirect.gather [hbm4b:s3+s10], $0x40, s17, s10, $0xb8;
	[tilespmem:$0x14E60] =	vst v63  }
0x1c: {  	s15 =	simm.s32 $0x140  }
0x1d: {  	[tilespmem:s18], [sflag:$0x5] =	stream.indirect.gather [hbm4b:s3+s10], $0x40, s15, s10, $0xb8;
	[tilespmem:$0x14E60] =	vst v63  }
0x1e: {  	_ = 	snop  }
0x1f: {  	[tilespmem:s19], [sflag:$0x6] =	stream.linear.gather [hbm4b:s6+s2], $0x2710, $0x38;
	[tilespmem:$0x14E60] =	vst v63  }
0x20: {  	_ =	swait.ge [sflag:s9], $0x2710  }
0x21: {  	[sflag:s9] =	ssyncset.done $0x0  }
0x22: {  	s13 =	simm.s32 @!p0 $0x1C06;
	[sflag:s9] =	ssyncadd.s32 $0xFFFFD8F0  }
0x23: {  	[spmem:s20], [sflag:s13] =	dma.local @!p0 [hbm:s4], $0x13880  }
0x24: {  	s13 =	simm.s32 @!p0 $0x6  }
0x25: {  	_ =	swait.ge @!p0 [sflag:s13], $0x13880  }
0x26: {  	[sflag:s13] =	ssyncset.done @!p0 $0x0  }
0x27: {  	[sflag:s13] =	ssyncadd.s32 @!p0 $0xFFFEC780  }
0x28: {  	[bflag:$0x0] =	sbarrier.arrive $0xFFFF  }
0x29: {  	_ =	swait.ge [sflag:s21], $0x1400  }
0x2a: {  	[sflag:s21] =	ssyncset.done $0x0  }
0x2b: {  	s17 =	simm.s32 $0x2710;
	[sflag:s21] =	ssyncadd.s32 $0xFFFFEC00  }
0x2c: {  	[spmem:s1] =	stream.indirect.scatter.add.f32 [tilespmem:s11], [sflag:$0x6], $0x40, s17, s10, $0xb8;
	[tilespmem:$0x14E60] =	vst v63  }
0x2d: {  	_ =	swait.ge [sflag:s9], $0x1400  }
0x2e: {  	[sflag:s9] =	ssyncset.done $0x0  }
0x2f: {  	s15 =	simm.s32 $0x190;
	[sflag:s9] =	ssyncadd.s32 $0xFFFFEC00  }
0x30: {  	[tilespmem:s11], [sflag:$0x1] =	stream.indirect.gather [hbm4b:s3+s10], $0x40, s15, s10, $0xb8;
	[tilespmem:$0x14E60] =	vst v63  }
0x31: {  	_ =	swait.ge [sflag:s22], $0x1400  }
0x32: {  	[sflag:s22] =	ssyncset.done $0x0  }
0x33: {  	s17 =	simm.s32 $0x2760;
	[sflag:s22] =	ssyncadd.s32 $0xFFFFEC00  }
0x34: {  	[spmem:s1] =	stream.indirect.scatter.add.f32 [tilespmem:s12], [sflag:$0x6], $0x40, s17, s10, $0xb8;
	[tilespmem:$0x14E60] =	vst v63  }
0x35: {  	_ =	swait.ge [sflag:s9], $0x1400  }
0x36: {  	[sflag:s9] =	ssyncset.done $0x0  }
0x37: {  	s15 =	simm.s32 $0x1E0;
	[sflag:s9] =	ssyncadd.s32 $0xFFFFEC00  }
0x38: {  	[tilespmem:s12], [sflag:$0x2] =	stream.indirect.gather [hbm4b:s3+s10], $0x40, s15, s10, $0xb8;
	[tilespmem:$0x14E60] =	vst v63  }
0x39: {  	_ =	swait.ge [sflag:s23], $0x1400  }
0x3a: {  	[sflag:s23] =	ssyncset.done $0x0  }
0x3b: {  	s17 =	simm.s32 $0x27B0;
	[sflag:s23] =	ssyncadd.s32 $0xFFFFEC00  }
0x3c: {  	[spmem:s1] =	stream.indirect.scatter.add.f32 [tilespmem:s14], [sflag:$0x6], $0x40, s17, s10, $0xb8;
	[tilespmem:$0x14E60] =	vst v63  }
0x3d: {  	_ =	swait.ge [sflag:s9], $0x1400  }
0x3e: {  	[sflag:s9] =	ssyncset.done $0x0  }
0x3f: {  	s15 =	simm.s32 $0x230;
	[sflag:s9] =	ssyncadd.s32 $0xFFFFEC00  }
0x40: {  	[tilespmem:s14], [sflag:$0x3] =	stream.indirect.gather [hbm4b:s3+s10], $0x40, s15, s10, $0xb8;
	[tilespmem:$0x14E60] =	vst v63  }
0x41: {  	_ =	swait.ge [sflag:s24], $0x1400  }
0x42: {  	[sflag:s24] =	ssyncset.done $0x0  }
0x43: {  	s17 =	simm.s32 $0x2800;
	[sflag:s24] =	ssyncadd.s32 $0xFFFFEC00  }
0x44: {  	[spmem:s1] =	stream.indirect.scatter.add.f32 [tilespmem:s16], [sflag:$0x6], $0x40, s17, s10, $0xb8;
	[tilespmem:$0x14E60] =	vst v63  }
0x45: {  	_ =	swait.ge [sflag:s9], $0x1400  }
0x46: {  	[sflag:s9] =	ssyncset.done $0x0  }
0x47: {  	s15 =	simm.s32 $0x280;
	[sflag:s9] =	ssyncadd.s32 $0xFFFFEC00  }
0x48: {  	[tilespmem:s16], [sflag:$0x4] =	stream.indirect.gather [hbm4b:s3+s10], $0x40, s15, s10, $0xb8;
	[tilespmem:$0x14E60] =	vst v63  }
0x49: {  	_ =	swait.ge [sflag:s25], $0x1400  }
0x4a: {  	[sflag:s25] =	ssyncset.done $0x0  }
0x4b: {  	s17 =	simm.s32 $0x2850;
	[sflag:s25] =	ssyncadd.s32 $0xFFFFEC00  }
0x4c: {  	[spmem:s1] =	stream.indirect.scatter.add.f32 [tilespmem:s18], [sflag:$0x6], $0x40, s17, s10, $0xb8;
	[tilespmem:$0x14E60] =	vst v63  }
0x4d: {  	_ =	swait.ge [sflag:s9], $0x1400  }
0x4e: {  	[sflag:s9] =	ssyncset.done $0x0  }
0x4f: {  	s13 =	simm.s32 $0x640;
	s15 =	simm.s32 $0x2D0;
	[sflag:s9] =	ssyncadd.s32 $0xFFFFEC00  }
.LBB2_2:
0x50: {  	[tilespmem:s18], [sflag:$0x5] =	stream.indirect.gather [hbm4b:s3+s10], $0x40, s15, s10, $0xb8;
	[tilespmem:$0x14E60] =	vst v63  }
0x51: {  	s15 =	smov.u32 s13  }
0x52: {  	p1 =	sne.s32 s13, $0x8FC0;
	s13 =	sadd.s32 $0x640, s13;
	_ =	swait.ge [sflag:s21], $0x1400  }
0x53: {  	s15 =	sshra.s32 s15, $0x2;
	[sflag:s21] =	ssyncset.done $0x0  }
0x54: {  	s17 =	sadd.s32 $0x2710, s15;
	[sflag:s21] =	ssyncadd.s32 $0xFFFFEC00  }
0x55: {  	[spmem:s1] =	stream.indirect.scatter.add.f32 [tilespmem:s11], [sflag:$0x6], $0x40, s17, s10, $0xb8;
	[tilespmem:$0x14E60] =	vst v63  }
0x56: {  	_ =	swait.ge [sflag:s9], $0x1400  }
0x57: {  	[sflag:s9] =	ssyncset.done $0x0  }
0x58: {  	s17 =	sadd.s32 $0x190, s15;
	[sflag:s9] =	ssyncadd.s32 $0xFFFFEC00  }
0x59: {  	[tilespmem:s11], [sflag:$0x1] =	stream.indirect.gather [hbm4b:s3+s10], $0x40, s17, s10, $0xb8;
	[tilespmem:$0x14E60] =	vst v63  }
0x5a: {  	_ =	swait.ge [sflag:s22], $0x1400  }
0x5b: {  	[sflag:s22] =	ssyncset.done $0x0  }
0x5c: {  	s17 =	sadd.s32 $0x2760, s15;
	[sflag:s22] =	ssyncadd.s32 $0xFFFFEC00  }
0x5d: {  	[spmem:s1] =	stream.indirect.scatter.add.f32 [tilespmem:s12], [sflag:$0x6], $0x40, s17, s10, $0xb8;
	[tilespmem:$0x14E60] =	vst v63  }
0x5e: {  	_ =	swait.ge [sflag:s9], $0x1400  }
0x5f: {  	[sflag:s9] =	ssyncset.done $0x0  }
0x60: {  	s17 =	sadd.s32 $0x1E0, s15;
	[sflag:s9] =	ssyncadd.s32 $0xFFFFEC00  }
0x61: {  	[tilespmem:s12], [sflag:$0x2] =	stream.indirect.gather [hbm4b:s3+s10], $0x40, s17, s10, $0xb8;
	[tilespmem:$0x14E60] =	vst v63  }
0x62: {  	_ =	swait.ge [sflag:s23], $0x1400  }
0x63: {  	[sflag:s23] =	ssyncset.done $0x0  }
0x64: {  	s17 =	sadd.s32 $0x27B0, s15;
	[sflag:s23] =	ssyncadd.s32 $0xFFFFEC00  }
0x65: {  	[spmem:s1] =	stream.indirect.scatter.add.f32 [tilespmem:s14], [sflag:$0x6], $0x40, s17, s10, $0xb8;
	[tilespmem:$0x14E60] =	vst v63  }
0x66: {  	_ =	swait.ge [sflag:s9], $0x1400  }
0x67: {  	[sflag:s9] =	ssyncset.done $0x0  }
0x68: {  	s17 =	sadd.s32 $0x230, s15;
	[sflag:s9] =	ssyncadd.s32 $0xFFFFEC00  }
0x69: {  	[tilespmem:s14], [sflag:$0x3] =	stream.indirect.gather [hbm4b:s3+s10], $0x40, s17, s10, $0xb8;
	[tilespmem:$0x14E60] =	vst v63  }
0x6a: {  	_ =	swait.ge [sflag:s24], $0x1400  }
0x6b: {  	[sflag:s24] =	ssyncset.done $0x0  }
0x6c: {  	s17 =	sadd.s32 $0x2800, s15;
	[sflag:s24] =	ssyncadd.s32 $0xFFFFEC00  }
0x6d: {  	[spmem:s1] =	stream.indirect.scatter.add.f32 [tilespmem:s16], [sflag:$0x6], $0x40, s17, s10, $0xb8;
	[tilespmem:$0x14E60] =	vst v63  }
0x6e: {  	_ =	swait.ge [sflag:s9], $0x1400  }
0x6f: {  	[sflag:s9] =	ssyncset.done $0x0  }
0x70: {  	s17 =	sadd.s32 $0x280, s15;
	[sflag:s9] =	ssyncadd.s32 $0xFFFFEC00  }
0x71: {  	[tilespmem:s16], [sflag:$0x4] =	stream.indirect.gather [hbm4b:s3+s10], $0x40, s17, s10, $0xb8;
	[tilespmem:$0x14E60] =	vst v63  }
0x72: {  	_ =	swait.ge [sflag:s25], $0x1400  }
0x73: {  	[sflag:s25] =	ssyncset.done $0x0  }
.Ltmp0:
0x74: {  	s17 =	sadd.s32 $0x2850, s15;
	[sflag:s25] =	ssyncadd.s32 $0xFFFFEC00;
	(pc) =	sbr.rel @p1 .LBB2_2-.Ltmp0, $4  }
0x75: {  	[spmem:s1] =	stream.indirect.scatter.add.f32 [tilespmem:s18], [sflag:$0x6], $0x40, s17, s10, $0xb8;
	[tilespmem:$0x14E60] =	vst v63  }
0x76: {  	_ =	swait.ge [sflag:s9], $0x1400  }
0x77: {  	[sflag:s9] =	ssyncset.done $0x0  }
0x78: {  	s15 =	sadd.s32 $0x2D0, s15;
	[sflag:s9] =	ssyncadd.s32 $0xFFFFEC00  }
0x79: {  	[tilespmem:s18], [sflag:$0x5] =	stream.indirect.gather [hbm4b:s3+s10], $0x40, s15, s10, $0xb8;
	[tilespmem:$0x14E60] =	vst v63  }
0x7a: {  	_ =	swait.ge [sflag:s21], $0x1400  }
0x7b: {  	[sflag:s21] =	ssyncset.done $0x0  }
0x7c: {  	[sflag:s21] =	ssyncadd.s32 $0xFFFFEC00  }
0x7d: {  	[spmem:s1] =	stream.indirect.scatter.add.f32 [tilespmem:s11], [sflag:$0x6], $0x40, s26, s10, $0xb8;
	[tilespmem:$0x14E60] =	vst v63  }
0x7e: {  	_ =	swait.ge [sflag:s9], $0x1400  }
0x7f: {  	[sflag:s9] =	ssyncset.done $0x0  }
0x80: {  	[sflag:s9] =	ssyncadd.s32 $0xFFFFEC00  }
0x81: {  	_ =	swait.ge [sflag:s22], $0x1400  }
0x82: {  	[sflag:s22] =	ssyncset.done $0x0  }
0x83: {  	[sflag:s22] =	ssyncadd.s32 $0xFFFFEC00  }
0x84: {  	[spmem:s1] =	stream.indirect.scatter.add.f32 [tilespmem:s12], [sflag:$0x6], $0x40, s28, s10, $0xb8;
	[tilespmem:$0x14E60] =	vst v63  }
0x85: {  	_ =	swait.ge [sflag:s9], $0x1400  }
0x86: {  	[sflag:s9] =	ssyncset.done $0x0  }
0x87: {  	[sflag:s9] =	ssyncadd.s32 $0xFFFFEC00  }
0x88: {  	_ =	swait.ge [sflag:s23], $0x1400  }
0x89: {  	[sflag:s23] =	ssyncset.done $0x0  }
0x8a: {  	[sflag:s23] =	ssyncadd.s32 $0xFFFFEC00  }
0x8b: {  	[spmem:s1] =	stream.indirect.scatter.add.f32 [tilespmem:s14], [sflag:$0x6], $0x40, s29, s10, $0xb8;
	[tilespmem:$0x14E60] =	vst v63  }
0x8c: {  	_ =	swait.ge [sflag:s9], $0x1400  }
0x8d: {  	[sflag:s9] =	ssyncset.done $0x0  }
0x8e: {  	[sflag:s9] =	ssyncadd.s32 $0xFFFFEC00  }
0x8f: {  	_ =	swait.ge [sflag:s24], $0x1400  }
0x90: {  	[sflag:s24] =	ssyncset.done $0x0  }
0x91: {  	[sflag:s24] =	ssyncadd.s32 $0xFFFFEC00  }
0x92: {  	[spmem:s1] =	stream.indirect.scatter.add.f32 [tilespmem:s16], [sflag:$0x6], $0x40, s30, s10, $0xb8;
	[tilespmem:$0x14E60] =	vst v63  }
0x93: {  	_ =	swait.ge [sflag:s9], $0x1400  }
0x94: {  	[sflag:s9] =	ssyncset.done $0x0  }
0x95: {  	[sflag:s9] =	ssyncadd.s32 $0xFFFFEC00  }
0x96: {  	_ =	swait.ge [sflag:s25], $0x1400  }
0x97: {  	[sflag:s25] =	ssyncset.done $0x0  }
0x98: {  	[sflag:s25] =	ssyncadd.s32 $0xFFFFEC00  }
0x99: {  	[spmem:s1] =	stream.indirect.scatter.add.f32 [tilespmem:s18], [sflag:$0x6], $0x40, s31, s10, $0xb8;
	[tilespmem:$0x14E60] =	vst v63  }
0x9a: {  	_ =	swait.ge [sflag:s9], $0x1400  }
0x9b: {  	[sflag:s9] =	ssyncset.done $0x0  }
0x9c: {  	s0 =	sadd.s32 $0x1, s0;
	[sflag:s9] =	ssyncadd.s32 $0xFFFFEC00  }
0x9d: {  	s13 =	simm.s32 @!p0 $0x1C06;
	p1 =	sne.s32 s0, s8;
	[bflag:$0x0] =	sbarrier.arrive $0xFFFF  }
0x9e: {  	[hbm:s7], [sflag:s13] =	dma.local @!p0 [spmem:s20], $0x13880  }
.Ltmp1:
0x9f: {  	_ = 	snop;
	(pc) =	sbr.rel @p1 .LBB2_1-.Ltmp1, $4  }
0xa0: {  	s13 =	simm.s32 @!p0 $0x6  }
0xa1: {  	_ =	swait.ge @!p0 [sflag:s13], $0x13880  }
0xa2: {  	[sflag:s13] =	ssyncset.done @!p0 $0x0  }
0xa3: {  	[sflag:s13] =	ssyncadd.s32 @!p0 $0xFFFEC780  }
0xa4: {  	_ =	sfence.sel $0x180000  }
0xa5: {  	[bflag:$0x0] =	sbarrier.arrive $0xFFFF  }
0xa6: {  	_ =	strace $0x9000004A  }
0xa7: {  	[bflag:$0x2] =	sbarrier.arrive $0xFFFF  }
0xa8: {  	s0 =	rddreg [dreg:$0x2]  }
0xa9: {  	s0 =	sadd.s32 @!p0 $0x100000, s0  }
0xaa: {  	[sflag:s0] =	ssyncadd.tile.s32 @!p0 $0x1;
	_ =	shalt  }
.Lfunc_end2:
_tile_overlayer_lowered:
.L_overlay_start_2:
0xab: {  	(tag) =	ssettag $0x2  }
0xac: {  	s0 =	rddreg [dreg:$0x0];
	s2 =	stileid.u32  }
0xad: {  	s1 =	rddreg [dreg:$0x1];
	p0 =	sne.s32 s2, $0x0  }
0xae: {  	s3 =	rddreg [dreg:$0x2];
	[bflag:$0x3] =	sbarrier.arrive $0xFFFF;
	s2 =	simm.s32 @!p0 $0x1C06  }
0xaf: {  	[timem:s3], [sflag:s2] =	dma.local @!p0 [hbm:s0], s1  }
0xb0: {  	s0 =	simm.s32 @!p0 $0x6  }
0xb1: {  	_ =	swait.ge @!p0 [sflag:s0], s1  }
0xb2: {  	s1 =	ssub.s32 @!p0 $0x0, s1;
	[sflag:s0] =	ssyncset.done @!p0 $0x0  }
0xb3: {  	[sflag:s0] =	ssyncadd.s32 @!p0 s1  }
0xb4: {  	[bflag:$0x3] =	sbarrier.arrive $0xFFFF  }
0xb5: {  	_ =	shalt  }

// kernel: kernel.15.cloned.1.call-start
scs
__scs_entry_jumppad:
0x0: {  	(pc) =	sbr.rel $0x88, $3  }
0x1: {  	(tag) =	ssettag $0x0;
	lr =	simm.s32 $0x1  }
0x2: {  	[smem:$0x3F86] =	sst lr;
	_ =	strace $0xD0000000  }
0x3: {  	_ = 	snop  }
0x4: {  	_ = 	snop  }
0x5: {  	_ = 	snop  }
0x6: {  	_ = 	snop  }
0x7: {  	_ = 	snop  }
__scs_overlays_trampoline_lowered:
0x8: {  	[smem:$0x3F95] =	sst s0  }
0x9: {  	[smem:$0x3F96] =	sst s1  }
0xa: {  	[smem:$0x3F97] =	sst s2  }
0xb: {  	[smem:$0x3F98] =	sst s3  }
0xc: {  	[smem:$0x3F99] =	sst s4  }
0xd: {  	[smem:$0x3F9A] =	sst s5  }
0xe: {  	[smem:$0x3F9B] =	sst s6  }
0xf: {  	[smem:$0x3F9C] =	sst s7  }
0x10: {  	[smem:$0x3F9D] =	sst s8  }
0x11: {  	[smem:$0x3F9E] =	sst s9;
	s0 =	simm.s32 @!p0 $0x0  }
0x12: {  	s1 =	sld [smem:$0x3F84];
	s0 =	simm.s32 @p0 $0x1  }
0x13: {  	[smem:$0x3F9F] =	sst s0;
	s0 =	simm.s32 @!p1 $0x0  }
0x14: {  	s2 =	sld [smem:$0x3F83];
	s0 =	simm.s32 @p1 $0x1  }
0x15: {  	[smem:$0x3FA0] =	sst s0;
	s0 =	simm.s32 @!p2 $0x0  }
0x16: {  	s3 =	sld [smem:$0x3FDB];
	s0 =	simm.s32 @p2 $0x1  }
0x17: {  	s4 =	simm.s32 $0x1BF5;
	[smem:$0x3FA2] =	sst s0  }
0x18: {  	s0 =	sld [smem:$0x3F85];
	_ =	swait.ge [sflag:s4], $0x0  }
0x19: {  	s7 =	sld [smem:$0x3F86]  }
0x1a: {  	s8 =	sadd.s32 $0xFFFFE003, lr  }
0x1b: {  	s9 =	sadd.s32 $0xFFFFFEF7, lr;
	s5 =	simm.s32 $0xFFFFFFFF;
	p2 =	slt.u32 s8, $0xFFFFF086  }
0x1c: {  	p1 =	slt.u32 s9, $0xF7A;
	s5 =	simm.s32 @!p2 $0x0  }
0x1d: {  	s5 =	simm.s32 @p1 $0x1;
	p0 =	seq.s32 s7, s2  }
0x1e: {  	s7 =	smul.u32 @!p0 $0xF7A, s2;
	p2 =	seq.s32 @!p0 s5, $0x0  }
0x1f: {  	s9 =	smul.u32 $0xF7A, s1;
	s8 =	simm.s32 @!p0 $0x1BF5;
	p2 =	por !p2, p0  }
0x20: {  	[sflag:s8] =	ssyncset.s32 @!p0 $0xFFFFF086;
	s6 =	sadd.s32 @!p0 s3, s7;
	s7 =	simm.s32 @!p0 $0x108  }
0x21: {  	s3 =	sadd.s32 s3, s9;
	s6 =	sadd.s32 @!p0 $0x88, s6;
	s7 =	simm.s32 @p2 $0x1082  }
0x22: {  	[simem:s7], [sflag:s8] =	dma.local @!p0 [hbm:s6], $0xF7A  }
0x23: {  	s9 =	sor.u32 $0xD0000000, s2;
	s6 =	simm.s32 $0x108;
	_ =	swait.ge @!p0 [sflag:s8], $0x0  }
0x24: {  	s3 =	sadd.s32 $0x88, s3;
	s6 =	simm.s32 @!p1 $0x1082;
	[sflag:s4] =	ssyncset.s32 $0xFFFFF086  }
0x25: {  	[simem:s6], [sflag:s4] =	dma.local [hbm:s3], $0xF7A  }
0x26: {  	[smem:$0x3F86] =	sst s1;
	(tag) =	ssettag s2;
	_ =	strace s9  }
0x27: {  	s1 =	sld [smem:$0x3F96]  }
0x28: {  	s2 =	sld [smem:$0x3F97]  }
0x29: {  	s4 =	sld [smem:$0x3F99]  }
0x2a: {  	p0 =	seq.s32 s5, $0x0;
	s5 =	sld [smem:$0x3F9A]  }
0x2b: {  	s6 =	sld [smem:$0x3F9B]  }
0x2c: {  	s7 =	sld [smem:$0x3F9C]  }
0x2d: {  	s3 =	simm.s32 $0x108;
	s8 =	sld [smem:$0x3F9D]  }
0x2e: {  	s3 =	simm.s32 @!p0 $0x1082;
	s9 =	sld [smem:$0x3F9E]  }
0x2f: {  	lr =	sadd.s32 s0, s3;
	s0 =	sld [smem:$0x3F95]  }
0x30: {  	s3 =	sld [smem:$0x3F98]  }
0x31: {  	[smem:$0x3FA1] =	sst s10  }
0x32: {  	s10 =	sld [smem:$0x3F9F];
	_ =	sdelay $0x3  }
0x33: {  	p0 =	seq.s32 s10, $0x1;
	s10 =	sld [smem:$0x3FA1];
	_ =	sdelay $0x3  }
0x34: {  	[smem:$0x3FA1] =	sst s10  }
0x35: {  	s10 =	sld [smem:$0x3FA0];
	_ =	sdelay $0x3  }
0x36: {  	p1 =	seq.s32 s10, $0x1;
	s10 =	sld [smem:$0x3FA1];
	_ =	sdelay $0x3  }
0x37: {  	[smem:$0x3FA1] =	sst s10  }
0x38: {  	s10 =	sld [smem:$0x3FA2]  }
0x39: {  	_ = 	snop;
	(pc) =	sbr.ind lr, $3  }
0x3a: {  	_ = 	snop  }
0x3b: {  	_ = 	snop  }
0x3c: {  	p2 =	seq.s32 s10, $0x1;
	s10 =	sld [smem:$0x3FA1]  }
0x3d: {  	_ =	shalt  }
0x3e: {  	_ =	shalt  }
0x3f: {  	_ =	shalt  }
0x40: {  	_ =	shalt  }
0x41: {  	_ =	shalt  }
0x42: {  	_ =	shalt  }
0x43: {  	_ =	shalt  }
0x44: {  	_ =	shalt  }
0x45: {  	_ =	shalt  }
0x46: {  	_ =	shalt  }
0x47: {  	_ =	shalt  }
0x48: {  	_ =	shalt  }
0x49: {  	_ =	shalt  }
0x4a: {  	_ =	shalt  }
0x4b: {  	_ =	shalt  }
0x4c: {  	_ =	shalt  }
0x4d: {  	_ =	shalt  }
0x4e: {  	_ =	shalt  }
0x4f: {  	_ =	shalt  }
0x50: {  	_ =	shalt  }
0x51: {  	_ =	shalt  }
0x52: {  	_ =	shalt  }
0x53: {  	_ =	shalt  }
0x54: {  	_ =	shalt  }
0x55: {  	_ =	shalt  }
0x56: {  	_ =	shalt  }
0x57: {  	_ =	shalt  }
0x58: {  	_ =	shalt  }
0x59: {  	_ =	shalt  }
0x5a: {  	_ =	shalt  }
0x5b: {  	_ =	shalt  }
0x5c: {  	_ =	shalt  }
0x5d: {  	_ =	shalt  }
0x5e: {  	_ =	shalt  }
0x5f: {  	_ =	shalt  }
0x60: {  	_ =	shalt  }
0x61: {  	_ =	shalt  }
0x62: {  	_ =	shalt  }
0x63: {  	_ =	shalt  }
0x64: {  	_ =	shalt  }
0x65: {  	_ =	shalt  }
0x66: {  	_ =	shalt  }
0x67: {  	_ =	shalt  }
0x68: {  	_ =	shalt  }
0x69: {  	_ =	shalt  }
0x6a: {  	_ =	shalt  }
0x6b: {  	_ =	shalt  }
0x6c: {  	_ =	shalt  }
0x6d: {  	_ =	shalt  }
0x6e: {  	_ =	shalt  }
0x6f: {  	_ =	shalt  }
0x70: {  	_ =	shalt  }
0x71: {  	_ =	shalt  }
0x72: {  	_ =	shalt  }
0x73: {  	_ =	shalt  }
0x74: {  	_ =	shalt  }
0x75: {  	_ =	shalt  }
0x76: {  	_ =	shalt  }
0x77: {  	_ =	shalt  }
0x78: {  	_ =	shalt  }
0x79: {  	_ =	shalt  }
0x7a: {  	_ =	shalt  }
0x7b: {  	_ =	shalt  }
0x7c: {  	_ =	shalt  }
0x7d: {  	_ =	shalt  }
0x7e: {  	_ =	shalt  }
0x7f: {  	_ =	shalt  }
0x80: {  	_ =	shalt  }
0x81: {  	_ =	shalt  }
0x82: {  	_ =	shalt  }
0x83: {  	_ =	shalt  }
0x84: {  	_ =	shalt  }
0x85: {  	_ =	shalt  }
0x86: {  	_ =	shalt  }
0x87: {  	_ =	shalt  }
.Lfunc_end0:
.L_simem_size_0:
called_computation.2_lowered:
.L_overlay_start_0:
0x88: {  	s2 =	sld [smem:$0x3FD9]  }
0x89: {  	s3 =	sld [smem:$0x3FFE];
	_ =	sdelay $0x1  }
0x8a: {  	s1 =	srdreg.scid  }
0x8b: {  	s0 =	sand.u32 $0x1, s1  }
0x8c: {  	s16 =	sshll.u32 s0, $0xA;
	s2 =	sadd.s32 s3, s2  }
0x8d: {  	s2 =	sadd.s32 s2, s16  }
0x8e: {  	[smem:$0x3FAD] =	sst s2  }
0x8f: {  	_ = 	snop  }
0x90: {  	(tm) =	ssettm $0x1  }
0x91: {  	s17 =	sld [smem:$0x3FFB];
	_ =	sdelay $0x3  }
0x92: {  	_ =	strace s17  }
0x93: {  	s2 =	sld [smem:$0x3FFC];
	_ =	sdelay $0x3  }
0x94: {  	_ =	strace s2  }
0x95: {  	s2 =	sld [smem:$0x3FFD];
	_ =	sdelay $0x3  }
0x96: {  	_ =	strace s2  }
0x97: {  	_ =	strace $0x8FFFFFFF  }
0x98: {  	s18 =	sld [smem:$0x3FDB];
	_ =	sdelay $0x1  }
0x99: {  	s19 =	simm.s32 $_scs_section_size  }
0x9a: {  	s4 =	simm.s32 $_size__tile_overlayer_lowered;
	s5 =	simm.s32 $_tile_overlayer_lowered  }
0x9b: {  	s22 =	simm.s32 $0x1BFF;
	s21 =	sshll.u32 s5, $0x1;
	s2 =	sadd.s32 s19, s18  }
0x9c: {  	s6 =	simm.s32 $0x0;
	s20 =	sshll.u32 s4, $0x1;
	s4 =	sadd.s32 s21, s2  }
0x9d: {  	[timem:s6], [sflag:s22] =	dma.local [hbm:s4], s20  }
0x9e: {  	_ =	swait.ge [sflag:s22], s20  }
0x9f: {  	s3 =	ssub.s32 $0x0, s20;
	[sflag:s22] =	ssyncset.done $0x0  }
0xa0: {  	[sflag:s22] =	ssyncadd.s32 s3;
	_ =	sdelay $0x1  }
0xa1: {  	s23 =	simm.s32 $0x1B8B  }
0xa2: {  	_ =	swait.ge [sflag:s23], $0x1  }
0xa3: {  	[sflag:s23] =	ssyncset.done $0x0  }
0xa4: {  	s25 =	simm.s32 $0x1B8E;
	s24 =	sld [smem:$0x3FFE];
	[sflag:s23] =	ssyncadd.s32 $0xFFFFFFFF  }
0xa5: {  	s26 =	simm.s32 $execute0_lowered;
	[smem:$0x3FD2] =	sst s25  }
0xa6: {  	s4 =	sshll.u32 s26, $0x1;
	_ =	strace $0x8000004C;
	[dreg:$0x1] =	wrdreg $0xFFFFFFFF  }
0xa7: {  	s28 =	simm.s32 $_size_execute0_lowered;
	s2 =	sadd.s32 s2, s4;
	[dreg:$0x0] =	wrdreg $0x0  }
0xa8: {  	s4 =	sshll.u32 s28, $0x1;
	[dreg:$0x2] =	wrdreg s2  }
0xa9: {  	[dreg:$0x3] =	wrdreg s4  }
0xaa: {  	[dreg:$0x4] =	wrdreg $0xC0  }
0xab: {  	_ =	task [dreg:s6], $0x5FFFF  }
0xac: {  	[dreg:$0x1] =	wrdreg $0xFFFFFFFF  }
0xad: {  	[dreg:$0x0] =	wrdreg $0x60  }
0xae: {  	[dreg:$0x2] =	wrdreg s24  }
0xaf: {  	[dreg:$0x3] =	wrdreg $0xB2200  }
0xb0: {  	[dreg:$0x4] =	wrdreg $0x9  }
0xb1: {  	_ =	task.clear_ibuf [dreg:s6], $0x5FFFF;
	_ =	strace $0x9000004C  }
0xb2: {  	s29 =	simm.s32 $0x9;
	_ =	strace $0x8000004E  }
0xb3: {  	_ =	swait.ge [sflag:s29], $0x1  }
0xb4: {  	[sflag:s29] =	ssyncadd.s32 $0xFFFFFFFF  }
0xb5: {  	_ =	strace $0x9000004E  }
0xb6: {  	_ =	sfence  }
0xb7: {  	s30 =	sld [smem:$0x0];
	_ =	sdelay $0x2  }
0xb8: {  	s31 =	sshll.u32 s1, $0xD;
	s1 =	sshrl.u32 s1, $0x2  }
0xb9: {  	s3 =	sand.u32 $0x4000, s31;
	s1 =	sadd.s32 s1, s30  }
0xba: {  	s0 =	sor.u32 s3, s0;
	s1 =	sshll.u32 s1, $0x11  }
0xbb: {  	s0 =	sor.u32 s1, s0  }
0xbc: {  	s0 =	sadd.s32 $0x8F2B, s0  }
0xbd: {  	[sflag:s0] =	ssyncadd.remote.s32 $0x1  }
0xbe: {  	_ =	sfence.sel $0xFFFF  }
0xbf: {  	[dreg:$0x0] =	wrdreg $0xFFFFFFFF;
	(pc) =	sbr.abs _section_cstart, $3  }
0xc0: {  	[dreg:$0x1] =	wrdreg $0xFFFFFFFF  }
0xc1: {  	_ =	task.clear_ibuf [dreg:s6], $0x2FFFF;
	_ =	strace $0x9FFFFFFF  }
0xc2: {  	(tm) =	ssettm $0x7FFFFFFF  }
0xc3: {  	_ =	shalt  }
tec
execute0_lowered:
.L_overlay_start_1:
0x0: {  	(tag) =	ssettag $0x1  }
0x1: {  	s0 =	rddreg [dreg:$0x0]  }
0x2: {  	s1 =	rddreg [dreg:$0x1]  }
0x3: {  	s3 =	srdreg.scid;
	s9 =	stileid.u32;
	s2 =	simm.s32 $0x0  }
0x4: {  	s11 =	simm.s32 $0x4E20;
	s12 =	simm.s32 $0x6220;
	s14 =	simm.s32 $0x7620  }
0x5: {  	s16 =	simm.s32 $0x8A20;
	s18 =	simm.s32 $0x9E20;
	s19 =	simm.s32 $0x2710  }
0x6: {  	s21 =	simm.s32 $0x1;
	s22 =	simm.s32 $0x2;
	s23 =	simm.s32 $0x3  }
0x7: {  	s24 =	simm.s32 $0x4;
	s28 =	simm.s32 $0x4CE0;
	s29 =	simm.s32 $0x4D30  }
0x8: {  	s30 =	simm.s32 $0x4D80;
	s31 =	simm.s32 $0x4DD0;
	s4 =	sand.u32 $0x1, s3  }
0x9: {  	s25 =	sshll.u32 s9, $0x1;
	[smem:$0x7FF] =	sst s2;
	p0 =	sne.s32 s9, $0x0  }
0xa: {  	s9 =	simm.s32 $0x6;
	s3 =	sor.u32 s4, s25;
	_ =	strace $0x8000004D  }
0xb: {  	s6 =	smul.u32 $0x13880, s4;
	s7 =	ssub.s32 $0x2, s4;
	s4 =	sadd.s32 $0x2AC00, s0  }
0xc: {  	s20 =	sshrl.u32 @!p0 s1, $0x3;
	s5 =	smul.u32 $0x4E2, s3;
	s26 =	sshrl.u32 s7, $0x1  }
0xd: {  	s25 =	simm.s32 $0x5;
	s3 =	sadd.s32 $0x17200, s0;
	s10 =	ssub.s32 s7, s26  }
0xe: {  	s26 =	simm.s32 $0x4C90;
	s8 =	sadd.s32 s5, s0;
	s0 =	sadd.s32 s6, s0  }
0xf: {  	s5 =	sadd.s32 $0xD400, s8;
	s6 =	sadd.s32 $0x3600, s8;
	s7 =	sadd.s32 $0x3E600, s0  }
0x10: {  	s8 =	smax.u32 s10, $0x1;
	s10 =	simm.s32 $0x50;
	s0 =	simm.s32 $0x0  }
.LBB2_1:
0x11: {  	[tilespmem:s2], [sflag:$0x6] =	stream.linear.gather [hbm4b:s5+s2], $0x2710, $0x38;
	[tilespmem:$0x14E60] =	vst v63  }
0x12: {  	_ =	swait.ge [sflag:s9], $0x2710  }
0x13: {  	[sflag:s9] =	ssyncset.done $0x0  }
0x14: {  	[sflag:s9] =	ssyncadd.s32 $0xFFFFD8F0  }
0x15: {  	[tilespmem:s11], [sflag:$0x1] =	stream.indirect.gather [hbm4b:s3+s10], $0x40, s2, s10, $0xb8;
	[tilespmem:$0x14E60] =	vst v63  }
0x16: {  	_ = 	snop  }
0x17: {  	[tilespmem:s12], [sflag:$0x2] =	stream.indirect.gather [hbm4b:s3+s10], $0x40, s10, s10, $0xb8;
	[tilespmem:$0x14E60] =	vst v63  }
0x18: {  	s13 =	simm.s32 $0xA0  }
0x19: {  	[tilespmem:s14], [sflag:$0x3] =	stream.indirect.gather [hbm4b:s3+s10], $0x40, s13, s10, $0xb8;
	[tilespmem:$0x14E60] =	vst v63  }
0x1a: {  	s17 =	simm.s32 $0xF0  }
0x1b: {  	[tilespmem:s16], [sflag:$0x4] =	stream.indirect.gather [hbm4b:s3+s10], $0x40, s17, s10, $0xb8;
	[tilespmem:$0x14E60] =	vst v63  }
0x1c: {  	s15 =	simm.s32 $0x140  }
0x1d: {  	[tilespmem:s18], [sflag:$0x5] =	stream.indirect.gather [hbm4b:s3+s10], $0x40, s15, s10, $0xb8;
	[tilespmem:$0x14E60] =	vst v63  }
0x1e: {  	_ = 	snop  }
0x1f: {  	[tilespmem:s19], [sflag:$0x6] =	stream.linear.gather [hbm4b:s6+s2], $0x2710, $0x38;
	[tilespmem:$0x14E60] =	vst v63  }
0x20: {  	_ =	swait.ge [sflag:s9], $0x2710  }
0x21: {  	[sflag:s9] =	ssyncset.done $0x0  }
0x22: {  	s13 =	simm.s32 @!p0 $0x1C06;
	[sflag:s9] =	ssyncadd.s32 $0xFFFFD8F0  }
0x23: {  	[spmem:s20], [sflag:s13] =	dma.local @!p0 [hbm:s4], $0x13880  }
0x24: {  	s13 =	simm.s32 @!p0 $0x6  }
0x25: {  	_ =	swait.ge @!p0 [sflag:s13], $0x13880  }
0x26: {  	[sflag:s13] =	ssyncset.done @!p0 $0x0  }
0x27: {  	[sflag:s13] =	ssyncadd.s32 @!p0 $0xFFFEC780  }
0x28: {  	[bflag:$0x0] =	sbarrier.arrive $0xFFFF  }
0x29: {  	_ =	swait.ge [sflag:s21], $0x1400  }
0x2a: {  	[sflag:s21] =	ssyncset.done $0x0  }
0x2b: {  	s17 =	simm.s32 $0x2710;
	[sflag:s21] =	ssyncadd.s32 $0xFFFFEC00  }
0x2c: {  	[spmem:s1] =	stream.indirect.scatter.add.f32 [tilespmem:s11], [sflag:$0x6], $0x40, s17, s10, $0xb8;
	[tilespmem:$0x14E60] =	vst v63  }
0x2d: {  	_ =	swait.ge [sflag:s9], $0x1400  }
0x2e: {  	[sflag:s9] =	ssyncset.done $0x0  }
0x2f: {  	s15 =	simm.s32 $0x190;
	[sflag:s9] =	ssyncadd.s32 $0xFFFFEC00  }
0x30: {  	[tilespmem:s11], [sflag:$0x1] =	stream.indirect.gather [hbm4b:s3+s10], $0x40, s15, s10, $0xb8;
	[tilespmem:$0x14E60] =	vst v63  }
0x31: {  	_ =	swait.ge [sflag:s22], $0x1400  }
0x32: {  	[sflag:s22] =	ssyncset.done $0x0  }
0x33: {  	s17 =	simm.s32 $0x2760;
	[sflag:s22] =	ssyncadd.s32 $0xFFFFEC00  }
0x34: {  	[spmem:s1] =	stream.indirect.scatter.add.f32 [tilespmem:s12], [sflag:$0x6], $0x40, s17, s10, $0xb8;
	[tilespmem:$0x14E60] =	vst v63  }
0x35: {  	_ =	swait.ge [sflag:s9], $0x1400  }
0x36: {  	[sflag:s9] =	ssyncset.done $0x0  }
0x37: {  	s15 =	simm.s32 $0x1E0;
	[sflag:s9] =	ssyncadd.s32 $0xFFFFEC00  }
0x38: {  	[tilespmem:s12], [sflag:$0x2] =	stream.indirect.gather [hbm4b:s3+s10], $0x40, s15, s10, $0xb8;
	[tilespmem:$0x14E60] =	vst v63  }
0x39: {  	_ =	swait.ge [sflag:s23], $0x1400  }
0x3a: {  	[sflag:s23] =	ssyncset.done $0x0  }
0x3b: {  	s17 =	simm.s32 $0x27B0;
	[sflag:s23] =	ssyncadd.s32 $0xFFFFEC00  }
0x3c: {  	[spmem:s1] =	stream.indirect.scatter.add.f32 [tilespmem:s14], [sflag:$0x6], $0x40, s17, s10, $0xb8;
	[tilespmem:$0x14E60] =	vst v63  }
0x3d: {  	_ =	swait.ge [sflag:s9], $0x1400  }
0x3e: {  	[sflag:s9] =	ssyncset.done $0x0  }
0x3f: {  	s15 =	simm.s32 $0x230;
	[sflag:s9] =	ssyncadd.s32 $0xFFFFEC00  }
0x40: {  	[tilespmem:s14], [sflag:$0x3] =	stream.indirect.gather [hbm4b:s3+s10], $0x40, s15, s10, $0xb8;
	[tilespmem:$0x14E60] =	vst v63  }
0x41: {  	_ =	swait.ge [sflag:s24], $0x1400  }
0x42: {  	[sflag:s24] =	ssyncset.done $0x0  }
0x43: {  	s17 =	simm.s32 $0x2800;
	[sflag:s24] =	ssyncadd.s32 $0xFFFFEC00  }
0x44: {  	[spmem:s1] =	stream.indirect.scatter.add.f32 [tilespmem:s16], [sflag:$0x6], $0x40, s17, s10, $0xb8;
	[tilespmem:$0x14E60] =	vst v63  }
0x45: {  	_ =	swait.ge [sflag:s9], $0x1400  }
0x46: {  	[sflag:s9] =	ssyncset.done $0x0  }
0x47: {  	s15 =	simm.s32 $0x280;
	[sflag:s9] =	ssyncadd.s32 $0xFFFFEC00  }
0x48: {  	[tilespmem:s16], [sflag:$0x4] =	stream.indirect.gather [hbm4b:s3+s10], $0x40, s15, s10, $0xb8;
	[tilespmem:$0x14E60] =	vst v63  }
0x49: {  	_ =	swait.ge [sflag:s25], $0x1400  }
0x4a: {  	[sflag:s25] =	ssyncset.done $0x0  }
0x4b: {  	s17 =	simm.s32 $0x2850;
	[sflag:s25] =	ssyncadd.s32 $0xFFFFEC00  }
0x4c: {  	[spmem:s1] =	stream.indirect.scatter.add.f32 [tilespmem:s18], [sflag:$0x6], $0x40, s17, s10, $0xb8;
	[tilespmem:$0x14E60] =	vst v63  }
0x4d: {  	_ =	swait.ge [sflag:s9], $0x1400  }
0x4e: {  	[sflag:s9] =	ssyncset.done $0x0  }
0x4f: {  	s13 =	simm.s32 $0x640;
	s15 =	simm.s32 $0x2D0;
	[sflag:s9] =	ssyncadd.s32 $0xFFFFEC00  }
.LBB2_2:
0x50: {  	[tilespmem:s18], [sflag:$0x5] =	stream.indirect.gather [hbm4b:s3+s10], $0x40, s15, s10, $0xb8;
	[tilespmem:$0x14E60] =	vst v63  }
0x51: {  	s15 =	smov.u32 s13  }
0x52: {  	p1 =	sne.s32 s13, $0x8FC0;
	s13 =	sadd.s32 $0x640, s13;
	_ =	swait.ge [sflag:s21], $0x1400  }
0x53: {  	s15 =	sshra.s32 s15, $0x2;
	[sflag:s21] =	ssyncset.done $0x0  }
0x54: {  	s17 =	sadd.s32 $0x2710, s15;
	[sflag:s21] =	ssyncadd.s32 $0xFFFFEC00  }
0x55: {  	[spmem:s1] =	stream.indirect.scatter.add.f32 [tilespmem:s11], [sflag:$0x6], $0x40, s17, s10, $0xb8;
	[tilespmem:$0x14E60] =	vst v63  }
0x56: {  	_ =	swait.ge [sflag:s9], $0x1400  }
0x57: {  	[sflag:s9] =	ssyncset.done $0x0  }
0x58: {  	s17 =	sadd.s32 $0x190, s15;
	[sflag:s9] =	ssyncadd.s32 $0xFFFFEC00  }
0x59: {  	[tilespmem:s11], [sflag:$0x1] =	stream.indirect.gather [hbm4b:s3+s10], $0x40, s17, s10, $0xb8;
	[tilespmem:$0x14E60] =	vst v63  }
0x5a: {  	_ =	swait.ge [sflag:s22], $0x1400  }
0x5b: {  	[sflag:s22] =	ssyncset.done $0x0  }
0x5c: {  	s17 =	sadd.s32 $0x2760, s15;
	[sflag:s22] =	ssyncadd.s32 $0xFFFFEC00  }
0x5d: {  	[spmem:s1] =	stream.indirect.scatter.add.f32 [tilespmem:s12], [sflag:$0x6], $0x40, s17, s10, $0xb8;
	[tilespmem:$0x14E60] =	vst v63  }
0x5e: {  	_ =	swait.ge [sflag:s9], $0x1400  }
0x5f: {  	[sflag:s9] =	ssyncset.done $0x0  }
0x60: {  	s17 =	sadd.s32 $0x1E0, s15;
	[sflag:s9] =	ssyncadd.s32 $0xFFFFEC00  }
0x61: {  	[tilespmem:s12], [sflag:$0x2] =	stream.indirect.gather [hbm4b:s3+s10], $0x40, s17, s10, $0xb8;
	[tilespmem:$0x14E60] =	vst v63  }
0x62: {  	_ =	swait.ge [sflag:s23], $0x1400  }
0x63: {  	[sflag:s23] =	ssyncset.done $0x0  }
0x64: {  	s17 =	sadd.s32 $0x27B0, s15;
	[sflag:s23] =	ssyncadd.s32 $0xFFFFEC00  }
0x65: {  	[spmem:s1] =	stream.indirect.scatter.add.f32 [tilespmem:s14], [sflag:$0x6], $0x40, s17, s10, $0xb8;
	[tilespmem:$0x14E60] =	vst v63  }
0x66: {  	_ =	swait.ge [sflag:s9], $0x1400  }
0x67: {  	[sflag:s9] =	ssyncset.done $0x0  }
0x68: {  	s17 =	sadd.s32 $0x230, s15;
	[sflag:s9] =	ssyncadd.s32 $0xFFFFEC00  }
0x69: {  	[tilespmem:s14], [sflag:$0x3] =	stream.indirect.gather [hbm4b:s3+s10], $0x40, s17, s10, $0xb8;
	[tilespmem:$0x14E60] =	vst v63  }
0x6a: {  	_ =	swait.ge [sflag:s24], $0x1400  }
0x6b: {  	[sflag:s24] =	ssyncset.done $0x0  }
0x6c: {  	s17 =	sadd.s32 $0x2800, s15;
	[sflag:s24] =	ssyncadd.s32 $0xFFFFEC00  }
0x6d: {  	[spmem:s1] =	stream.indirect.scatter.add.f32 [tilespmem:s16], [sflag:$0x6], $0x40, s17, s10, $0xb8;
	[tilespmem:$0x14E60] =	vst v63  }
0x6e: {  	_ =	swait.ge [sflag:s9], $0x1400  }
0x6f: {  	[sflag:s9] =	ssyncset.done $0x0  }
0x70: {  	s17 =	sadd.s32 $0x280, s15;
	[sflag:s9] =	ssyncadd.s32 $0xFFFFEC00  }
0x71: {  	[tilespmem:s16], [sflag:$0x4] =	stream.indirect.gather [hbm4b:s3+s10], $0x40, s17, s10, $0xb8;
	[tilespmem:$0x14E60] =	vst v63  }
0x72: {  	_ =	swait.ge [sflag:s25], $0x1400  }
0x73: {  	[sflag:s25] =	ssyncset.done $0x0  }
.Ltmp0:
0x74: {  	s17 =	sadd.s32 $0x2850, s15;
	[sflag:s25] =	ssyncadd.s32 $0xFFFFEC00;
	(pc) =	sbr.rel @p1 .LBB2_2-.Ltmp0, $4  }
0x75: {  	[spmem:s1] =	stream.indirect.scatter.add.f32 [tilespmem:s18], [sflag:$0x6], $0x40, s17, s10, $0xb8;
	[tilespmem:$0x14E60] =	vst v63  }
0x76: {  	_ =	swait.ge [sflag:s9], $0x1400  }
0x77: {  	[sflag:s9] =	ssyncset.done $0x0  }
0x78: {  	s15 =	sadd.s32 $0x2D0, s15;
	[sflag:s9] =	ssyncadd.s32 $0xFFFFEC00  }
0x79: {  	[tilespmem:s18], [sflag:$0x5] =	stream.indirect.gather [hbm4b:s3+s10], $0x40, s15, s10, $0xb8;
	[tilespmem:$0x14E60] =	vst v63  }
0x7a: {  	_ =	swait.ge [sflag:s21], $0x1400  }
0x7b: {  	[sflag:s21] =	ssyncset.done $0x0  }
0x7c: {  	[sflag:s21] =	ssyncadd.s32 $0xFFFFEC00  }
0x7d: {  	[spmem:s1] =	stream.indirect.scatter.add.f32 [tilespmem:s11], [sflag:$0x6], $0x40, s26, s10, $0xb8;
	[tilespmem:$0x14E60] =	vst v63  }
0x7e: {  	_ =	swait.ge [sflag:s9], $0x1400  }
0x7f: {  	[sflag:s9] =	ssyncset.done $0x0  }
0x80: {  	[sflag:s9] =	ssyncadd.s32 $0xFFFFEC00  }
0x81: {  	_ =	swait.ge [sflag:s22], $0x1400  }
0x82: {  	[sflag:s22] =	ssyncset.done $0x0  }
0x83: {  	[sflag:s22] =	ssyncadd.s32 $0xFFFFEC00  }
0x84: {  	[spmem:s1] =	stream.indirect.scatter.add.f32 [tilespmem:s12], [sflag:$0x6], $0x40, s28, s10, $0xb8;
	[tilespmem:$0x14E60] =	vst v63  }
0x85: {  	_ =	swait.ge [sflag:s9], $0x1400  }
0x86: {  	[sflag:s9] =	ssyncset.done $0x0  }
0x87: {  	[sflag:s9] =	ssyncadd.s32 $0xFFFFEC00  }
0x88: {  	_ =	swait.ge [sflag:s23], $0x1400  }
0x89: {  	[sflag:s23] =	ssyncset.done $0x0  }
0x8a: {  	[sflag:s23] =	ssyncadd.s32 $0xFFFFEC00  }
0x8b: {  	[spmem:s1] =	stream.indirect.scatter.add.f32 [tilespmem:s14], [sflag:$0x6], $0x40, s29, s10, $0xb8;
	[tilespmem:$0x14E60] =	vst v63  }
0x8c: {  	_ =	swait.ge [sflag:s9], $0x1400  }
0x8d: {  	[sflag:s9] =	ssyncset.done $0x0  }
0x8e: {  	[sflag:s9] =	ssyncadd.s32 $0xFFFFEC00  }
0x8f: {  	_ =	swait.ge [sflag:s24], $0x1400  }
0x90: {  	[sflag:s24] =	ssyncset.done $0x0  }
0x91: {  	[sflag:s24] =	ssyncadd.s32 $0xFFFFEC00  }
0x92: {  	[spmem:s1] =	stream.indirect.scatter.add.f32 [tilespmem:s16], [sflag:$0x6], $0x40, s30, s10, $0xb8;
	[tilespmem:$0x14E60] =	vst v63  }
0x93: {  	_ =	swait.ge [sflag:s9], $0x1400  }
0x94: {  	[sflag:s9] =	ssyncset.done $0x0  }
0x95: {  	[sflag:s9] =	ssyncadd.s32 $0xFFFFEC00  }
0x96: {  	_ =	swait.ge [sflag:s25], $0x1400  }
0x97: {  	[sflag:s25] =	ssyncset.done $0x0  }
0x98: {  	[sflag:s25] =	ssyncadd.s32 $0xFFFFEC00  }
0x99: {  	[spmem:s1] =	stream.indirect.scatter.add.f32 [tilespmem:s18], [sflag:$0x6], $0x40, s31, s10, $0xb8;
	[tilespmem:$0x14E60] =	vst v63  }
0x9a: {  	_ =	swait.ge [sflag:s9], $0x1400  }
0x9b: {  	[sflag:s9] =	ssyncset.done $0x0  }
0x9c: {  	s0 =	sadd.s32 $0x1, s0;
	[sflag:s9] =	ssyncadd.s32 $0xFFFFEC00  }
0x9d: {  	s13 =	simm.s32 @!p0 $0x1C06;
	p1 =	sne.s32 s0, s8;
	[bflag:$0x0] =	sbarrier.arrive $0xFFFF  }
0x9e: {  	[hbm:s7], [sflag:s13] =	dma.local @!p0 [spmem:s20], $0x13880  }
.Ltmp1:
0x9f: {  	_ = 	snop;
	(pc) =	sbr.rel @p1 .LBB2_1-.Ltmp1, $4  }
0xa0: {  	s13 =	simm.s32 @!p0 $0x6  }
0xa1: {  	_ =	swait.ge @!p0 [sflag:s13], $0x13880  }
0xa2: {  	[sflag:s13] =	ssyncset.done @!p0 $0x0  }
0xa3: {  	[sflag:s13] =	ssyncadd.s32 @!p0 $0xFFFEC780  }
0xa4: {  	_ =	sfence.sel $0x180000  }
0xa5: {  	[bflag:$0x0] =	sbarrier.arrive $0xFFFF  }
0xa6: {  	_ =	strace $0x9000004D  }
0xa7: {  	[bflag:$0x2] =	sbarrier.arrive $0xFFFF  }
0xa8: {  	s0 =	rddreg [dreg:$0x2]  }
0xa9: {  	s0 =	sadd.s32 @!p0 $0x100000, s0  }
0xaa: {  	[sflag:s0] =	ssyncadd.tile.s32 @!p0 $0x1;
	_ =	shalt  }
.Lfunc_end2:
_tile_overlayer_lowered:
.L_overlay_start_2:
0xab: {  	(tag) =	ssettag $0x2  }
0xac: {  	s0 =	rddreg [dreg:$0x0];
	s2 =	stileid.u32  }
0xad: {  	s1 =	rddreg [dreg:$0x1];
	p0 =	sne.s32 s2, $0x0  }
0xae: {  	s3 =	rddreg [dreg:$0x2];
	[bflag:$0x3] =	sbarrier.arrive $0xFFFF;
	s2 =	simm.s32 @!p0 $0x1C06  }
0xaf: {  	[timem:s3], [sflag:s2] =	dma.local @!p0 [hbm:s0], s1  }
0xb0: {  	s0 =	simm.s32 @!p0 $0x6  }
0xb1: {  	_ =	swait.ge @!p0 [sflag:s0], s1  }
0xb2: {  	s1 =	ssub.s32 @!p0 $0x0, s1;
	[sflag:s0] =	ssyncset.done @!p0 $0x0  }
0xb3: {  	[sflag:s0] =	ssyncadd.s32 @!p0 s1  }
0xb4: {  	[bflag:$0x3] =	sbarrier.arrive $0xFFFF  }
0xb5: {  	_ =	shalt  }

// kernel: kernel.9.cloned.1.call-start
scs
__scs_entry_jumppad:
0x0: {  	(pc) =	sbr.rel $0x88, $3  }
0x1: {  	(tag) =	ssettag $0x0;
	lr =	simm.s32 $0x1  }
0x2: {  	[smem:$0x3F86] =	sst lr;
	_ =	strace $0xD0000000  }
0x3: {  	_ = 	snop  }
0x4: {  	_ = 	snop  }
0x5: {  	_ = 	snop  }
0x6: {  	_ = 	snop  }
0x7: {  	_ = 	snop  }
__scs_overlays_trampoline_lowered:
0x8: {  	[smem:$0x3F95] =	sst s0  }
0x9: {  	[smem:$0x3F96] =	sst s1  }
0xa: {  	[smem:$0x3F97] =	sst s2  }
0xb: {  	[smem:$0x3F98] =	sst s3  }
0xc: {  	[smem:$0x3F99] =	sst s4  }
0xd: {  	[smem:$0x3F9A] =	sst s5  }
0xe: {  	[smem:$0x3F9B] =	sst s6  }
0xf: {  	[smem:$0x3F9C] =	sst s7  }
0x10: {  	[smem:$0x3F9D] =	sst s8  }
0x11: {  	[smem:$0x3F9E] =	sst s9;
	s0 =	simm.s32 @!p0 $0x0  }
0x12: {  	s1 =	sld [smem:$0x3F84];
	s0 =	simm.s32 @p0 $0x1  }
0x13: {  	[smem:$0x3F9F] =	sst s0;
	s0 =	simm.s32 @!p1 $0x0  }
0x14: {  	s2 =	sld [smem:$0x3F83];
	s0 =	simm.s32 @p1 $0x1  }
0x15: {  	[smem:$0x3FA0] =	sst s0;
	s0 =	simm.s32 @!p2 $0x0  }
0x16: {  	s3 =	sld [smem:$0x3FDB];
	s0 =	simm.s32 @p2 $0x1  }
0x17: {  	s4 =	simm.s32 $0x1BF5;
	[smem:$0x3FA2] =	sst s0  }
0x18: {  	s0 =	sld [smem:$0x3F85];
	_ =	swait.ge [sflag:s4], $0x0  }
0x19: {  	s7 =	sld [smem:$0x3F86]  }
0x1a: {  	s8 =	sadd.s32 $0xFFFFE003, lr  }
0x1b: {  	s9 =	sadd.s32 $0xFFFFFEF7, lr;
	s5 =	simm.s32 $0xFFFFFFFF;
	p2 =	slt.u32 s8, $0xFFFFF086  }
0x1c: {  	p1 =	slt.u32 s9, $0xF7A;
	s5 =	simm.s32 @!p2 $0x0  }
0x1d: {  	s5 =	simm.s32 @p1 $0x1;
	p0 =	seq.s32 s7, s2  }
0x1e: {  	s7 =	smul.u32 @!p0 $0xF7A, s2;
	p2 =	seq.s32 @!p0 s5, $0x0  }
0x1f: {  	s9 =	smul.u32 $0xF7A, s1;
	s8 =	simm.s32 @!p0 $0x1BF5;
	p2 =	por !p2, p0  }
0x20: {  	[sflag:s8] =	ssyncset.s32 @!p0 $0xFFFFF086;
	s6 =	sadd.s32 @!p0 s3, s7;
	s7 =	simm.s32 @!p0 $0x108  }
0x21: {  	s3 =	sadd.s32 s3, s9;
	s6 =	sadd.s32 @!p0 $0x88, s6;
	s7 =	simm.s32 @p2 $0x1082  }
0x22: {  	[simem:s7], [sflag:s8] =	dma.local @!p0 [hbm:s6], $0xF7A  }
0x23: {  	s9 =	sor.u32 $0xD0000000, s2;
	s6 =	simm.s32 $0x108;
	_ =	swait.ge @!p0 [sflag:s8], $0x0  }
0x24: {  	s3 =	sadd.s32 $0x88, s3;
	s6 =	simm.s32 @!p1 $0x1082;
	[sflag:s4] =	ssyncset.s32 $0xFFFFF086  }
0x25: {  	[simem:s6], [sflag:s4] =	dma.local [hbm:s3], $0xF7A  }
0x26: {  	[smem:$0x3F86] =	sst s1;
	(tag) =	ssettag s2;
	_ =	strace s9  }
0x27: {  	s1 =	sld [smem:$0x3F96]  }
0x28: {  	s2 =	sld [smem:$0x3F97]  }
0x29: {  	s4 =	sld [smem:$0x3F99]  }
0x2a: {  	p0 =	seq.s32 s5, $0x0;
	s5 =	sld [smem:$0x3F9A]  }
0x2b: {  	s6 =	sld [smem:$0x3F9B]  }
0x2c: {  	s7 =	sld [smem:$0x3F9C]  }
0x2d: {  	s3 =	simm.s32 $0x108;
	s8 =	sld [smem:$0x3F9D]  }
0x2e: {  	s3 =	simm.s32 @!p0 $0x1082;
	s9 =	sld [smem:$0x3F9E]  }
0x2f: {  	lr =	sadd.s32 s0, s3;
	s0 =	sld [smem:$0x3F95]  }
0x30: {  	s3 =	sld [smem:$0x3F98]  }
0x31: {  	[smem:$0x3FA1] =	sst s10  }
0x32: {  	s10 =	sld [smem:$0x3F9F];
	_ =	sdelay $0x3  }
0x33: {  	p0 =	seq.s32 s10, $0x1;
	s10 =	sld [smem:$0x3FA1];
	_ =	sdelay $0x3  }
0x34: {  	[smem:$0x3FA1] =	sst s10  }
0x35: {  	s10 =	sld [smem:$0x3FA0];
	_ =	sdelay $0x3  }
0x36: {  	p1 =	seq.s32 s10, $0x1;
	s10 =	sld [smem:$0x3FA1];
	_ =	sdelay $0x3  }
0x37: {  	[smem:$0x3FA1] =	sst s10  }
0x38: {  	s10 =	sld [smem:$0x3FA2]  }
0x39: {  	_ = 	snop;
	(pc) =	sbr.ind lr, $3  }
0x3a: {  	_ = 	snop  }
0x3b: {  	_ = 	snop  }
0x3c: {  	p2 =	seq.s32 s10, $0x1;
	s10 =	sld [smem:$0x3FA1]  }
0x3d: {  	_ =	shalt  }
0x3e: {  	_ =	shalt  }
0x3f: {  	_ =	shalt  }
0x40: {  	_ =	shalt  }
0x41: {  	_ =	shalt  }
0x42: {  	_ =	shalt  }
0x43: {  	_ =	shalt  }
0x44: {  	_ =	shalt  }
0x45: {  	_ =	shalt  }
0x46: {  	_ =	shalt  }
0x47: {  	_ =	shalt  }
0x48: {  	_ =	shalt  }
0x49: {  	_ =	shalt  }
0x4a: {  	_ =	shalt  }
0x4b: {  	_ =	shalt  }
0x4c: {  	_ =	shalt  }
0x4d: {  	_ =	shalt  }
0x4e: {  	_ =	shalt  }
0x4f: {  	_ =	shalt  }
0x50: {  	_ =	shalt  }
0x51: {  	_ =	shalt  }
0x52: {  	_ =	shalt  }
0x53: {  	_ =	shalt  }
0x54: {  	_ =	shalt  }
0x55: {  	_ =	shalt  }
0x56: {  	_ =	shalt  }
0x57: {  	_ =	shalt  }
0x58: {  	_ =	shalt  }
0x59: {  	_ =	shalt  }
0x5a: {  	_ =	shalt  }
0x5b: {  	_ =	shalt  }
0x5c: {  	_ =	shalt  }
0x5d: {  	_ =	shalt  }
0x5e: {  	_ =	shalt  }
0x5f: {  	_ =	shalt  }
0x60: {  	_ =	shalt  }
0x61: {  	_ =	shalt  }
0x62: {  	_ =	shalt  }
0x63: {  	_ =	shalt  }
0x64: {  	_ =	shalt  }
0x65: {  	_ =	shalt  }
0x66: {  	_ =	shalt  }
0x67: {  	_ =	shalt  }
0x68: {  	_ =	shalt  }
0x69: {  	_ =	shalt  }
0x6a: {  	_ =	shalt  }
0x6b: {  	_ =	shalt  }
0x6c: {  	_ =	shalt  }
0x6d: {  	_ =	shalt  }
0x6e: {  	_ =	shalt  }
0x6f: {  	_ =	shalt  }
0x70: {  	_ =	shalt  }
0x71: {  	_ =	shalt  }
0x72: {  	_ =	shalt  }
0x73: {  	_ =	shalt  }
0x74: {  	_ =	shalt  }
0x75: {  	_ =	shalt  }
0x76: {  	_ =	shalt  }
0x77: {  	_ =	shalt  }
0x78: {  	_ =	shalt  }
0x79: {  	_ =	shalt  }
0x7a: {  	_ =	shalt  }
0x7b: {  	_ =	shalt  }
0x7c: {  	_ =	shalt  }
0x7d: {  	_ =	shalt  }
0x7e: {  	_ =	shalt  }
0x7f: {  	_ =	shalt  }
0x80: {  	_ =	shalt  }
0x81: {  	_ =	shalt  }
0x82: {  	_ =	shalt  }
0x83: {  	_ =	shalt  }
0x84: {  	_ =	shalt  }
0x85: {  	_ =	shalt  }
0x86: {  	_ =	shalt  }
0x87: {  	_ =	shalt  }
.Lfunc_end0:
.L_simem_size_0:
called_computation_lowered:
.L_overlay_start_0:
0x88: {  	s2 =	sld [smem:$0x3FD9]  }
0x89: {  	s3 =	sld [smem:$0x3FFE];
	_ =	sdelay $0x1  }
0x8a: {  	s1 =	srdreg.scid  }
0x8b: {  	s0 =	sand.u32 $0x1, s1  }
0x8c: {  	s16 =	sshll.u32 s0, $0xA;
	s2 =	sadd.s32 s3, s2  }
0x8d: {  	s2 =	sadd.s32 s2, s16  }
0x8e: {  	[smem:$0x3FAD] =	sst s2  }
0x8f: {  	_ = 	snop  }
0x90: {  	(tm) =	ssettm $0x1  }
0x91: {  	s17 =	sld [smem:$0x3FFB];
	_ =	sdelay $0x3  }
0x92: {  	_ =	strace s17  }
0x93: {  	s2 =	sld [smem:$0x3FFC];
	_ =	sdelay $0x3  }
0x94: {  	_ =	strace s2  }
0x95: {  	s2 =	sld [smem:$0x3FFD];
	_ =	sdelay $0x3  }
0x96: {  	_ =	strace s2  }
0x97: {  	_ =	strace $0x8FFFFFFF  }
0x98: {  	s18 =	sld [smem:$0x3FDB];
	_ =	sdelay $0x1  }
0x99: {  	s19 =	simm.s32 $_scs_section_size  }
0x9a: {  	s4 =	simm.s32 $_size__tile_overlayer_lowered;
	s5 =	simm.s32 $_tile_overlayer_lowered  }
0x9b: {  	s22 =	simm.s32 $0x1BFF;
	s21 =	sshll.u32 s5, $0x1;
	s2 =	sadd.s32 s19, s18  }
0x9c: {  	s6 =	simm.s32 $0x0;
	s20 =	sshll.u32 s4, $0x1;
	s4 =	sadd.s32 s21, s2  }
0x9d: {  	[timem:s6], [sflag:s22] =	dma.local [hbm:s4], s20  }
0x9e: {  	_ =	swait.ge [sflag:s22], s20  }
0x9f: {  	s3 =	ssub.s32 $0x0, s20;
	[sflag:s22] =	ssyncset.done $0x0  }
0xa0: {  	[sflag:s22] =	ssyncadd.s32 s3;
	_ =	sdelay $0x1  }
0xa1: {  	s23 =	simm.s32 $0x1B8B  }
0xa2: {  	_ =	swait.ge [sflag:s23], $0x1  }
0xa3: {  	[sflag:s23] =	ssyncset.done $0x0  }
0xa4: {  	s25 =	simm.s32 $0x1B8E;
	s24 =	sld [smem:$0x3FFE];
	[sflag:s23] =	ssyncadd.s32 $0xFFFFFFFF  }
0xa5: {  	s26 =	simm.s32 $execute0_lowered;
	[smem:$0x3FD2] =	sst s25  }
0xa6: {  	s4 =	sshll.u32 s26, $0x1;
	_ =	strace $0x80000046;
	[dreg:$0x1] =	wrdreg $0xFFFFFFFF  }
0xa7: {  	s28 =	simm.s32 $_size_execute0_lowered;
	s2 =	sadd.s32 s2, s4;
	[dreg:$0x0] =	wrdreg $0x0  }
0xa8: {  	s4 =	sshll.u32 s28, $0x1;
	[dreg:$0x2] =	wrdreg s2  }
0xa9: {  	[dreg:$0x3] =	wrdreg s4  }
0xaa: {  	[dreg:$0x4] =	wrdreg $0xC0  }
0xab: {  	_ =	task [dreg:s6], $0x5FFFF  }
0xac: {  	[dreg:$0x1] =	wrdreg $0xFFFFFFFF  }
0xad: {  	[dreg:$0x0] =	wrdreg $0x60  }
0xae: {  	[dreg:$0x2] =	wrdreg s24  }
0xaf: {  	[dreg:$0x3] =	wrdreg $0xB2200  }
0xb0: {  	[dreg:$0x4] =	wrdreg $0x9  }
0xb1: {  	_ =	task.clear_ibuf [dreg:s6], $0x5FFFF;
	_ =	strace $0x90000046  }
0xb2: {  	s29 =	simm.s32 $0x9;
	_ =	strace $0x80000048  }
0xb3: {  	_ =	swait.ge [sflag:s29], $0x1  }
0xb4: {  	[sflag:s29] =	ssyncadd.s32 $0xFFFFFFFF  }
0xb5: {  	_ =	strace $0x90000048  }
0xb6: {  	_ =	sfence  }
0xb7: {  	s30 =	sld [smem:$0x0];
	_ =	sdelay $0x2  }
0xb8: {  	s31 =	sshll.u32 s1, $0xD;
	s1 =	sshrl.u32 s1, $0x2  }
0xb9: {  	s3 =	sand.u32 $0x4000, s31;
	s1 =	sadd.s32 s1, s30  }
0xba: {  	s0 =	sor.u32 s3, s0;
	s1 =	sshll.u32 s1, $0x11  }
0xbb: {  	s0 =	sor.u32 s1, s0  }
0xbc: {  	s0 =	sadd.s32 $0x8F2B, s0  }
0xbd: {  	[sflag:s0] =	ssyncadd.remote.s32 $0x1  }
0xbe: {  	_ =	sfence.sel $0xFFFF  }
0xbf: {  	[dreg:$0x0] =	wrdreg $0xFFFFFFFF;
	(pc) =	sbr.abs _section_cstart, $3  }
0xc0: {  	[dreg:$0x1] =	wrdreg $0xFFFFFFFF  }
0xc1: {  	_ =	task.clear_ibuf [dreg:s6], $0x2FFFF;
	_ =	strace $0x9FFFFFFF  }
0xc2: {  	(tm) =	ssettm $0x7FFFFFFF  }
0xc3: {  	_ =	shalt  }
tec
execute0_lowered:
.L_overlay_start_1:
0x0: {  	(tag) =	ssettag $0x1  }
0x1: {  	s0 =	rddreg [dreg:$0x0]  }
0x2: {  	s1 =	rddreg [dreg:$0x1]  }
0x3: {  	s3 =	srdreg.scid;
	s9 =	stileid.u32;
	s2 =	simm.s32 $0x0  }
0x4: {  	s11 =	simm.s32 $0x4E20;
	s12 =	simm.s32 $0x6220;
	s14 =	simm.s32 $0x7620  }
0x5: {  	s16 =	simm.s32 $0x8A20;
	s18 =	simm.s32 $0x9E20;
	s19 =	simm.s32 $0x2710  }
0x6: {  	s21 =	simm.s32 $0x1;
	s22 =	simm.s32 $0x2;
	s23 =	simm.s32 $0x3  }
0x7: {  	s24 =	simm.s32 $0x4;
	s28 =	simm.s32 $0x4CE0;
	s29 =	simm.s32 $0x4D30  }
0x8: {  	s30 =	simm.s32 $0x4D80;
	s31 =	simm.s32 $0x4DD0;
	s4 =	sand.u32 $0x1, s3  }
0x9: {  	s25 =	sshll.u32 s9, $0x1;
	[smem:$0x7FF] =	sst s2;
	p0 =	sne.s32 s9, $0x0  }
0xa: {  	s9 =	simm.s32 $0x6;
	s3 =	sor.u32 s4, s25;
	_ =	strace $0x80000047  }
0xb: {  	s6 =	smul.u32 $0x13880, s4;
	s7 =	ssub.s32 $0x2, s4;
	s4 =	sadd.s32 $0x2AC00, s0  }
0xc: {  	s20 =	sshrl.u32 @!p0 s1, $0x3;
	s5 =	smul.u32 $0x4E2, s3;
	s26 =	sshrl.u32 s7, $0x1  }
0xd: {  	s25 =	simm.s32 $0x5;
	s3 =	sadd.s32 $0x17200, s0;
	s10 =	ssub.s32 s7, s26  }
0xe: {  	s26 =	simm.s32 $0x4C90;
	s8 =	sadd.s32 s5, s0;
	s0 =	sadd.s32 s6, s0  }
0xf: {  	s5 =	sadd.s32 $0xD400, s8;
	s6 =	sadd.s32 $0x3600, s8;
	s7 =	sadd.s32 $0x3E600, s0  }
0x10: {  	s8 =	smax.u32 s10, $0x1;
	s10 =	simm.s32 $0x50;
	s0 =	simm.s32 $0x0  }
.LBB2_1:
0x11: {  	[tilespmem:s2], [sflag:$0x6] =	stream.linear.gather [hbm4b:s5+s2], $0x2710, $0x38;
	[tilespmem:$0x14E60] =	vst v63  }
0x12: {  	_ =	swait.ge [sflag:s9], $0x2710  }
0x13: {  	[sflag:s9] =	ssyncset.done $0x0  }
0x14: {  	[sflag:s9] =	ssyncadd.s32 $0xFFFFD8F0  }
0x15: {  	[tilespmem:s11], [sflag:$0x1] =	stream.indirect.gather [hbm4b:s3+s10], $0x40, s2, s10, $0xb8;
	[tilespmem:$0x14E60] =	vst v63  }
0x16: {  	_ = 	snop  }
0x17: {  	[tilespmem:s12], [sflag:$0x2] =	stream.indirect.gather [hbm4b:s3+s10], $0x40, s10, s10, $0xb8;
	[tilespmem:$0x14E60] =	vst v63  }
0x18: {  	s13 =	simm.s32 $0xA0  }
0x19: {  	[tilespmem:s14], [sflag:$0x3] =	stream.indirect.gather [hbm4b:s3+s10], $0x40, s13, s10, $0xb8;
	[tilespmem:$0x14E60] =	vst v63  }
0x1a: {  	s17 =	simm.s32 $0xF0  }
0x1b: {  	[tilespmem:s16], [sflag:$0x4] =	stream.indirect.gather [hbm4b:s3+s10], $0x40, s17, s10, $0xb8;
	[tilespmem:$0x14E60] =	vst v63  }
0x1c: {  	s15 =	simm.s32 $0x140  }
0x1d: {  	[tilespmem:s18], [sflag:$0x5] =	stream.indirect.gather [hbm4b:s3+s10], $0x40, s15, s10, $0xb8;
	[tilespmem:$0x14E60] =	vst v63  }
0x1e: {  	_ = 	snop  }
0x1f: {  	[tilespmem:s19], [sflag:$0x6] =	stream.linear.gather [hbm4b:s6+s2], $0x2710, $0x38;
	[tilespmem:$0x14E60] =	vst v63  }
0x20: {  	_ =	swait.ge [sflag:s9], $0x2710  }
0x21: {  	[sflag:s9] =	ssyncset.done $0x0  }
0x22: {  	s13 =	simm.s32 @!p0 $0x1C06;
	[sflag:s9] =	ssyncadd.s32 $0xFFFFD8F0  }
0x23: {  	[spmem:s20], [sflag:s13] =	dma.local @!p0 [hbm:s4], $0x13880  }
0x24: {  	s13 =	simm.s32 @!p0 $0x6  }
0x25: {  	_ =	swait.ge @!p0 [sflag:s13], $0x13880  }
0x26: {  	[sflag:s13] =	ssyncset.done @!p0 $0x0  }
0x27: {  	[sflag:s13] =	ssyncadd.s32 @!p0 $0xFFFEC780  }
0x28: {  	[bflag:$0x0] =	sbarrier.arrive $0xFFFF  }
0x29: {  	_ =	swait.ge [sflag:s21], $0x1400  }
0x2a: {  	[sflag:s21] =	ssyncset.done $0x0  }
0x2b: {  	s17 =	simm.s32 $0x2710;
	[sflag:s21] =	ssyncadd.s32 $0xFFFFEC00  }
0x2c: {  	[spmem:s1] =	stream.indirect.scatter.add.f32 [tilespmem:s11], [sflag:$0x6], $0x40, s17, s10, $0xb8;
	[tilespmem:$0x14E60] =	vst v63  }
0x2d: {  	_ =	swait.ge [sflag:s9], $0x1400  }
0x2e: {  	[sflag:s9] =	ssyncset.done $0x0  }
0x2f: {  	s15 =	simm.s32 $0x190;
	[sflag:s9] =	ssyncadd.s32 $0xFFFFEC00  }
0x30: {  	[tilespmem:s11], [sflag:$0x1] =	stream.indirect.gather [hbm4b:s3+s10], $0x40, s15, s10, $0xb8;
	[tilespmem:$0x14E60] =	vst v63  }
0x31: {  	_ =	swait.ge [sflag:s22], $0x1400  }
0x32: {  	[sflag:s22] =	ssyncset.done $0x0  }
0x33: {  	s17 =	simm.s32 $0x2760;
	[sflag:s22] =	ssyncadd.s32 $0xFFFFEC00  }
0x34: {  	[spmem:s1] =	stream.indirect.scatter.add.f32 [tilespmem:s12], [sflag:$0x6], $0x40, s17, s10, $0xb8;
	[tilespmem:$0x14E60] =	vst v63  }
0x35: {  	_ =	swait.ge [sflag:s9], $0x1400  }
0x36: {  	[sflag:s9] =	ssyncset.done $0x0  }
0x37: {  	s15 =	simm.s32 $0x1E0;
	[sflag:s9] =	ssyncadd.s32 $0xFFFFEC00  }
0x38: {  	[tilespmem:s12], [sflag:$0x2] =	stream.indirect.gather [hbm4b:s3+s10], $0x40, s15, s10, $0xb8;
	[tilespmem:$0x14E60] =	vst v63  }
0x39: {  	_ =	swait.ge [sflag:s23], $0x1400  }
0x3a: {  	[sflag:s23] =	ssyncset.done $0x0  }
0x3b: {  	s17 =	simm.s32 $0x27B0;
	[sflag:s23] =	ssyncadd.s32 $0xFFFFEC00  }
0x3c: {  	[spmem:s1] =	stream.indirect.scatter.add.f32 [tilespmem:s14], [sflag:$0x6], $0x40, s17, s10, $0xb8;
	[tilespmem:$0x14E60] =	vst v63  }
0x3d: {  	_ =	swait.ge [sflag:s9], $0x1400  }
0x3e: {  	[sflag:s9] =	ssyncset.done $0x0  }
0x3f: {  	s15 =	simm.s32 $0x230;
	[sflag:s9] =	ssyncadd.s32 $0xFFFFEC00  }
0x40: {  	[tilespmem:s14], [sflag:$0x3] =	stream.indirect.gather [hbm4b:s3+s10], $0x40, s15, s10, $0xb8;
	[tilespmem:$0x14E60] =	vst v63  }
0x41: {  	_ =	swait.ge [sflag:s24], $0x1400  }
0x42: {  	[sflag:s24] =	ssyncset.done $0x0  }
0x43: {  	s17 =	simm.s32 $0x2800;
	[sflag:s24] =	ssyncadd.s32 $0xFFFFEC00  }
0x44: {  	[spmem:s1] =	stream.indirect.scatter.add.f32 [tilespmem:s16], [sflag:$0x6], $0x40, s17, s10, $0xb8;
	[tilespmem:$0x14E60] =	vst v63  }
0x45: {  	_ =	swait.ge [sflag:s9], $0x1400  }
0x46: {  	[sflag:s9] =	ssyncset.done $0x0  }
0x47: {  	s15 =	simm.s32 $0x280;
	[sflag:s9] =	ssyncadd.s32 $0xFFFFEC00  }
0x48: {  	[tilespmem:s16], [sflag:$0x4] =	stream.indirect.gather [hbm4b:s3+s10], $0x40, s15, s10, $0xb8;
	[tilespmem:$0x14E60] =	vst v63  }
0x49: {  	_ =	swait.ge [sflag:s25], $0x1400  }
0x4a: {  	[sflag:s25] =	ssyncset.done $0x0  }
0x4b: {  	s17 =	simm.s32 $0x2850;
	[sflag:s25] =	ssyncadd.s32 $0xFFFFEC00  }
0x4c: {  	[spmem:s1] =	stream.indirect.scatter.add.f32 [tilespmem:s18], [sflag:$0x6], $0x40, s17, s10, $0xb8;
	[tilespmem:$0x14E60] =	vst v63  }
0x4d: {  	_ =	swait.ge [sflag:s9], $0x1400  }
0x4e: {  	[sflag:s9] =	ssyncset.done $0x0  }
0x4f: {  	s13 =	simm.s32 $0x640;
	s15 =	simm.s32 $0x2D0;
	[sflag:s9] =	ssyncadd.s32 $0xFFFFEC00  }
.LBB2_2:
0x50: {  	[tilespmem:s18], [sflag:$0x5] =	stream.indirect.gather [hbm4b:s3+s10], $0x40, s15, s10, $0xb8;
	[tilespmem:$0x14E60] =	vst v63  }
0x51: {  	s15 =	smov.u32 s13  }
0x52: {  	p1 =	sne.s32 s13, $0x8FC0;
	s13 =	sadd.s32 $0x640, s13;
	_ =	swait.ge [sflag:s21], $0x1400  }
0x53: {  	s15 =	sshra.s32 s15, $0x2;
	[sflag:s21] =	ssyncset.done $0x0  }
0x54: {  	s17 =	sadd.s32 $0x2710, s15;
	[sflag:s21] =	ssyncadd.s32 $0xFFFFEC00  }
0x55: {  	[spmem:s1] =	stream.indirect.scatter.add.f32 [tilespmem:s11], [sflag:$0x6], $0x40, s17, s10, $0xb8;
	[tilespmem:$0x14E60] =	vst v63  }
0x56: {  	_ =	swait.ge [sflag:s9], $0x1400  }
0x57: {  	[sflag:s9] =	ssyncset.done $0x0  }
0x58: {  	s17 =	sadd.s32 $0x190, s15;
	[sflag:s9] =	ssyncadd.s32 $0xFFFFEC00  }
0x59: {  	[tilespmem:s11], [sflag:$0x1] =	stream.indirect.gather [hbm4b:s3+s10], $0x40, s17, s10, $0xb8;
	[tilespmem:$0x14E60] =	vst v63  }
0x5a: {  	_ =	swait.ge [sflag:s22], $0x1400  }
0x5b: {  	[sflag:s22] =	ssyncset.done $0x0  }
0x5c: {  	s17 =	sadd.s32 $0x2760, s15;
	[sflag:s22] =	ssyncadd.s32 $0xFFFFEC00  }
0x5d: {  	[spmem:s1] =	stream.indirect.scatter.add.f32 [tilespmem:s12], [sflag:$0x6], $0x40, s17, s10, $0xb8;
	[tilespmem:$0x14E60] =	vst v63  }
0x5e: {  	_ =	swait.ge [sflag:s9], $0x1400  }
0x5f: {  	[sflag:s9] =	ssyncset.done $0x0  }
0x60: {  	s17 =	sadd.s32 $0x1E0, s15;
	[sflag:s9] =	ssyncadd.s32 $0xFFFFEC00  }
0x61: {  	[tilespmem:s12], [sflag:$0x2] =	stream.indirect.gather [hbm4b:s3+s10], $0x40, s17, s10, $0xb8;
	[tilespmem:$0x14E60] =	vst v63  }
0x62: {  	_ =	swait.ge [sflag:s23], $0x1400  }
0x63: {  	[sflag:s23] =	ssyncset.done $0x0  }
0x64: {  	s17 =	sadd.s32 $0x27B0, s15;
	[sflag:s23] =	ssyncadd.s32 $0xFFFFEC00  }
0x65: {  	[spmem:s1] =	stream.indirect.scatter.add.f32 [tilespmem:s14], [sflag:$0x6], $0x40, s17, s10, $0xb8;
	[tilespmem:$0x14E60] =	vst v63  }
0x66: {  	_ =	swait.ge [sflag:s9], $0x1400  }
0x67: {  	[sflag:s9] =	ssyncset.done $0x0  }
0x68: {  	s17 =	sadd.s32 $0x230, s15;
	[sflag:s9] =	ssyncadd.s32 $0xFFFFEC00  }
0x69: {  	[tilespmem:s14], [sflag:$0x3] =	stream.indirect.gather [hbm4b:s3+s10], $0x40, s17, s10, $0xb8;
	[tilespmem:$0x14E60] =	vst v63  }
0x6a: {  	_ =	swait.ge [sflag:s24], $0x1400  }
0x6b: {  	[sflag:s24] =	ssyncset.done $0x0  }
0x6c: {  	s17 =	sadd.s32 $0x2800, s15;
	[sflag:s24] =	ssyncadd.s32 $0xFFFFEC00  }
0x6d: {  	[spmem:s1] =	stream.indirect.scatter.add.f32 [tilespmem:s16], [sflag:$0x6], $0x40, s17, s10, $0xb8;
	[tilespmem:$0x14E60] =	vst v63  }
0x6e: {  	_ =	swait.ge [sflag:s9], $0x1400  }
0x6f: {  	[sflag:s9] =	ssyncset.done $0x0  }
0x70: {  	s17 =	sadd.s32 $0x280, s15;
	[sflag:s9] =	ssyncadd.s32 $0xFFFFEC00  }
0x71: {  	[tilespmem:s16], [sflag:$0x4] =	stream.indirect.gather [hbm4b:s3+s10], $0x40, s17, s10, $0xb8;
	[tilespmem:$0x14E60] =	vst v63  }
0x72: {  	_ =	swait.ge [sflag:s25], $0x1400  }
0x73: {  	[sflag:s25] =	ssyncset.done $0x0  }
.Ltmp0:
0x74: {  	s17 =	sadd.s32 $0x2850, s15;
	[sflag:s25] =	ssyncadd.s32 $0xFFFFEC00;
	(pc) =	sbr.rel @p1 .LBB2_2-.Ltmp0, $4  }
0x75: {  	[spmem:s1] =	stream.indirect.scatter.add.f32 [tilespmem:s18], [sflag:$0x6], $0x40, s17, s10, $0xb8;
	[tilespmem:$0x14E60] =	vst v63  }
0x76: {  	_ =	swait.ge [sflag:s9], $0x1400  }
0x77: {  	[sflag:s9] =	ssyncset.done $0x0  }
0x78: {  	s15 =	sadd.s32 $0x2D0, s15;
	[sflag:s9] =	ssyncadd.s32 $0xFFFFEC00  }
0x79: {  	[tilespmem:s18], [sflag:$0x5] =	stream.indirect.gather [hbm4b:s3+s10], $0x40, s15, s10, $0xb8;
	[tilespmem:$0x14E60] =	vst v63  }
0x7a: {  	_ =	swait.ge [sflag:s21], $0x1400  }
0x7b: {  	[sflag:s21] =	ssyncset.done $0x0  }
0x7c: {  	[sflag:s21] =	ssyncadd.s32 $0xFFFFEC00  }
0x7d: {  	[spmem:s1] =	stream.indirect.scatter.add.f32 [tilespmem:s11], [sflag:$0x6], $0x40, s26, s10, $0xb8;
	[tilespmem:$0x14E60] =	vst v63  }
0x7e: {  	_ =	swait.ge [sflag:s9], $0x1400  }
0x7f: {  	[sflag:s9] =	ssyncset.done $0x0  }
0x80: {  	[sflag:s9] =	ssyncadd.s32 $0xFFFFEC00  }
0x81: {  	_ =	swait.ge [sflag:s22], $0x1400  }
0x82: {  	[sflag:s22] =	ssyncset.done $0x0  }
0x83: {  	[sflag:s22] =	ssyncadd.s32 $0xFFFFEC00  }
0x84: {  	[spmem:s1] =	stream.indirect.scatter.add.f32 [tilespmem:s12], [sflag:$0x6], $0x40, s28, s10, $0xb8;
	[tilespmem:$0x14E60] =	vst v63  }
0x85: {  	_ =	swait.ge [sflag:s9], $0x1400  }
0x86: {  	[sflag:s9] =	ssyncset.done $0x0  }
0x87: {  	[sflag:s9] =	ssyncadd.s32 $0xFFFFEC00  }
0x88: {  	_ =	swait.ge [sflag:s23], $0x1400  }
0x89: {  	[sflag:s23] =	ssyncset.done $0x0  }
0x8a: {  	[sflag:s23] =	ssyncadd.s32 $0xFFFFEC00  }
0x8b: {  	[spmem:s1] =	stream.indirect.scatter.add.f32 [tilespmem:s14], [sflag:$0x6], $0x40, s29, s10, $0xb8;
	[tilespmem:$0x14E60] =	vst v63  }
0x8c: {  	_ =	swait.ge [sflag:s9], $0x1400  }
0x8d: {  	[sflag:s9] =	ssyncset.done $0x0  }
0x8e: {  	[sflag:s9] =	ssyncadd.s32 $0xFFFFEC00  }
0x8f: {  	_ =	swait.ge [sflag:s24], $0x1400  }
0x90: {  	[sflag:s24] =	ssyncset.done $0x0  }
0x91: {  	[sflag:s24] =	ssyncadd.s32 $0xFFFFEC00  }
0x92: {  	[spmem:s1] =	stream.indirect.scatter.add.f32 [tilespmem:s16], [sflag:$0x6], $0x40, s30, s10, $0xb8;
	[tilespmem:$0x14E60] =	vst v63  }
0x93: {  	_ =	swait.ge [sflag:s9], $0x1400  }
0x94: {  	[sflag:s9] =	ssyncset.done $0x0  }
0x95: {  	[sflag:s9] =	ssyncadd.s32 $0xFFFFEC00  }
0x96: {  	_ =	swait.ge [sflag:s25], $0x1400  }
0x97: {  	[sflag:s25] =	ssyncset.done $0x0  }
0x98: {  	[sflag:s25] =	ssyncadd.s32 $0xFFFFEC00  }
0x99: {  	[spmem:s1] =	stream.indirect.scatter.add.f32 [tilespmem:s18], [sflag:$0x6], $0x40, s31, s10, $0xb8;
	[tilespmem:$0x14E60] =	vst v63  }
0x9a: {  	_ =	swait.ge [sflag:s9], $0x1400  }
0x9b: {  	[sflag:s9] =	ssyncset.done $0x0  }
0x9c: {  	s0 =	sadd.s32 $0x1, s0;
	[sflag:s9] =	ssyncadd.s32 $0xFFFFEC00  }
0x9d: {  	s13 =	simm.s32 @!p0 $0x1C06;
	p1 =	sne.s32 s0, s8;
	[bflag:$0x0] =	sbarrier.arrive $0xFFFF  }
0x9e: {  	[hbm:s7], [sflag:s13] =	dma.local @!p0 [spmem:s20], $0x13880  }
.Ltmp1:
0x9f: {  	_ = 	snop;
	(pc) =	sbr.rel @p1 .LBB2_1-.Ltmp1, $4  }
0xa0: {  	s13 =	simm.s32 @!p0 $0x6  }
0xa1: {  	_ =	swait.ge @!p0 [sflag:s13], $0x13880  }
0xa2: {  	[sflag:s13] =	ssyncset.done @!p0 $0x0  }
0xa3: {  	[sflag:s13] =	ssyncadd.s32 @!p0 $0xFFFEC780  }
0xa4: {  	_ =	sfence.sel $0x180000  }
0xa5: {  	[bflag:$0x0] =	sbarrier.arrive $0xFFFF  }
0xa6: {  	_ =	strace $0x90000047  }
0xa7: {  	[bflag:$0x2] =	sbarrier.arrive $0xFFFF  }
0xa8: {  	s0 =	rddreg [dreg:$0x2]  }
0xa9: {  	s0 =	sadd.s32 @!p0 $0x100000, s0  }
0xaa: {  	[sflag:s0] =	ssyncadd.tile.s32 @!p0 $0x1;
	_ =	shalt  }
.Lfunc_end2:
_tile_overlayer_lowered:
.L_overlay_start_2:
0xab: {  	(tag) =	ssettag $0x2  }
0xac: {  	s0 =	rddreg [dreg:$0x0];
	s2 =	stileid.u32  }
0xad: {  	s1 =	rddreg [dreg:$0x1];
	p0 =	sne.s32 s2, $0x0  }
0xae: {  	s3 =	rddreg [dreg:$0x2];
	[bflag:$0x3] =	sbarrier.arrive $0xFFFF;
	s2 =	simm.s32 @!p0 $0x1C06  }
0xaf: {  	[timem:s3], [sflag:s2] =	dma.local @!p0 [hbm:s0], s1  }
0xb0: {  	s0 =	simm.s32 @!p0 $0x6  }
0xb1: {  	_ =	swait.ge @!p0 [sflag:s0], s1  }
0xb2: {  	s1 =	ssub.s32 @!p0 $0x0, s1;
	[sflag:s0] =	ssyncset.done @!p0 $0x0  }
0xb3: {  	[sflag:s0] =	ssyncadd.s32 @!p0 s1  }
0xb4: {  	[bflag:$0x3] =	sbarrier.arrive $0xFFFF  }
0xb5: {  	_ =	shalt  }

</sc_bundles>
